<compile_context>
chip_gen: v7x
topology: tpu7x:2x2x1
jax: 0.10.2.dev20260603
libtpu: 0.0.44.dev20260713+nightly
codegen_flags: <defaults>
</compile_context>

<pallas_src>
import functools

import jax
import jax.numpy as jnp
from jax import lax
from jax.experimental import pallas as pl
from jax.experimental.pallas import tpu as pltpu
from jax.experimental.pallas import tpu_sc as plsc

_NC, _NS = 2, 16
_NW = _NC * _NS
_G = 128
_CB = 2
_L = 16


def kernel(input_ids, word_table, pos_table):
    B, S = input_ids.shape
    V, D = word_table.shape
    N = B * S
    NBLK = N // _G
    PBLK = S // _G
    R = _CB * _G
    assert _NW * R == S
    niter = B

    pos_r = pos_table.reshape(PBLK, _G, D)

    mesh = plsc.VectorSubcoreMesh(core_axis_name="c", subcore_axis_name="s")

    scratch = (
        [pltpu.VMEM((R,), jnp.int32) for _ in range(niter)]
        + [pltpu.VMEM((_CB, _G, D), jnp.float32) for _ in range(2)]
        + [pltpu.VMEM((_CB, _G, D), jnp.float32)]
        + [pltpu.SemaphoreType.DMA for _ in range(niter + 2 + 2 + 1)]
    )

    @functools.partial(
        pl.kernel,
        out_type=jax.ShapeDtypeStruct((B, S, D), jnp.float32),
        mesh=mesh,
        scratch_types=scratch,
    )
    def emb(ids_hbm, wt_hbm, pt_hbm, out_hbm, *sc):
        idx_bufs = sc[0:niter]
        row_bufs = sc[niter:niter + 2]
        pos_buf = sc[niter + 2]
        lsems = sc[niter + 3:2 * niter + 3]
        gsems = sc[2 * niter + 3:2 * niter + 5]
        osems = sc[2 * niter + 5:2 * niter + 7]
        psem = sc[2 * niter + 7]

        wid = lax.axis_index("s") * _NC + lax.axis_index("c")
        pblk0 = wid * _CB

        idxd = [
            pltpu.async_copy(ids_hbm.at[c, pl.ds(pblk0 * _G, R)],
                             idx_bufs[c], lsems[c])
            for c in range(niter)
        ]
        posd = pltpu.async_copy(pt_hbm.at[pl.ds(pblk0, _CB)], pos_buf, psem)

        def start_gathers(i):
            b = i % 2
            return [
                pltpu.async_copy(wt_hbm.at[idx_bufs[i].at[pl.ds(k * _G, _G)]],
                                 row_bufs[b].at[k], gsems[b])
                for k in range(_CB)
            ]

        def add_pos_block(i, blkk):
            b = i % 2

            @plsc.parallel_loop(0, _G, unroll=4)
            def body(r):
                for c0 in range(0, D, _L):
                    v = pos_buf[blkk, r, pl.ds(c0, _L)]
                    plsc.addupdate(
                        row_bufs[b].at[blkk, r, pl.ds(c0, _L)], v)

        gath, stores = {}, {}
        idxd[0].wait()
        gath[0] = start_gathers(0)

        for i in range(niter):
            b = i % 2
            if i + 1 < niter:
                idxd[i + 1].wait()
                if i >= 1:
                    for d in stores[i - 1]:
                        d.wait()
                gath[i + 1] = start_gathers(i + 1)
            if i == 0:
                posd.wait()
            blk_stores = []
            for k in range(_CB):
                gath[i][k].wait()
                add_pos_block(i, k)
                blk_stores.append(pltpu.async_copy(
                    row_bufs[b].at[k],
                    out_hbm.at[i, pl.ds((pblk0 + k) * _G, _G)], osems[b]))
            stores[i] = blk_stores

        for i in range(max(0, niter - 2), niter):
            for d in stores[i]:
                d.wait()

    return emb(input_ids, word_table, pos_r)

# --- scband reference (transcript-rebuilt; emitter-appended) ---
"""Pipeline reference for scband-parallel-gpt2-embeddings-86088324481691 (READ-ONLY COPY).

The authoritative reference and input builder live on the scoring server;
editing this copy changes nothing except your own understanding.
"""

import jax, jax.numpy as jnp
import numpy as np

VOCAB = 1000000
EMBED_DIM = 128
MAX_POS = 8192
BATCH = 4
SEQLEN = 8192

def setup_inputs(seed: int = 0) -> dict:
    key = jax.random.key(seed)
    k1, k2, k3 = jax.random.split(key, 3)
    input_ids = jax.random.randint(k1, (BATCH, SEQLEN), 0, VOCAB, dtype=jnp.int64 if jax.config.jax_enable_x64 else jnp.int32).astype(jnp.int32)
    word_table = (jax.random.normal(k2, (VOCAB, EMBED_DIM), dtype=jnp.float32) * 0.02)
    pos_table = (jax.random.normal(k3, (MAX_POS, EMBED_DIM), dtype=jnp.float32) * 0.02)
    return {"input_ids": input_ids, "word_table": word_table, "pos_table": pos_table}

def reference(input_ids, word_table, pos_table):
    # world_size == 1 path of ParallelGPT2Embeddings.forward
    batch_size, seqlen = input_ids.shape
    embeddings = jnp.take(word_table, input_ids, axis=0)  # (B, S, D)
    position_ids = jnp.arange(seqlen, dtype=jnp.int32)
    position_embeddings = jnp.take(pos_table, position_ids, axis=0)  # (S, D)
    embeddings = embeddings + position_embeddings[None, :, :]
    return embeddings

if __name__ == "__main__":
    import jax
    _d = setup_inputs()
    print(jax.jit(kernel)(*tuple(_d.values())))

</pallas_src>

<mosaic_0001>
#map = affine_map<(d0, d1) -> (0, 0)>
#map1 = affine_map<(d0, d1) -> (0, 0, 0)>
module attributes {stable_mosaic.version = 14 : i64} {
  func.func @emb(%arg0: i32, %arg1: i32, %arg2: memref<4x8192xi32, #tpu.memory_space<hbm>>, %arg3: memref<1000000x128xf32, #tpu.memory_space<hbm>>, %arg4: memref<64x128x128xf32, #tpu.memory_space<hbm>>, %arg5: memref<4x8192x128xf32, #tpu.memory_space<hbm>>, %arg6: memref<256xi32, #tpu.memory_space<vmem>>, %arg7: memref<256xi32, #tpu.memory_space<vmem>>, %arg8: memref<256xi32, #tpu.memory_space<vmem>>, %arg9: memref<256xi32, #tpu.memory_space<vmem>>, %arg10: memref<2x128x128xf32, #tpu.memory_space<vmem>>, %arg11: memref<2x128x128xf32, #tpu.memory_space<vmem>>, %arg12: memref<2x128x128xf32, #tpu.memory_space<vmem>>, %arg13: memref<!tpu.dma_semaphore, #tpu.memory_space<semaphore_mem>>, %arg14: memref<!tpu.dma_semaphore, #tpu.memory_space<semaphore_mem>>, %arg15: memref<!tpu.dma_semaphore, #tpu.memory_space<semaphore_mem>>, %arg16: memref<!tpu.dma_semaphore, #tpu.memory_space<semaphore_mem>>, %arg17: memref<!tpu.dma_semaphore, #tpu.memory_space<semaphore_mem>>, %arg18: memref<!tpu.dma_semaphore, #tpu.memory_space<semaphore_mem>>, %arg19: memref<!tpu.dma_semaphore, #tpu.memory_space<semaphore_mem>>, %arg20: memref<!tpu.dma_semaphore, #tpu.memory_space<semaphore_mem>>, %arg21: memref<!tpu.dma_semaphore, #tpu.memory_space<semaphore_mem>>) attributes {dimension_semantics = [#tpu.dimension_semantics<core_parallel>, #tpu.dimension_semantics<subcore_parallel>], iteration_bounds = array<i64: 2, 16>, scalar_prefetch = 0 : i64, scratch_operands = 16 : i64, tpu.core_type = #tpu.core_type<sc_vector_subcore>, window_params = [{transform_indices = #map}, {transform_indices = #map}, {transform_indices = #map1}, {transform_indices = #map1}]} {
    %mul3A = arith.constant 2 : i32
    %mul3A_0 = arith.muli %arg1, %mul3A : i32
    %add3A = arith.addi %mul3A_0, %arg0 : i32
    %mul3A_1 = arith.constant 2 : i32
    %mul3A_2 = arith.muli %add3A, %mul3A_1 : i32
    %mul3A_3 = arith.constant 128 : i32
    %mul3A_4 = arith.muli %mul3A_2, %mul3A_3 : i32
    %dma_start3A = arith.constant 0 : i32
    %dma_start3A_5 = tpu.memref_slice %arg2[%dma_start3A, %mul3A_4] : memref<4x8192xi32, #tpu.memory_space<hbm>> -> memref<1x256xi32, #tpu.memory_space<hbm>>
    %dma_start3A_6 = tpu.memref_squeeze %dma_start3A_5 : memref<1x256xi32, #tpu.memory_space<hbm>> -> memref<256xi32, #tpu.memory_space<hbm>>
    %dma_start3A_7 = tpu.memref_slice %arg2[%dma_start3A, %mul3A_4] : memref<4x8192xi32, #tpu.memory_space<hbm>> -> memref<1x256xi32, #tpu.memory_space<hbm>>
    %dma_start3A_8 = tpu.memref_squeeze %dma_start3A_7 : memref<1x256xi32, #tpu.memory_space<hbm>> -> memref<256xi32, #tpu.memory_space<hbm>>
    tpu.enqueue_dma source(%dma_start3A_8 : memref<256xi32, #tpu.memory_space<hbm>>) target(%arg6 : memref<256xi32, #tpu.memory_space<vmem>>) target_semaphore(%arg13 : memref<!tpu.dma_semaphore, #tpu.memory_space<semaphore_mem>>)
    %mul3A_9 = arith.constant 128 : i32
    %mul3A_10 = arith.muli %mul3A_2, %mul3A_9 : i32
    %dma_start3A_11 = arith.constant 1 : i32
    %dma_start3A_12 = tpu.memref_slice %arg2[%dma_start3A_11, %mul3A_10] : memref<4x8192xi32, #tpu.memory_space<hbm>> -> memref<1x256xi32, #tpu.memory_space<hbm>>
    %dma_start3A_13 = tpu.memref_squeeze %dma_start3A_12 : memref<1x256xi32, #tpu.memory_space<hbm>> -> memref<256xi32, #tpu.memory_space<hbm>>
    %dma_start3A_14 = tpu.memref_slice %arg2[%dma_start3A_11, %mul3A_10] : memref<4x8192xi32, #tpu.memory_space<hbm>> -> memref<1x256xi32, #tpu.memory_space<hbm>>
    %dma_start3A_15 = tpu.memref_squeeze %dma_start3A_14 : memref<1x256xi32, #tpu.memory_space<hbm>> -> memref<256xi32, #tpu.memory_space<hbm>>
    tpu.enqueue_dma source(%dma_start3A_15 : memref<256xi32, #tpu.memory_space<hbm>>) target(%arg7 : memref<256xi32, #tpu.memory_space<vmem>>) target_semaphore(%arg14 : memref<!tpu.dma_semaphore, #tpu.memory_space<semaphore_mem>>)
    %mul3A_16 = arith.constant 128 : i32
    %mul3A_17 = arith.muli %mul3A_2, %mul3A_16 : i32
    %dma_start3A_18 = arith.constant 2 : i32
    %dma_start3A_19 = tpu.memref_slice %arg2[%dma_start3A_18, %mul3A_17] : memref<4x8192xi32, #tpu.memory_space<hbm>> -> memref<1x256xi32, #tpu.memory_space<hbm>>
    %dma_start3A_20 = tpu.memref_squeeze %dma_start3A_19 : memref<1x256xi32, #tpu.memory_space<hbm>> -> memref<256xi32, #tpu.memory_space<hbm>>
    %dma_start3A_21 = tpu.memref_slice %arg2[%dma_start3A_18, %mul3A_17] : memref<4x8192xi32, #tpu.memory_space<hbm>> -> memref<1x256xi32, #tpu.memory_space<hbm>>
    %dma_start3A_22 = tpu.memref_squeeze %dma_start3A_21 : memref<1x256xi32, #tpu.memory_space<hbm>> -> memref<256xi32, #tpu.memory_space<hbm>>
    tpu.enqueue_dma source(%dma_start3A_22 : memref<256xi32, #tpu.memory_space<hbm>>) target(%arg8 : memref<256xi32, #tpu.memory_space<vmem>>) target_semaphore(%arg15 : memref<!tpu.dma_semaphore, #tpu.memory_space<semaphore_mem>>)
    %mul3A_23 = arith.constant 128 : i32
    %mul3A_24 = arith.muli %mul3A_2, %mul3A_23 : i32
    %dma_start3A_25 = arith.constant 3 : i32
    %dma_start3A_26 = tpu.memref_slice %arg2[%dma_start3A_25, %mul3A_24] : memref<4x8192xi32, #tpu.memory_space<hbm>> -> memref<1x256xi32, #tpu.memory_space<hbm>>
    %dma_start3A_27 = tpu.memref_squeeze %dma_start3A_26 : memref<1x256xi32, #tpu.memory_space<hbm>> -> memref<256xi32, #tpu.memory_space<hbm>>
    %dma_start3A_28 = tpu.memref_slice %arg2[%dma_start3A_25, %mul3A_24] : memref<4x8192xi32, #tpu.memory_space<hbm>> -> memref<1x256xi32, #tpu.memory_space<hbm>>
    %dma_start3A_29 = tpu.memref_squeeze %dma_start3A_28 : memref<1x256xi32, #tpu.memory_space<hbm>> -> memref<256xi32, #tpu.memory_space<hbm>>
    tpu.enqueue_dma source(%dma_start3A_29 : memref<256xi32, #tpu.memory_space<hbm>>) target(%arg9 : memref<256xi32, #tpu.memory_space<vmem>>) target_semaphore(%arg16 : memref<!tpu.dma_semaphore, #tpu.memory_space<semaphore_mem>>)
    %dma_start3A_30 = arith.constant 0 : i32
    %dma_start3A_31 = arith.constant 0 : i32
    %dma_start3A_32 = tpu.memref_slice %arg4[%mul3A_2, %dma_start3A_30, %dma_start3A_31] : memref<64x128x128xf32, #tpu.memory_space<hbm>> -> memref<2x128x128xf32, #tpu.memory_space<hbm>>
    %dma_start3A_33 = arith.constant 0 : i32
    %dma_start3A_34 = arith.constant 0 : i32
    %dma_start3A_35 = tpu.memref_slice %arg4[%mul3A_2, %dma_start3A_33, %dma_start3A_34] : memref<64x128x128xf32, #tpu.memory_space<hbm>> -> memref<2x128x128xf32, #tpu.memory_space<hbm>>
    tpu.enqueue_dma source(%dma_start3A_35 : memref<2x128x128xf32, #tpu.memory_space<hbm>>) target(%arg12 : memref<2x128x128xf32, #tpu.memory_space<vmem>>) target_semaphore(%arg21 : memref<!tpu.dma_semaphore, #tpu.memory_space<semaphore_mem>>)
    %dma_wait3A = arith.constant 0 : i32
    %dma_wait3A_36 = tpu.memref_slice %arg2[%dma_wait3A, %mul3A_4] : memref<4x8192xi32, #tpu.memory_space<hbm>> -> memref<1x256xi32, #tpu.memory_space<hbm>>
    %dma_wait3A_37 = tpu.memref_squeeze %dma_wait3A_36 : memref<1x256xi32, #tpu.memory_space<hbm>> -> memref<256xi32, #tpu.memory_space<hbm>>
    %dma_wait3A_38 = tpu.memref_slice %arg2[%dma_wait3A, %mul3A_4] : memref<4x8192xi32, #tpu.memory_space<hbm>> -> memref<1x256xi32, #tpu.memory_space<hbm>>
    %dma_wait3A_39 = tpu.memref_squeeze %dma_wait3A_38 : memref<1x256xi32, #tpu.memory_space<hbm>> -> memref<256xi32, #tpu.memory_space<hbm>>
    tpu.wait_dma2 semaphore(%arg13 : memref<!tpu.dma_semaphore, #tpu.memory_space<semaphore_mem>>) src(%dma_wait3A_39 : memref<256xi32, #tpu.memory_space<hbm>>) dst(%arg6 : memref<256xi32, #tpu.memory_space<vmem>>)
    %dma_start3A_40 = arith.constant 0 : i32
    %dma_start3A_41 = arith.constant 0 : i32
    %dma_start3A_42 = arith.constant 0 : i32
    %dma_start3A_43 = tpu.memref_slice %arg10[%dma_start3A_40, %dma_start3A_41, %dma_start3A_42] : memref<2x128x128xf32, #tpu.memory_space<vmem>> -> memref<1x128x128xf32, #tpu.memory_space<vmem>>
    %dma_start3A_44 = tpu.memref_squeeze %dma_start3A_43 : memref<1x128x128xf32, #tpu.memory_space<vmem>> -> memref<128x128xf32, #tpu.memory_space<vmem>>
    %dma_start3A_45 = arith.constant 0 : i32
    %dma_start3A_46 = tpu.memref_slice %arg6[%dma_start3A_45] : memref<256xi32, #tpu.memory_space<vmem>> -> memref<128xi32, #tpu.memory_space<vmem>>
    %dma_start3A_47 = arith.constant 0 : i32
    %dma_start3A_48 = arith.constant 0 : i32
    %dma_start3A_49 = tpu.memref_slice %arg3[%dma_start3A_47, %dma_start3A_48] : memref<1000000x128xf32, #tpu.memory_space<hbm>> -> memref<1000000x128xf32, #tpu.memory_space<hbm>>
    tpu.enqueue_indirect_dma source(%dma_start3A_49 : memref<1000000x128xf32, #tpu.memory_space<hbm>>) target(%dma_start3A_44 : memref<128x128xf32, #tpu.memory_space<vmem>>) offsets(%dma_start3A_46 : memref<128xi32, #tpu.memory_space<vmem>>) semaphore(%arg17 : memref<!tpu.dma_semaphore, #tpu.memory_space<semaphore_mem>>)
    %dma_start3A_50 = arith.constant 1 : i32
    %dma_start3A_51 = arith.constant 0 : i32
    %dma_start3A_52 = arith.constant 0 : i32
    %dma_start3A_53 = tpu.memref_slice %arg10[%dma_start3A_50, %dma_start3A_51, %dma_start3A_52] : memref<2x128x128xf32, #tpu.memory_space<vmem>> -> memref<1x128x128xf32, #tpu.memory_space<vmem>>
    %dma_start3A_54 = tpu.memref_squeeze %dma_start3A_53 : memref<1x128x128xf32, #tpu.memory_space<vmem>> -> memref<128x128xf32, #tpu.memory_space<vmem>>
    %dma_start3A_55 = arith.constant 128 : i32
    %dma_start3A_56 = tpu.memref_slice %arg6[%dma_start3A_55] : memref<256xi32, #tpu.memory_space<vmem>> -> memref<128xi32, #tpu.memory_space<vmem>>
    %dma_start3A_57 = arith.constant 0 : i32
    %dma_start3A_58 = arith.constant 0 : i32
    %dma_start3A_59 = tpu.memref_slice %arg3[%dma_start3A_57, %dma_start3A_58] : memref<1000000x128xf32, #tpu.memory_space<hbm>> -> memref<1000000x128xf32, #tpu.memory_space<hbm>>
    tpu.enqueue_indirect_dma source(%dma_start3A_59 : memref<1000000x128xf32, #tpu.memory_space<hbm>>) target(%dma_start3A_54 : memref<128x128xf32, #tpu.memory_space<vmem>>) offsets(%dma_start3A_56 : memref<128xi32, #tpu.memory_space<vmem>>) semaphore(%arg17 : memref<!tpu.dma_semaphore, #tpu.memory_space<semaphore_mem>>)
    %dma_wait3A_60 = arith.constant 1 : i32
    %dma_wait3A_61 = tpu.memref_slice %arg2[%dma_wait3A_60, %mul3A_10] : memref<4x8192xi32, #tpu.memory_space<hbm>> -> memref<1x256xi32, #tpu.memory_space<hbm>>
    %dma_wait3A_62 = tpu.memref_squeeze %dma_wait3A_61 : memref<1x256xi32, #tpu.memory_space<hbm>> -> memref<256xi32, #tpu.memory_space<hbm>>
    %dma_wait3A_63 = tpu.memref_slice %arg2[%dma_wait3A_60, %mul3A_10] : memref<4x8192xi32, #tpu.memory_space<hbm>> -> memref<1x256xi32, #tpu.memory_space<hbm>>
    %dma_wait3A_64 = tpu.memref_squeeze %dma_wait3A_63 : memref<1x256xi32, #tpu.memory_space<hbm>> -> memref<256xi32, #tpu.memory_space<hbm>>
    tpu.wait_dma2 semaphore(%arg14 : memref<!tpu.dma_semaphore, #tpu.memory_space<semaphore_mem>>) src(%dma_wait3A_64 : memref<256xi32, #tpu.memory_space<hbm>>) dst(%arg7 : memref<256xi32, #tpu.memory_space<vmem>>)
    %dma_start3A_65 = arith.constant 0 : i32
    %dma_start3A_66 = arith.constant 0 : i32
    %dma_start3A_67 = arith.constant 0 : i32
    %dma_start3A_68 = tpu.memref_slice %arg11[%dma_start3A_65, %dma_start3A_66, %dma_start3A_67] : memref<2x128x128xf32, #tpu.memory_space<vmem>> -> memref<1x128x128xf32, #tpu.memory_space<vmem>>
    %dma_start3A_69 = tpu.memref_squeeze %dma_start3A_68 : memref<1x128x128xf32, #tpu.memory_space<vmem>> -> memref<128x128xf32, #tpu.memory_space<vmem>>
    %dma_start3A_70 = arith.constant 0 : i32
    %dma_start3A_71 = tpu.memref_slice %arg7[%dma_start3A_70] : memref<256xi32, #tpu.memory_space<vmem>> -> memref<128xi32, #tpu.memory_space<vmem>>
    %dma_start3A_72 = arith.constant 0 : i32
    %dma_start3A_73 = arith.constant 0 : i32
    %dma_start3A_74 = tpu.memref_slice %arg3[%dma_start3A_72, %dma_start3A_73] : memref<1000000x128xf32, #tpu.memory_space<hbm>> -> memref<1000000x128xf32, #tpu.memory_space<hbm>>
    tpu.enqueue_indirect_dma source(%dma_start3A_74 : memref<1000000x128xf32, #tpu.memory_space<hbm>>) target(%dma_start3A_69 : memref<128x128xf32, #tpu.memory_space<vmem>>) offsets(%dma_start3A_71 : memref<128xi32, #tpu.memory_space<vmem>>) semaphore(%arg18 : memref<!tpu.dma_semaphore, #tpu.memory_space<semaphore_mem>>)
    %dma_start3A_75 = arith.constant 1 : i32
    %dma_start3A_76 = arith.constant 0 : i32
    %dma_start3A_77 = arith.constant 0 : i32
    %dma_start3A_78 = tpu.memref_slice %arg11[%dma_start3A_75, %dma_start3A_76, %dma_start3A_77] : memref<2x128x128xf32, #tpu.memory_space<vmem>> -> memref<1x128x128xf32, #tpu.memory_space<vmem>>
    %dma_start3A_79 = tpu.memref_squeeze %dma_start3A_78 : memref<1x128x128xf32, #tpu.memory_space<vmem>> -> memref<128x128xf32, #tpu.memory_space<vmem>>
    %dma_start3A_80 = arith.constant 128 : i32
    %dma_start3A_81 = tpu.memref_slice %arg7[%dma_start3A_80] : memref<256xi32, #tpu.memory_space<vmem>> -> memref<128xi32, #tpu.memory_space<vmem>>
    %dma_start3A_82 = arith.constant 0 : i32
    %dma_start3A_83 = arith.constant 0 : i32
    %dma_start3A_84 = tpu.memref_slice %arg3[%dma_start3A_82, %dma_start3A_83] : memref<1000000x128xf32, #tpu.memory_space<hbm>> -> memref<1000000x128xf32, #tpu.memory_space<hbm>>
    tpu.enqueue_indirect_dma source(%dma_start3A_84 : memref<1000000x128xf32, #tpu.memory_space<hbm>>) target(%dma_start3A_79 : memref<128x128xf32, #tpu.memory_space<vmem>>) offsets(%dma_start3A_81 : memref<128xi32, #tpu.memory_space<vmem>>) semaphore(%arg18 : memref<!tpu.dma_semaphore, #tpu.memory_space<semaphore_mem>>)
    %dma_wait3A_85 = arith.constant 0 : i32
    %dma_wait3A_86 = arith.constant 0 : i32
    %dma_wait3A_87 = tpu.memref_slice %arg4[%mul3A_2, %dma_wait3A_85, %dma_wait3A_86] : memref<64x128x128xf32, #tpu.memory_space<hbm>> -> memref<2x128x128xf32, #tpu.memory_space<hbm>>
    %dma_wait3A_88 = arith.constant 0 : i32
    %dma_wait3A_89 = arith.constant 0 : i32
    %dma_wait3A_90 = tpu.memref_slice %arg4[%mul3A_2, %dma_wait3A_88, %dma_wait3A_89] : memref<64x128x128xf32, #tpu.memory_space<hbm>> -> memref<2x128x128xf32, #tpu.memory_space<hbm>>
    tpu.wait_dma2 semaphore(%arg21 : memref<!tpu.dma_semaphore, #tpu.memory_space<semaphore_mem>>) src(%dma_wait3A_90 : memref<2x128x128xf32, #tpu.memory_space<hbm>>) dst(%arg12 : memref<2x128x128xf32, #tpu.memory_space<vmem>>)
    %dma_wait3A_91 = arith.constant 0 : i32
    %dma_wait3A_92 = arith.constant 0 : i32
    %dma_wait3A_93 = arith.constant 0 : i32
    %dma_wait3A_94 = tpu.memref_slice %arg10[%dma_wait3A_91, %dma_wait3A_92, %dma_wait3A_93] : memref<2x128x128xf32, #tpu.memory_space<vmem>> -> memref<1x128x128xf32, #tpu.memory_space<vmem>>
    %dma_wait3A_95 = tpu.memref_squeeze %dma_wait3A_94 : memref<1x128x128xf32, #tpu.memory_space<vmem>> -> memref<128x128xf32, #tpu.memory_space<vmem>>
    %dma_wait3A_96 = arith.constant 0 : i32
    %dma_wait3A_97 = tpu.memref_slice %arg6[%dma_wait3A_96] : memref<256xi32, #tpu.memory_space<vmem>> -> memref<128xi32, #tpu.memory_space<vmem>>
    %dma_wait3A_98 = arith.constant 0 : i32
    %dma_wait3A_99 = arith.constant 0 : i32
    %dma_wait3A_100 = tpu.memref_slice %arg3[%dma_wait3A_98, %dma_wait3A_99] : memref<1000000x128xf32, #tpu.memory_space<hbm>> -> memref<1000000x128xf32, #tpu.memory_space<hbm>>
    tpu.wait_indirect_dma semaphore(%arg17 : memref<!tpu.dma_semaphore, #tpu.memory_space<semaphore_mem>>) src(%dma_wait3A_100 : memref<1000000x128xf32, #tpu.memory_space<hbm>>) dst(%dma_wait3A_95 : memref<128x128xf32, #tpu.memory_space<vmem>>)
    %parallel_loop3A = arith.constant 0 : i32
    %parallel_loop3A_101 = arith.constant 128 : i32
    %parallel_loop3A_102 = arith.constant 1 : i32
    scf.for %parallel_loop3A_532 = %parallel_loop3A to %parallel_loop3A_101 step %parallel_loop3A_102  : i32 {
      %parallel_loop3A_533 = arith.constant 0 : i32
      %parallel_loop3A_534 = arith.index_cast %parallel_loop3A_533 : i32 to index
      %parallel_loop3A_535 = arith.index_cast %parallel_loop3A_532 : i32 to index
      %parallel_loop3A_536 = arith.constant 0 : index
      %parallel_loop3A_537 = tpu.vector_load %arg12[%parallel_loop3A_534, %parallel_loop3A_535, %parallel_loop3A_536] {strides = array<i32>} : memref<2x128x128xf32, #tpu.memory_space<vmem>>, vector<1x1x16xf32>,
      %parallel_loop3A_538 = vector.shape_cast %parallel_loop3A_537 : vector<1x1x16xf32> to vector<16xf32>
      %parallel_loop3A_539 = arith.constant 0 : i32
      %parallel_loop3A_540 = arith.index_cast %parallel_loop3A_539 : i32 to index
      %parallel_loop3A_541 = arith.index_cast %parallel_loop3A_532 : i32 to index
      %parallel_loop3A_542 = arith.constant 0 : index
      %parallel_loop3A_543 = tpu.vector_load %arg10[%parallel_loop3A_540, %parallel_loop3A_541, %parallel_loop3A_542] {strides = array<i32>} : memref<2x128x128xf32, #tpu.memory_space<vmem>>, vector<1x1x16xf32>,
      %parallel_loop3A_544 = vector.shape_cast %parallel_loop3A_543 : vector<1x1x16xf32> to vector<16xf32>
      %parallel_loop3A_545 = vector.shape_cast %parallel_loop3A_538 : vector<16xf32> to vector<1x1x16xf32>
      tpu.vector_store %arg10[%parallel_loop3A_540, %parallel_loop3A_541, %parallel_loop3A_542], %parallel_loop3A_545 {add = true, strides = array<i32>} : memref<2x128x128xf32, #tpu.memory_space<vmem>>, vector<1x1x16xf32>,
      %parallel_loop3A_546 = arith.constant 0 : i32
      %parallel_loop3A_547 = arith.index_cast %parallel_loop3A_546 : i32 to index
      %parallel_loop3A_548 = arith.index_cast %parallel_loop3A_532 : i32 to index
      %parallel_loop3A_549 = arith.constant 16 : index
      %parallel_loop3A_550 = tpu.vector_load %arg12[%parallel_loop3A_547, %parallel_loop3A_548, %parallel_loop3A_549] {strides = array<i32>} : memref<2x128x128xf32, #tpu.memory_space<vmem>>, vector<1x1x16xf32>,
      %parallel_loop3A_551 = vector.shape_cast %parallel_loop3A_550 : vector<1x1x16xf32> to vector<16xf32>
      %parallel_loop3A_552 = arith.constant 0 : i32
      %parallel_loop3A_553 = arith.index_cast %parallel_loop3A_552 : i32 to index
      %parallel_loop3A_554 = arith.index_cast %parallel_loop3A_532 : i32 to index
      %parallel_loop3A_555 = arith.constant 16 : index
      %parallel_loop3A_556 = tpu.vector_load %arg10[%parallel_loop3A_553, %parallel_loop3A_554, %parallel_loop3A_555] {strides = array<i32>} : memref<2x128x128xf32, #tpu.memory_space<vmem>>, vector<1x1x16xf32>,
      %parallel_loop3A_557 = vector.shape_cast %parallel_loop3A_556 : vector<1x1x16xf32> to vector<16xf32>
      %parallel_loop3A_558 = vector.shape_cast %parallel_loop3A_551 : vector<16xf32> to vector<1x1x16xf32>
      tpu.vector_store %arg10[%parallel_loop3A_553, %parallel_loop3A_554, %parallel_loop3A_555], %parallel_loop3A_558 {add = true, strides = array<i32>} : memref<2x128x128xf32, #tpu.memory_space<vmem>>, vector<1x1x16xf32>,
      %parallel_loop3A_559 = arith.constant 0 : i32
      %parallel_loop3A_560 = arith.index_cast %parallel_loop3A_559 : i32 to index
      %parallel_loop3A_561 = arith.index_cast %parallel_loop3A_532 : i32 to index
      %parallel_loop3A_562 = arith.constant 32 : index
      %parallel_loop3A_563 = tpu.vector_load %arg12[%parallel_loop3A_560, %parallel_loop3A_561, %parallel_loop3A_562] {strides = array<i32>} : memref<2x128x128xf32, #tpu.memory_space<vmem>>, vector<1x1x16xf32>,
      %parallel_loop3A_564 = vector.shape_cast %parallel_loop3A_563 : vector<1x1x16xf32> to vector<16xf32>
      %parallel_loop3A_565 = arith.constant 0 : i32
      %parallel_loop3A_566 = arith.index_cast %parallel_loop3A_565 : i32 to index
      %parallel_loop3A_567 = arith.index_cast %parallel_loop3A_532 : i32 to index
      %parallel_loop3A_568 = arith.constant 32 : index
      %parallel_loop3A_569 = tpu.vector_load %arg10[%parallel_loop3A_566, %parallel_loop3A_567, %parallel_loop3A_568] {strides = array<i32>} : memref<2x128x128xf32, #tpu.memory_space<vmem>>, vector<1x1x16xf32>,
      %parallel_loop3A_570 = vector.shape_cast %parallel_loop3A_569 : vector<1x1x16xf32> to vector<16xf32>
      %parallel_loop3A_571 = vector.shape_cast %parallel_loop3A_564 : vector<16xf32> to vector<1x1x16xf32>
      tpu.vector_store %arg10[%parallel_loop3A_566, %parallel_loop3A_567, %parallel_loop3A_568], %parallel_loop3A_571 {add = true, strides = array<i32>} : memref<2x128x128xf32, #tpu.memory_space<vmem>>, vector<1x1x16xf32>,
      %parallel_loop3A_572 = arith.constant 0 : i32
      %parallel_loop3A_573 = arith.index_cast %parallel_loop3A_572 : i32 to index
      %parallel_loop3A_574 = arith.index_cast %parallel_loop3A_532 : i32 to index
      %parallel_loop3A_575 = arith.constant 48 : index
      %parallel_loop3A_576 = tpu.vector_load %arg12[%parallel_loop3A_573, %parallel_loop3A_574, %parallel_loop3A_575] {strides = array<i32>} : memref<2x128x128xf32, #tpu.memory_space<vmem>>, vector<1x1x16xf32>,
      %parallel_loop3A_577 = vector.shape_cast %parallel_loop3A_576 : vector<1x1x16xf32> to vector<16xf32>
      %parallel_loop3A_578 = arith.constant 0 : i32
      %parallel_loop3A_579 = arith.index_cast %parallel_loop3A_578 : i32 to index
      %parallel_loop3A_580 = arith.index_cast %parallel_loop3A_532 : i32 to index
      %parallel_loop3A_581 = arith.constant 48 : index
      %parallel_loop3A_582 = tpu.vector_load %arg10[%parallel_loop3A_579, %parallel_loop3A_580, %parallel_loop3A_581] {strides = array<i32>} : memref<2x128x128xf32, #tpu.memory_space<vmem>>, vector<1x1x16xf32>,
      %parallel_loop3A_583 = vector.shape_cast %parallel_loop3A_582 : vector<1x1x16xf32> to vector<16xf32>
      %parallel_loop3A_584 = vector.shape_cast %parallel_loop3A_577 : vector<16xf32> to vector<1x1x16xf32>
      tpu.vector_store %arg10[%parallel_loop3A_579, %parallel_loop3A_580, %parallel_loop3A_581], %parallel_loop3A_584 {add = true, strides = array<i32>} : memref<2x128x128xf32, #tpu.memory_space<vmem>>, vector<1x1x16xf32>,
      %parallel_loop3A_585 = arith.constant 0 : i32
      %parallel_loop3A_586 = arith.index_cast %parallel_loop3A_585 : i32 to index
      %parallel_loop3A_587 = arith.index_cast %parallel_loop3A_532 : i32 to index
      %parallel_loop3A_588 = arith.constant 64 : index
      %parallel_loop3A_589 = tpu.vector_load %arg12[%parallel_loop3A_586, %parallel_loop3A_587, %parallel_loop3A_588] {strides = array<i32>} : memref<2x128x128xf32, #tpu.memory_space<vmem>>, vector<1x1x16xf32>,
      %parallel_loop3A_590 = vector.shape_cast %parallel_loop3A_589 : vector<1x1x16xf32> to vector<16xf32>
      %parallel_loop3A_591 = arith.constant 0 : i32
      %parallel_loop3A_592 = arith.index_cast %parallel_loop3A_591 : i32 to index
      %parallel_loop3A_593 = arith.index_cast %parallel_loop3A_532 : i32 to index
      %parallel_loop3A_594 = arith.constant 64 : index
      %parallel_loop3A_595 = tpu.vector_load %arg10[%parallel_loop3A_592, %parallel_loop3A_593, %parallel_loop3A_594] {strides = array<i32>} : memref<2x128x128xf32, #tpu.memory_space<vmem>>, vector<1x1x16xf32>,
      %parallel_loop3A_596 = vector.shape_cast %parallel_loop3A_595 : vector<1x1x16xf32> to vector<16xf32>
      %parallel_loop3A_597 = vector.shape_cast %parallel_loop3A_590 : vector<16xf32> to vector<1x1x16xf32>
      tpu.vector_store %arg10[%parallel_loop3A_592, %parallel_loop3A_593, %parallel_loop3A_594], %parallel_loop3A_597 {add = true, strides = array<i32>} : memref<2x128x128xf32, #tpu.memory_space<vmem>>, vector<1x1x16xf32>,
      %parallel_loop3A_598 = arith.constant 0 : i32
      %parallel_loop3A_599 = arith.index_cast %parallel_loop3A_598 : i32 to index
      %parallel_loop3A_600 = arith.index_cast %parallel_loop3A_532 : i32 to index
      %parallel_loop3A_601 = arith.constant 80 : index
      %parallel_loop3A_602 = tpu.vector_load %arg12[%parallel_loop3A_599, %parallel_loop3A_600, %parallel_loop3A_601] {strides = array<i32>} : memref<2x128x128xf32, #tpu.memory_space<vmem>>, vector<1x1x16xf32>,
      %parallel_loop3A_603 = vector.shape_cast %parallel_loop3A_602 : vector<1x1x16xf32> to vector<16xf32>
      %parallel_loop3A_604 = arith.constant 0 : i32
      %parallel_loop3A_605 = arith.index_cast %parallel_loop3A_604 : i32 to index
      %parallel_loop3A_606 = arith.index_cast %parallel_loop3A_532 : i32 to index
      %parallel_loop3A_607 = arith.constant 80 : index
      %parallel_loop3A_608 = tpu.vector_load %arg10[%parallel_loop3A_605, %parallel_loop3A_606, %parallel_loop3A_607] {strides = array<i32>} : memref<2x128x128xf32, #tpu.memory_space<vmem>>, vector<1x1x16xf32>,
      %parallel_loop3A_609 = vector.shape_cast %parallel_loop3A_608 : vector<1x1x16xf32> to vector<16xf32>
      %parallel_loop3A_610 = vector.shape_cast %parallel_loop3A_603 : vector<16xf32> to vector<1x1x16xf32>
      tpu.vector_store %arg10[%parallel_loop3A_605, %parallel_loop3A_606, %parallel_loop3A_607], %parallel_loop3A_610 {add = true, strides = array<i32>} : memref<2x128x128xf32, #tpu.memory_space<vmem>>, vector<1x1x16xf32>,
      %parallel_loop3A_611 = arith.constant 0 : i32
      %parallel_loop3A_612 = arith.index_cast %parallel_loop3A_611 : i32 to index
      %parallel_loop3A_613 = arith.index_cast %parallel_loop3A_532 : i32 to index
      %parallel_loop3A_614 = arith.constant 96 : index
      %parallel_loop3A_615 = tpu.vector_load %arg12[%parallel_loop3A_612, %parallel_loop3A_613, %parallel_loop3A_614] {strides = array<i32>} : memref<2x128x128xf32, #tpu.memory_space<vmem>>, vector<1x1x16xf32>,
      %parallel_loop3A_616 = vector.shape_cast %parallel_loop3A_615 : vector<1x1x16xf32> to vector<16xf32>
      %parallel_loop3A_617 = arith.constant 0 : i32
      %parallel_loop3A_618 = arith.index_cast %parallel_loop3A_617 : i32 to index
      %parallel_loop3A_619 = arith.index_cast %parallel_loop3A_532 : i32 to index
      %parallel_loop3A_620 = arith.constant 96 : index
      %parallel_loop3A_621 = tpu.vector_load %arg10[%parallel_loop3A_618, %parallel_loop3A_619, %parallel_loop3A_620] {strides = array<i32>} : memref<2x128x128xf32, #tpu.memory_space<vmem>>, vector<1x1x16xf32>,
      %parallel_loop3A_622 = vector.shape_cast %parallel_loop3A_621 : vector<1x1x16xf32> to vector<16xf32>
      %parallel_loop3A_623 = vector.shape_cast %parallel_loop3A_616 : vector<16xf32> to vector<1x1x16xf32>
      tpu.vector_store %arg10[%parallel_loop3A_618, %parallel_loop3A_619, %parallel_loop3A_620], %parallel_loop3A_623 {add = true, strides = array<i32>} : memref<2x128x128xf32, #tpu.memory_space<vmem>>, vector<1x1x16xf32>,
      %parallel_loop3A_624 = arith.constant 0 : i32
      %parallel_loop3A_625 = arith.index_cast %parallel_loop3A_624 : i32 to index
      %parallel_loop3A_626 = arith.index_cast %parallel_loop3A_532 : i32 to index
      %parallel_loop3A_627 = arith.constant 112 : index
      %parallel_loop3A_628 = tpu.vector_load %arg12[%parallel_loop3A_625, %parallel_loop3A_626, %parallel_loop3A_627] {strides = array<i32>} : memref<2x128x128xf32, #tpu.memory_space<vmem>>, vector<1x1x16xf32>,
      %parallel_loop3A_629 = vector.shape_cast %parallel_loop3A_628 : vector<1x1x16xf32> to vector<16xf32>
      %parallel_loop3A_630 = arith.constant 0 : i32
      %parallel_loop3A_631 = arith.index_cast %parallel_loop3A_630 : i32 to index
      %parallel_loop3A_632 = arith.index_cast %parallel_loop3A_532 : i32 to index
      %parallel_loop3A_633 = arith.constant 112 : index
      %parallel_loop3A_634 = tpu.vector_load %arg10[%parallel_loop3A_631, %parallel_loop3A_632, %parallel_loop3A_633] {strides = array<i32>} : memref<2x128x128xf32, #tpu.memory_space<vmem>>, vector<1x1x16xf32>,
      %parallel_loop3A_635 = vector.shape_cast %parallel_loop3A_634 : vector<1x1x16xf32> to vector<16xf32>
      %parallel_loop3A_636 = vector.shape_cast %parallel_loop3A_629 : vector<16xf32> to vector<1x1x16xf32>
      tpu.vector_store %arg10[%parallel_loop3A_631, %parallel_loop3A_632, %parallel_loop3A_633], %parallel_loop3A_636 {add = true, strides = array<i32>} : memref<2x128x128xf32, #tpu.memory_space<vmem>>, vector<1x1x16xf32>,
    } {sc.loop_unroll_factor = 4 : i64, sc.parallel_access}
    %add3A_103 = arith.constant 0 : i32
    %add3A_104 = arith.addi %mul3A_2, %add3A_103 : i32
    %mul3A_105 = arith.constant 128 : i32
    %mul3A_106 = arith.muli %add3A_104, %mul3A_105 : i32
    %dma_start3A_107 = arith.constant 0 : i32
    %dma_start3A_108 = arith.constant 0 : i32
    %dma_start3A_109 = arith.constant 0 : i32
    %dma_start3A_110 = arith.constant 0 : i32
    %dma_start3A_111 = tpu.memref_slice %arg10[%dma_start3A_107, %dma_start3A_109, %dma_start3A_110] : memref<2x128x128xf32, #tpu.memory_space<vmem>> -> memref<1x128x128xf32, #tpu.memory_space<vmem>>
    %dma_start3A_112 = tpu.memref_squeeze %dma_start3A_111 : memref<1x128x128xf32, #tpu.memory_space<vmem>> -> memref<128x128xf32, #tpu.memory_space<vmem>>
    %dma_start3A_113 = arith.constant 0 : i32
    %dma_start3A_114 = tpu.memref_slice %arg5[%dma_start3A_108, %mul3A_106, %dma_start3A_113] : memref<4x8192x128xf32, #tpu.memory_space<hbm>> -> memref<1x128x128xf32, #tpu.memory_space<hbm>>
    %dma_start3A_115 = tpu.memref_squeeze %dma_start3A_114 : memref<1x128x128xf32, #tpu.memory_space<hbm>> -> memref<128x128xf32, #tpu.memory_space<hbm>>
    %dma_start3A_116 = arith.constant 0 : i32
    %dma_start3A_117 = tpu.memref_slice %arg5[%dma_start3A_108, %mul3A_106, %dma_start3A_116] : memref<4x8192x128xf32, #tpu.memory_space<hbm>> -> memref<1x128x128xf32, #tpu.memory_space<hbm>>
    %dma_start3A_118 = tpu.memref_squeeze %dma_start3A_117 : memref<1x128x128xf32, #tpu.memory_space<hbm>> -> memref<128x128xf32, #tpu.memory_space<hbm>>
    %dma_start3A_119 = arith.constant 0 : i32
    %dma_start3A_120 = arith.constant 0 : i32
    %dma_start3A_121 = tpu.memref_slice %arg10[%dma_start3A_107, %dma_start3A_119, %dma_start3A_120] : memref<2x128x128xf32, #tpu.memory_space<vmem>> -> memref<1x128x128xf32, #tpu.memory_space<vmem>>
    %dma_start3A_122 = tpu.memref_squeeze %dma_start3A_121 : memref<1x128x128xf32, #tpu.memory_space<vmem>> -> memref<128x128xf32, #tpu.memory_space<vmem>>
    tpu.enqueue_dma source(%dma_start3A_122 : memref<128x128xf32, #tpu.memory_space<vmem>>) target(%dma_start3A_118 : memref<128x128xf32, #tpu.memory_space<hbm>>) target_semaphore(%arg19 : memref<!tpu.dma_semaphore, #tpu.memory_space<semaphore_mem>>)
    %dma_wait3A_123 = arith.constant 1 : i32
    %dma_wait3A_124 = arith.constant 0 : i32
    %dma_wait3A_125 = arith.constant 0 : i32
    %dma_wait3A_126 = tpu.memref_slice %arg10[%dma_wait3A_123, %dma_wait3A_124, %dma_wait3A_125] : memref<2x128x128xf32, #tpu.memory_space<vmem>> -> memref<1x128x128xf32, #tpu.memory_space<vmem>>
    %dma_wait3A_127 = tpu.memref_squeeze %dma_wait3A_126 : memref<1x128x128xf32, #tpu.memory_space<vmem>> -> memref<128x128xf32, #tpu.memory_space<vmem>>
    %dma_wait3A_128 = arith.constant 128 : i32
    %dma_wait3A_129 = tpu.memref_slice %arg6[%dma_wait3A_128] : memref<256xi32, #tpu.memory_space<vmem>> -> memref<128xi32, #tpu.memory_space<vmem>>
    %dma_wait3A_130 = arith.constant 0 : i32
    %dma_wait3A_131 = arith.constant 0 : i32
    %dma_wait3A_132 = tpu.memref_slice %arg3[%dma_wait3A_130, %dma_wait3A_131] : memref<1000000x128xf32, #tpu.memory_space<hbm>> -> memref<1000000x128xf32, #tpu.memory_space<hbm>>
    tpu.wait_indirect_dma semaphore(%arg17 : memref<!tpu.dma_semaphore, #tpu.memory_space<semaphore_mem>>) src(%dma_wait3A_132 : memref<1000000x128xf32, #tpu.memory_space<hbm>>) dst(%dma_wait3A_127 : memref<128x128xf32, #tpu.memory_space<vmem>>)
    %parallel_loop3A_133 = arith.constant 0 : i32
    %parallel_loop3A_134 = arith.constant 128 : i32
    %parallel_loop3A_135 = arith.constant 1 : i32
    scf.for %parallel_loop3A_532 = %parallel_loop3A_133 to %parallel_loop3A_134 step %parallel_loop3A_135  : i32 {
      %parallel_loop3A_533 = arith.constant 1 : i32
      %parallel_loop3A_534 = arith.index_cast %parallel_loop3A_533 : i32 to index
      %parallel_loop3A_535 = arith.index_cast %parallel_loop3A_532 : i32 to index
      %parallel_loop3A_536 = arith.constant 0 : index
      %parallel_loop3A_537 = tpu.vector_load %arg12[%parallel_loop3A_534, %parallel_loop3A_535, %parallel_loop3A_536] {strides = array<i32>} : memref<2x128x128xf32, #tpu.memory_space<vmem>>, vector<1x1x16xf32>,
      %parallel_loop3A_538 = vector.shape_cast %parallel_loop3A_537 : vector<1x1x16xf32> to vector<16xf32>
      %parallel_loop3A_539 = arith.constant 1 : i32
      %parallel_loop3A_540 = arith.index_cast %parallel_loop3A_539 : i32 to index
      %parallel_loop3A_541 = arith.index_cast %parallel_loop3A_532 : i32 to index
      %parallel_loop3A_542 = arith.constant 0 : index
      %parallel_loop3A_543 = tpu.vector_load %arg10[%parallel_loop3A_540, %parallel_loop3A_541, %parallel_loop3A_542] {strides = array<i32>} : memref<2x128x128xf32, #tpu.memory_space<vmem>>, vector<1x1x16xf32>,
      %parallel_loop3A_544 = vector.shape_cast %parallel_loop3A_543 : vector<1x1x16xf32> to vector<16xf32>
      %parallel_loop3A_545 = vector.shape_cast %parallel_loop3A_538 : vector<16xf32> to vector<1x1x16xf32>
      tpu.vector_store %arg10[%parallel_loop3A_540, %parallel_loop3A_541, %parallel_loop3A_542], %parallel_loop3A_545 {add = true, strides = array<i32>} : memref<2x128x128xf32, #tpu.memory_space<vmem>>, vector<1x1x16xf32>,
      %parallel_loop3A_546 = arith.constant 1 : i32
      %parallel_loop3A_547 = arith.index_cast %parallel_loop3A_546 : i32 to index
      %parallel_loop3A_548 = arith.index_cast %parallel_loop3A_532 : i32 to index
      %parallel_loop3A_549 = arith.constant 16 : index
      %parallel_loop3A_550 = tpu.vector_load %arg12[%parallel_loop3A_547, %parallel_loop3A_548, %parallel_loop3A_549] {strides = array<i32>} : memref<2x128x128xf32, #tpu.memory_space<vmem>>, vector<1x1x16xf32>,
      %parallel_loop3A_551 = vector.shape_cast %parallel_loop3A_550 : vector<1x1x16xf32> to vector<16xf32>
      %parallel_loop3A_552 = arith.constant 1 : i32
      %parallel_loop3A_553 = arith.index_cast %parallel_loop3A_552 : i32 to index
      %parallel_loop3A_554 = arith.index_cast %parallel_loop3A_532 : i32 to index
      %parallel_loop3A_555 = arith.constant 16 : index
      %parallel_loop3A_556 = tpu.vector_load %arg10[%parallel_loop3A_553, %parallel_loop3A_554, %parallel_loop3A_555] {strides = array<i32>} : memref<2x128x128xf32, #tpu.memory_space<vmem>>, vector<1x1x16xf32>,
      %parallel_loop3A_557 = vector.shape_cast %parallel_loop3A_556 : vector<1x1x16xf32> to vector<16xf32>
      %parallel_loop3A_558 = vector.shape_cast %parallel_loop3A_551 : vector<16xf32> to vector<1x1x16xf32>
      tpu.vector_store %arg10[%parallel_loop3A_553, %parallel_loop3A_554, %parallel_loop3A_555], %parallel_loop3A_558 {add = true, strides = array<i32>} : memref<2x128x128xf32, #tpu.memory_space<vmem>>, vector<1x1x16xf32>,
      %parallel_loop3A_559 = arith.constant 1 : i32
      %parallel_loop3A_560 = arith.index_cast %parallel_loop3A_559 : i32 to index
      %parallel_loop3A_561 = arith.index_cast %parallel_loop3A_532 : i32 to index
      %parallel_loop3A_562 = arith.constant 32 : index
      %parallel_loop3A_563 = tpu.vector_load %arg12[%parallel_loop3A_560, %parallel_loop3A_561, %parallel_loop3A_562] {strides = array<i32>} : memref<2x128x128xf32, #tpu.memory_space<vmem>>, vector<1x1x16xf32>,
      %parallel_loop3A_564 = vector.shape_cast %parallel_loop3A_563 : vector<1x1x16xf32> to vector<16xf32>
      %parallel_loop3A_565 = arith.constant 1 : i32
      %parallel_loop3A_566 = arith.index_cast %parallel_loop3A_565 : i32 to index
      %parallel_loop3A_567 = arith.index_cast %parallel_loop3A_532 : i32 to index
      %parallel_loop3A_568 = arith.constant 32 : index
      %parallel_loop3A_569 = tpu.vector_load %arg10[%parallel_loop3A_566, %parallel_loop3A_567, %parallel_loop3A_568] {strides = array<i32>} : memref<2x128x128xf32, #tpu.memory_space<vmem>>, vector<1x1x16xf32>,
      %parallel_loop3A_570 = vector.shape_cast %parallel_loop3A_569 : vector<1x1x16xf32> to vector<16xf32>
      %parallel_loop3A_571 = vector.shape_cast %parallel_loop3A_564 : vector<16xf32> to vector<1x1x16xf32>
      tpu.vector_store %arg10[%parallel_loop3A_566, %parallel_loop3A_567, %parallel_loop3A_568], %parallel_loop3A_571 {add = true, strides = array<i32>} : memref<2x128x128xf32, #tpu.memory_space<vmem>>, vector<1x1x16xf32>,
      %parallel_loop3A_572 = arith.constant 1 : i32
      %parallel_loop3A_573 = arith.index_cast %parallel_loop3A_572 : i32 to index
      %parallel_loop3A_574 = arith.index_cast %parallel_loop3A_532 : i32 to index
      %parallel_loop3A_575 = arith.constant 48 : index
      %parallel_loop3A_576 = tpu.vector_load %arg12[%parallel_loop3A_573, %parallel_loop3A_574, %parallel_loop3A_575] {strides = array<i32>} : memref<2x128x128xf32, #tpu.memory_space<vmem>>, vector<1x1x16xf32>,
      %parallel_loop3A_577 = vector.shape_cast %parallel_loop3A_576 : vector<1x1x16xf32> to vector<16xf32>
      %parallel_loop3A_578 = arith.constant 1 : i32
      %parallel_loop3A_579 = arith.index_cast %parallel_loop3A_578 : i32 to index
      %parallel_loop3A_580 = arith.index_cast %parallel_loop3A_532 : i32 to index
      %parallel_loop3A_581 = arith.constant 48 : index
      %parallel_loop3A_582 = tpu.vector_load %arg10[%parallel_loop3A_579, %parallel_loop3A_580, %parallel_loop3A_581] {strides = array<i32>} : memref<2x128x128xf32, #tpu.memory_space<vmem>>, vector<1x1x16xf32>,
      %parallel_loop3A_583 = vector.shape_cast %parallel_loop3A_582 : vector<1x1x16xf32> to vector<16xf32>
      %parallel_loop3A_584 = vector.shape_cast %parallel_loop3A_577 : vector<16xf32> to vector<1x1x16xf32>
      tpu.vector_store %arg10[%parallel_loop3A_579, %parallel_loop3A_580, %parallel_loop3A_581], %parallel_loop3A_584 {add = true, strides = array<i32>} : memref<2x128x128xf32, #tpu.memory_space<vmem>>, vector<1x1x16xf32>,
      %parallel_loop3A_585 = arith.constant 1 : i32
      %parallel_loop3A_586 = arith.index_cast %parallel_loop3A_585 : i32 to index
      %parallel_loop3A_587 = arith.index_cast %parallel_loop3A_532 : i32 to index
      %parallel_loop3A_588 = arith.constant 64 : index
      %parallel_loop3A_589 = tpu.vector_load %arg12[%parallel_loop3A_586, %parallel_loop3A_587, %parallel_loop3A_588] {strides = array<i32>} : memref<2x128x128xf32, #tpu.memory_space<vmem>>, vector<1x1x16xf32>,
      %parallel_loop3A_590 = vector.shape_cast %parallel_loop3A_589 : vector<1x1x16xf32> to vector<16xf32>
      %parallel_loop3A_591 = arith.constant 1 : i32
      %parallel_loop3A_592 = arith.index_cast %parallel_loop3A_591 : i32 to index
      %parallel_loop3A_593 = arith.index_cast %parallel_loop3A_532 : i32 to index
      %parallel_loop3A_594 = arith.constant 64 : index
      %parallel_loop3A_595 = tpu.vector_load %arg10[%parallel_loop3A_592, %parallel_loop3A_593, %parallel_loop3A_594] {strides = array<i32>} : memref<2x128x128xf32, #tpu.memory_space<vmem>>, vector<1x1x16xf32>,
      %parallel_loop3A_596 = vector.shape_cast %parallel_loop3A_595 : vector<1x1x16xf32> to vector<16xf32>
      %parallel_loop3A_597 = vector.shape_cast %parallel_loop3A_590 : vector<16xf32> to vector<1x1x16xf32>
      tpu.vector_store %arg10[%parallel_loop3A_592, %parallel_loop3A_593, %parallel_loop3A_594], %parallel_loop3A_597 {add = true, strides = array<i32>} : memref<2x128x128xf32, #tpu.memory_space<vmem>>, vector<1x1x16xf32>,
      %parallel_loop3A_598 = arith.constant 1 : i32
      %parallel_loop3A_599 = arith.index_cast %parallel_loop3A_598 : i32 to index
      %parallel_loop3A_600 = arith.index_cast %parallel_loop3A_532 : i32 to index
      %parallel_loop3A_601 = arith.constant 80 : index
      %parallel_loop3A_602 = tpu.vector_load %arg12[%parallel_loop3A_599, %parallel_loop3A_600, %parallel_loop3A_601] {strides = array<i32>} : memref<2x128x128xf32, #tpu.memory_space<vmem>>, vector<1x1x16xf32>,
      %parallel_loop3A_603 = vector.shape_cast %parallel_loop3A_602 : vector<1x1x16xf32> to vector<16xf32>
      %parallel_loop3A_604 = arith.constant 1 : i32
      %parallel_loop3A_605 = arith.index_cast %parallel_loop3A_604 : i32 to index
      %parallel_loop3A_606 = arith.index_cast %parallel_loop3A_532 : i32 to index
      %parallel_loop3A_607 = arith.constant 80 : index
      %parallel_loop3A_608 = tpu.vector_load %arg10[%parallel_loop3A_605, %parallel_loop3A_606, %parallel_loop3A_607] {strides = array<i32>} : memref<2x128x128xf32, #tpu.memory_space<vmem>>, vector<1x1x16xf32>,
      %parallel_loop3A_609 = vector.shape_cast %parallel_loop3A_608 : vector<1x1x16xf32> to vector<16xf32>
      %parallel_loop3A_610 = vector.shape_cast %parallel_loop3A_603 : vector<16xf32> to vector<1x1x16xf32>
      tpu.vector_store %arg10[%parallel_loop3A_605, %parallel_loop3A_606, %parallel_loop3A_607], %parallel_loop3A_610 {add = true, strides = array<i32>} : memref<2x128x128xf32, #tpu.memory_space<vmem>>, vector<1x1x16xf32>,
      %parallel_loop3A_611 = arith.constant 1 : i32
      %parallel_loop3A_612 = arith.index_cast %parallel_loop3A_611 : i32 to index
      %parallel_loop3A_613 = arith.index_cast %parallel_loop3A_532 : i32 to index
      %parallel_loop3A_614 = arith.constant 96 : index
      %parallel_loop3A_615 = tpu.vector_load %arg12[%parallel_loop3A_612, %parallel_loop3A_613, %parallel_loop3A_614] {strides = array<i32>} : memref<2x128x128xf32, #tpu.memory_space<vmem>>, vector<1x1x16xf32>,
      %parallel_loop3A_616 = vector.shape_cast %parallel_loop3A_615 : vector<1x1x16xf32> to vector<16xf32>
      %parallel_loop3A_617 = arith.constant 1 : i32
      %parallel_loop3A_618 = arith.index_cast %parallel_loop3A_617 : i32 to index
      %parallel_loop3A_619 = arith.index_cast %parallel_loop3A_532 : i32 to index
      %parallel_loop3A_620 = arith.constant 96 : index
      %parallel_loop3A_621 = tpu.vector_load %arg10[%parallel_loop3A_618, %parallel_loop3A_619, %parallel_loop3A_620] {strides = array<i32>} : memref<2x128x128xf32, #tpu.memory_space<vmem>>, vector<1x1x16xf32>,
      %parallel_loop3A_622 = vector.shape_cast %parallel_loop3A_621 : vector<1x1x16xf32> to vector<16xf32>
      %parallel_loop3A_623 = vector.shape_cast %parallel_loop3A_616 : vector<16xf32> to vector<1x1x16xf32>
      tpu.vector_store %arg10[%parallel_loop3A_618, %parallel_loop3A_619, %parallel_loop3A_620], %parallel_loop3A_623 {add = true, strides = array<i32>} : memref<2x128x128xf32, #tpu.memory_space<vmem>>, vector<1x1x16xf32>,
      %parallel_loop3A_624 = arith.constant 1 : i32
      %parallel_loop3A_625 = arith.index_cast %parallel_loop3A_624 : i32 to index
      %parallel_loop3A_626 = arith.index_cast %parallel_loop3A_532 : i32 to index
      %parallel_loop3A_627 = arith.constant 112 : index
      %parallel_loop3A_628 = tpu.vector_load %arg12[%parallel_loop3A_625, %parallel_loop3A_626, %parallel_loop3A_627] {strides = array<i32>} : memref<2x128x128xf32, #tpu.memory_space<vmem>>, vector<1x1x16xf32>,
      %parallel_loop3A_629 = vector.shape_cast %parallel_loop3A_628 : vector<1x1x16xf32> to vector<16xf32>
      %parallel_loop3A_630 = arith.constant 1 : i32
      %parallel_loop3A_631 = arith.index_cast %parallel_loop3A_630 : i32 to index
      %parallel_loop3A_632 = arith.index_cast %parallel_loop3A_532 : i32 to index
      %parallel_loop3A_633 = arith.constant 112 : index
      %parallel_loop3A_634 = tpu.vector_load %arg10[%parallel_loop3A_631, %parallel_loop3A_632, %parallel_loop3A_633] {strides = array<i32>} : memref<2x128x128xf32, #tpu.memory_space<vmem>>, vector<1x1x16xf32>,
      %parallel_loop3A_635 = vector.shape_cast %parallel_loop3A_634 : vector<1x1x16xf32> to vector<16xf32>
      %parallel_loop3A_636 = vector.shape_cast %parallel_loop3A_629 : vector<16xf32> to vector<1x1x16xf32>
      tpu.vector_store %arg10[%parallel_loop3A_631, %parallel_loop3A_632, %parallel_loop3A_633], %parallel_loop3A_636 {add = true, strides = array<i32>} : memref<2x128x128xf32, #tpu.memory_space<vmem>>, vector<1x1x16xf32>,
    } {sc.loop_unroll_factor = 4 : i64, sc.parallel_access}
    %add3A_136 = arith.constant 1 : i32
    %add3A_137 = arith.addi %mul3A_2, %add3A_136 : i32
    %mul3A_138 = arith.constant 128 : i32
    %mul3A_139 = arith.muli %add3A_137, %mul3A_138 : i32
    %dma_start3A_140 = arith.constant 1 : i32
    %dma_start3A_141 = arith.constant 0 : i32
    %dma_start3A_142 = arith.constant 0 : i32
    %dma_start3A_143 = arith.constant 0 : i32
    %dma_start3A_144 = tpu.memref_slice %arg10[%dma_start3A_140, %dma_start3A_142, %dma_start3A_143] : memref<2x128x128xf32, #tpu.memory_space<vmem>> -> memref<1x128x128xf32, #tpu.memory_space<vmem>>
    %dma_start3A_145 = tpu.memref_squeeze %dma_start3A_144 : memref<1x128x128xf32, #tpu.memory_space<vmem>> -> memref<128x128xf32, #tpu.memory_space<vmem>>
    %dma_start3A_146 = arith.constant 0 : i32
    %dma_start3A_147 = tpu.memref_slice %arg5[%dma_start3A_141, %mul3A_139, %dma_start3A_146] : memref<4x8192x128xf32, #tpu.memory_space<hbm>> -> memref<1x128x128xf32, #tpu.memory_space<hbm>>
    %dma_start3A_148 = tpu.memref_squeeze %dma_start3A_147 : memref<1x128x128xf32, #tpu.memory_space<hbm>> -> memref<128x128xf32, #tpu.memory_space<hbm>>
    %dma_start3A_149 = arith.constant 0 : i32
    %dma_start3A_150 = tpu.memref_slice %arg5[%dma_start3A_141, %mul3A_139, %dma_start3A_149] : memref<4x8192x128xf32, #tpu.memory_space<hbm>> -> memref<1x128x128xf32, #tpu.memory_space<hbm>>
    %dma_start3A_151 = tpu.memref_squeeze %dma_start3A_150 : memref<1x128x128xf32, #tpu.memory_space<hbm>> -> memref<128x128xf32, #tpu.memory_space<hbm>>
    %dma_start3A_152 = arith.constant 0 : i32
    %dma_start3A_153 = arith.constant 0 : i32
    %dma_start3A_154 = tpu.memref_slice %arg10[%dma_start3A_140, %dma_start3A_152, %dma_start3A_153] : memref<2x128x128xf32, #tpu.memory_space<vmem>> -> memref<1x128x128xf32, #tpu.memory_space<vmem>>
    %dma_start3A_155 = tpu.memref_squeeze %dma_start3A_154 : memref<1x128x128xf32, #tpu.memory_space<vmem>> -> memref<128x128xf32, #tpu.memory_space<vmem>>
    tpu.enqueue_dma source(%dma_start3A_155 : memref<128x128xf32, #tpu.memory_space<vmem>>) target(%dma_start3A_151 : memref<128x128xf32, #tpu.memory_space<hbm>>) target_semaphore(%arg19 : memref<!tpu.dma_semaphore, #tpu.memory_space<semaphore_mem>>)
    %dma_wait3A_156 = arith.constant 2 : i32
    %dma_wait3A_157 = tpu.memref_slice %arg2[%dma_wait3A_156, %mul3A_17] : memref<4x8192xi32, #tpu.memory_space<hbm>> -> memref<1x256xi32, #tpu.memory_space<hbm>>
    %dma_wait3A_158 = tpu.memref_squeeze %dma_wait3A_157 : memref<1x256xi32, #tpu.memory_space<hbm>> -> memref<256xi32, #tpu.memory_space<hbm>>
    %dma_wait3A_159 = tpu.memref_slice %arg2[%dma_wait3A_156, %mul3A_17] : memref<4x8192xi32, #tpu.memory_space<hbm>> -> memref<1x256xi32, #tpu.memory_space<hbm>>
    %dma_wait3A_160 = tpu.memref_squeeze %dma_wait3A_159 : memref<1x256xi32, #tpu.memory_space<hbm>> -> memref<256xi32, #tpu.memory_space<hbm>>
    tpu.wait_dma2 semaphore(%arg15 : memref<!tpu.dma_semaphore, #tpu.memory_space<semaphore_mem>>) src(%dma_wait3A_160 : memref<256xi32, #tpu.memory_space<hbm>>) dst(%arg8 : memref<256xi32, #tpu.memory_space<vmem>>)
    %dma_wait3A_161 = arith.constant 0 : i32
    %dma_wait3A_162 = arith.constant 0 : i32
    %dma_wait3A_163 = arith.constant 0 : i32
    %dma_wait3A_164 = arith.constant 0 : i32
    %dma_wait3A_165 = tpu.memref_slice %arg10[%dma_wait3A_161, %dma_wait3A_163, %dma_wait3A_164] : memref<2x128x128xf32, #tpu.memory_space<vmem>> -> memref<1x128x128xf32, #tpu.memory_space<vmem>>
    %dma_wait3A_166 = tpu.memref_squeeze %dma_wait3A_165 : memref<1x128x128xf32, #tpu.memory_space<vmem>> -> memref<128x128xf32, #tpu.memory_space<vmem>>
    %dma_wait3A_167 = arith.constant 0 : i32
    %dma_wait3A_168 = tpu.memref_slice %arg5[%dma_wait3A_162, %mul3A_106, %dma_wait3A_167] : memref<4x8192x128xf32, #tpu.memory_space<hbm>> -> memref<1x128x128xf32, #tpu.memory_space<hbm>>
    %dma_wait3A_169 = tpu.memref_squeeze %dma_wait3A_168 : memref<1x128x128xf32, #tpu.memory_space<hbm>> -> memref<128x128xf32, #tpu.memory_space<hbm>>
    %dma_wait3A_170 = arith.constant 0 : i32
    %dma_wait3A_171 = tpu.memref_slice %arg5[%dma_wait3A_162, %mul3A_106, %dma_wait3A_170] : memref<4x8192x128xf32, #tpu.memory_space<hbm>> -> memref<1x128x128xf32, #tpu.memory_space<hbm>>
    %dma_wait3A_172 = tpu.memref_squeeze %dma_wait3A_171 : memref<1x128x128xf32, #tpu.memory_space<hbm>> -> memref<128x128xf32, #tpu.memory_space<hbm>>
    %dma_wait3A_173 = arith.constant 0 : i32
    %dma_wait3A_174 = arith.constant 0 : i32
    %dma_wait3A_175 = tpu.memref_slice %arg10[%dma_wait3A_161, %dma_wait3A_173, %dma_wait3A_174] : memref<2x128x128xf32, #tpu.memory_space<vmem>> -> memref<1x128x128xf32, #tpu.memory_space<vmem>>
    %dma_wait3A_176 = tpu.memref_squeeze %dma_wait3A_175 : memref<1x128x128xf32, #tpu.memory_space<vmem>> -> memref<128x128xf32, #tpu.memory_space<vmem>>
    tpu.wait_dma2 semaphore(%arg19 : memref<!tpu.dma_semaphore, #tpu.memory_space<semaphore_mem>>) src(%dma_wait3A_176 : memref<128x128xf32, #tpu.memory_space<vmem>>) dst(%dma_wait3A_172 : memref<128x128xf32, #tpu.memory_space<hbm>>)
    %dma_wait3A_177 = arith.constant 1 : i32
    %dma_wait3A_178 = arith.constant 0 : i32
    %dma_wait3A_179 = arith.constant 0 : i32
    %dma_wait3A_180 = arith.constant 0 : i32
    %dma_wait3A_181 = tpu.memref_slice %arg10[%dma_wait3A_177, %dma_wait3A_179, %dma_wait3A_180] : memref<2x128x128xf32, #tpu.memory_space<vmem>> -> memref<1x128x128xf32, #tpu.memory_space<vmem>>
    %dma_wait3A_182 = tpu.memref_squeeze %dma_wait3A_181 : memref<1x128x128xf32, #tpu.memory_space<vmem>> -> memref<128x128xf32, #tpu.memory_space<vmem>>
    %dma_wait3A_183 = arith.constant 0 : i32
    %dma_wait3A_184 = tpu.memref_slice %arg5[%dma_wait3A_178, %mul3A_139, %dma_wait3A_183] : memref<4x8192x128xf32, #tpu.memory_space<hbm>> -> memref<1x128x128xf32, #tpu.memory_space<hbm>>
    %dma_wait3A_185 = tpu.memref_squeeze %dma_wait3A_184 : memref<1x128x128xf32, #tpu.memory_space<hbm>> -> memref<128x128xf32, #tpu.memory_space<hbm>>
    %dma_wait3A_186 = arith.constant 0 : i32
    %dma_wait3A_187 = tpu.memref_slice %arg5[%dma_wait3A_178, %mul3A_139, %dma_wait3A_186] : memref<4x8192x128xf32, #tpu.memory_space<hbm>> -> memref<1x128x128xf32, #tpu.memory_space<hbm>>
    %dma_wait3A_188 = tpu.memref_squeeze %dma_wait3A_187 : memref<1x128x128xf32, #tpu.memory_space<hbm>> -> memref<128x128xf32, #tpu.memory_space<hbm>>
    %dma_wait3A_189 = arith.constant 0 : i32
    %dma_wait3A_190 = arith.constant 0 : i32
    %dma_wait3A_191 = tpu.memref_slice %arg10[%dma_wait3A_177, %dma_wait3A_189, %dma_wait3A_190] : memref<2x128x128xf32, #tpu.memory_space<vmem>> -> memref<1x128x128xf32, #tpu.memory_space<vmem>>
    %dma_wait3A_192 = tpu.memref_squeeze %dma_wait3A_191 : memref<1x128x128xf32, #tpu.memory_space<vmem>> -> memref<128x128xf32, #tpu.memory_space<vmem>>
    tpu.wait_dma2 semaphore(%arg19 : memref<!tpu.dma_semaphore, #tpu.memory_space<semaphore_mem>>) src(%dma_wait3A_192 : memref<128x128xf32, #tpu.memory_space<vmem>>) dst(%dma_wait3A_188 : memref<128x128xf32, #tpu.memory_space<hbm>>)
    %dma_start3A_193 = arith.constant 0 : i32
    %dma_start3A_194 = arith.constant 0 : i32
    %dma_start3A_195 = arith.constant 0 : i32
    %dma_start3A_196 = tpu.memref_slice %arg10[%dma_start3A_193, %dma_start3A_194, %dma_start3A_195] : memref<2x128x128xf32, #tpu.memory_space<vmem>> -> memref<1x128x128xf32, #tpu.memory_space<vmem>>
    %dma_start3A_197 = tpu.memref_squeeze %dma_start3A_196 : memref<1x128x128xf32, #tpu.memory_space<vmem>> -> memref<128x128xf32, #tpu.memory_space<vmem>>
    %dma_start3A_198 = arith.constant 0 : i32
    %dma_start3A_199 = tpu.memref_slice %arg8[%dma_start3A_198] : memref<256xi32, #tpu.memory_space<vmem>> -> memref<128xi32, #tpu.memory_space<vmem>>
    %dma_start3A_200 = arith.constant 0 : i32
    %dma_start3A_201 = arith.constant 0 : i32
    %dma_start3A_202 = tpu.memref_slice %arg3[%dma_start3A_200, %dma_start3A_201] : memref<1000000x128xf32, #tpu.memory_space<hbm>> -> memref<1000000x128xf32, #tpu.memory_space<hbm>>
    tpu.enqueue_indirect_dma source(%dma_start3A_202 : memref<1000000x128xf32, #tpu.memory_space<hbm>>) target(%dma_start3A_197 : memref<128x128xf32, #tpu.memory_space<vmem>>) offsets(%dma_start3A_199 : memref<128xi32, #tpu.memory_space<vmem>>) semaphore(%arg17 : memref<!tpu.dma_semaphore, #tpu.memory_space<semaphore_mem>>)
    %dma_start3A_203 = arith.constant 1 : i32
    %dma_start3A_204 = arith.constant 0 : i32
    %dma_start3A_205 = arith.constant 0 : i32
    %dma_start3A_206 = tpu.memref_slice %arg10[%dma_start3A_203, %dma_start3A_204, %dma_start3A_205] : memref<2x128x128xf32, #tpu.memory_space<vmem>> -> memref<1x128x128xf32, #tpu.memory_space<vmem>>
    %dma_start3A_207 = tpu.memref_squeeze %dma_start3A_206 : memref<1x128x128xf32, #tpu.memory_space<vmem>> -> memref<128x128xf32, #tpu.memory_space<vmem>>
    %dma_start3A_208 = arith.constant 128 : i32
    %dma_start3A_209 = tpu.memref_slice %arg8[%dma_start3A_208] : memref<256xi32, #tpu.memory_space<vmem>> -> memref<128xi32, #tpu.memory_space<vmem>>
    %dma_start3A_210 = arith.constant 0 : i32
    %dma_start3A_211 = arith.constant 0 : i32
    %dma_start3A_212 = tpu.memref_slice %arg3[%dma_start3A_210, %dma_start3A_211] : memref<1000000x128xf32, #tpu.memory_space<hbm>> -> memref<1000000x128xf32, #tpu.memory_space<hbm>>
    tpu.enqueue_indirect_dma source(%dma_start3A_212 : memref<1000000x128xf32, #tpu.memory_space<hbm>>) target(%dma_start3A_207 : memref<128x128xf32, #tpu.memory_space<vmem>>) offsets(%dma_start3A_209 : memref<128xi32, #tpu.memory_space<vmem>>) semaphore(%arg17 : memref<!tpu.dma_semaphore, #tpu.memory_space<semaphore_mem>>)
    %dma_wait3A_213 = arith.constant 0 : i32
    %dma_wait3A_214 = arith.constant 0 : i32
    %dma_wait3A_215 = arith.constant 0 : i32
    %dma_wait3A_216 = tpu.memref_slice %arg11[%dma_wait3A_213, %dma_wait3A_214, %dma_wait3A_215] : memref<2x128x128xf32, #tpu.memory_space<vmem>> -> memref<1x128x128xf32, #tpu.memory_space<vmem>>
    %dma_wait3A_217 = tpu.memref_squeeze %dma_wait3A_216 : memref<1x128x128xf32, #tpu.memory_space<vmem>> -> memref<128x128xf32, #tpu.memory_space<vmem>>
    %dma_wait3A_218 = arith.constant 0 : i32
    %dma_wait3A_219 = tpu.memref_slice %arg7[%dma_wait3A_218] : memref<256xi32, #tpu.memory_space<vmem>> -> memref<128xi32, #tpu.memory_space<vmem>>
    %dma_wait3A_220 = arith.constant 0 : i32
    %dma_wait3A_221 = arith.constant 0 : i32
    %dma_wait3A_222 = tpu.memref_slice %arg3[%dma_wait3A_220, %dma_wait3A_221] : memref<1000000x128xf32, #tpu.memory_space<hbm>> -> memref<1000000x128xf32, #tpu.memory_space<hbm>>
    tpu.wait_indirect_dma semaphore(%arg18 : memref<!tpu.dma_semaphore, #tpu.memory_space<semaphore_mem>>) src(%dma_wait3A_222 : memref<1000000x128xf32, #tpu.memory_space<hbm>>) dst(%dma_wait3A_217 : memref<128x128xf32, #tpu.memory_space<vmem>>)
    %parallel_loop3A_223 = arith.constant 0 : i32
    %parallel_loop3A_224 = arith.constant 128 : i32
    %parallel_loop3A_225 = arith.constant 1 : i32
    scf.for %parallel_loop3A_532 = %parallel_loop3A_223 to %parallel_loop3A_224 step %parallel_loop3A_225  : i32 {
      %parallel_loop3A_533 = arith.constant 0 : i32
      %parallel_loop3A_534 = arith.index_cast %parallel_loop3A_533 : i32 to index
      %parallel_loop3A_535 = arith.index_cast %parallel_loop3A_532 : i32 to index
      %parallel_loop3A_536 = arith.constant 0 : index
      %parallel_loop3A_537 = tpu.vector_load %arg12[%parallel_loop3A_534, %parallel_loop3A_535, %parallel_loop3A_536] {strides = array<i32>} : memref<2x128x128xf32, #tpu.memory_space<vmem>>, vector<1x1x16xf32>,
      %parallel_loop3A_538 = vector.shape_cast %parallel_loop3A_537 : vector<1x1x16xf32> to vector<16xf32>
      %parallel_loop3A_539 = arith.constant 0 : i32
      %parallel_loop3A_540 = arith.index_cast %parallel_loop3A_539 : i32 to index
      %parallel_loop3A_541 = arith.index_cast %parallel_loop3A_532 : i32 to index
      %parallel_loop3A_542 = arith.constant 0 : index
      %parallel_loop3A_543 = tpu.vector_load %arg11[%parallel_loop3A_540, %parallel_loop3A_541, %parallel_loop3A_542] {strides = array<i32>} : memref<2x128x128xf32, #tpu.memory_space<vmem>>, vector<1x1x16xf32>,
      %parallel_loop3A_544 = vector.shape_cast %parallel_loop3A_543 : vector<1x1x16xf32> to vector<16xf32>
      %parallel_loop3A_545 = vector.shape_cast %parallel_loop3A_538 : vector<16xf32> to vector<1x1x16xf32>
      tpu.vector_store %arg11[%parallel_loop3A_540, %parallel_loop3A_541, %parallel_loop3A_542], %parallel_loop3A_545 {add = true, strides = array<i32>} : memref<2x128x128xf32, #tpu.memory_space<vmem>>, vector<1x1x16xf32>,
      %parallel_loop3A_546 = arith.constant 0 : i32
      %parallel_loop3A_547 = arith.index_cast %parallel_loop3A_546 : i32 to index
      %parallel_loop3A_548 = arith.index_cast %parallel_loop3A_532 : i32 to index
      %parallel_loop3A_549 = arith.constant 16 : index
      %parallel_loop3A_550 = tpu.vector_load %arg12[%parallel_loop3A_547, %parallel_loop3A_548, %parallel_loop3A_549] {strides = array<i32>} : memref<2x128x128xf32, #tpu.memory_space<vmem>>, vector<1x1x16xf32>,
      %parallel_loop3A_551 = vector.shape_cast %parallel_loop3A_550 : vector<1x1x16xf32> to vector<16xf32>
      %parallel_loop3A_552 = arith.constant 0 : i32
      %parallel_loop3A_553 = arith.index_cast %parallel_loop3A_552 : i32 to index
      %parallel_loop3A_554 = arith.index_cast %parallel_loop3A_532 : i32 to index
      %parallel_loop3A_555 = arith.constant 16 : index
      %parallel_loop3A_556 = tpu.vector_load %arg11[%parallel_loop3A_553, %parallel_loop3A_554, %parallel_loop3A_555] {strides = array<i32>} : memref<2x128x128xf32, #tpu.memory_space<vmem>>, vector<1x1x16xf32>,
      %parallel_loop3A_557 = vector.shape_cast %parallel_loop3A_556 : vector<1x1x16xf32> to vector<16xf32>
      %parallel_loop3A_558 = vector.shape_cast %parallel_loop3A_551 : vector<16xf32> to vector<1x1x16xf32>
      tpu.vector_store %arg11[%parallel_loop3A_553, %parallel_loop3A_554, %parallel_loop3A_555], %parallel_loop3A_558 {add = true, strides = array<i32>} : memref<2x128x128xf32, #tpu.memory_space<vmem>>, vector<1x1x16xf32>,
      %parallel_loop3A_559 = arith.constant 0 : i32
      %parallel_loop3A_560 = arith.index_cast %parallel_loop3A_559 : i32 to index
      %parallel_loop3A_561 = arith.index_cast %parallel_loop3A_532 : i32 to index
      %parallel_loop3A_562 = arith.constant 32 : index
      %parallel_loop3A_563 = tpu.vector_load %arg12[%parallel_loop3A_560, %parallel_loop3A_561, %parallel_loop3A_562] {strides = array<i32>} : memref<2x128x128xf32, #tpu.memory_space<vmem>>, vector<1x1x16xf32>,
      %parallel_loop3A_564 = vector.shape_cast %parallel_loop3A_563 : vector<1x1x16xf32> to vector<16xf32>
      %parallel_loop3A_565 = arith.constant 0 : i32
      %parallel_loop3A_566 = arith.index_cast %parallel_loop3A_565 : i32 to index
      %parallel_loop3A_567 = arith.index_cast %parallel_loop3A_532 : i32 to index
      %parallel_loop3A_568 = arith.constant 32 : index
      %parallel_loop3A_569 = tpu.vector_load %arg11[%parallel_loop3A_566, %parallel_loop3A_567, %parallel_loop3A_568] {strides = array<i32>} : memref<2x128x128xf32, #tpu.memory_space<vmem>>, vector<1x1x16xf32>,
      %parallel_loop3A_570 = vector.shape_cast %parallel_loop3A_569 : vector<1x1x16xf32> to vector<16xf32>
      %parallel_loop3A_571 = vector.shape_cast %parallel_loop3A_564 : vector<16xf32> to vector<1x1x16xf32>
      tpu.vector_store %arg11[%parallel_loop3A_566, %parallel_loop3A_567, %parallel_loop3A_568], %parallel_loop3A_571 {add = true, strides = array<i32>} : memref<2x128x128xf32, #tpu.memory_space<vmem>>, vector<1x1x16xf32>,
      %parallel_loop3A_572 = arith.constant 0 : i32
      %parallel_loop3A_573 = arith.index_cast %parallel_loop3A_572 : i32 to index
      %parallel_loop3A_574 = arith.index_cast %parallel_loop3A_532 : i32 to index
      %parallel_loop3A_575 = arith.constant 48 : index
      %parallel_loop3A_576 = tpu.vector_load %arg12[%parallel_loop3A_573, %parallel_loop3A_574, %parallel_loop3A_575] {strides = array<i32>} : memref<2x128x128xf32, #tpu.memory_space<vmem>>, vector<1x1x16xf32>,
      %parallel_loop3A_577 = vector.shape_cast %parallel_loop3A_576 : vector<1x1x16xf32> to vector<16xf32>
      %parallel_loop3A_578 = arith.constant 0 : i32
      %parallel_loop3A_579 = arith.index_cast %parallel_loop3A_578 : i32 to index
      %parallel_loop3A_580 = arith.index_cast %parallel_loop3A_532 : i32 to index
      %parallel_loop3A_581 = arith.constant 48 : index
      %parallel_loop3A_582 = tpu.vector_load %arg11[%parallel_loop3A_579, %parallel_loop3A_580, %parallel_loop3A_581] {strides = array<i32>} : memref<2x128x128xf32, #tpu.memory_space<vmem>>, vector<1x1x16xf32>,
      %parallel_loop3A_583 = vector.shape_cast %parallel_loop3A_582 : vector<1x1x16xf32> to vector<16xf32>
      %parallel_loop3A_584 = vector.shape_cast %parallel_loop3A_577 : vector<16xf32> to vector<1x1x16xf32>
      tpu.vector_store %arg11[%parallel_loop3A_579, %parallel_loop3A_580, %parallel_loop3A_581], %parallel_loop3A_584 {add = true, strides = array<i32>} : memref<2x128x128xf32, #tpu.memory_space<vmem>>, vector<1x1x16xf32>,
      %parallel_loop3A_585 = arith.constant 0 : i32
      %parallel_loop3A_586 = arith.index_cast %parallel_loop3A_585 : i32 to index
      %parallel_loop3A_587 = arith.index_cast %parallel_loop3A_532 : i32 to index
      %parallel_loop3A_588 = arith.constant 64 : index
      %parallel_loop3A_589 = tpu.vector_load %arg12[%parallel_loop3A_586, %parallel_loop3A_587, %parallel_loop3A_588] {strides = array<i32>} : memref<2x128x128xf32, #tpu.memory_space<vmem>>, vector<1x1x16xf32>,
      %parallel_loop3A_590 = vector.shape_cast %parallel_loop3A_589 : vector<1x1x16xf32> to vector<16xf32>
      %parallel_loop3A_591 = arith.constant 0 : i32
      %parallel_loop3A_592 = arith.index_cast %parallel_loop3A_591 : i32 to index
      %parallel_loop3A_593 = arith.index_cast %parallel_loop3A_532 : i32 to index
      %parallel_loop3A_594 = arith.constant 64 : index
      %parallel_loop3A_595 = tpu.vector_load %arg11[%parallel_loop3A_592, %parallel_loop3A_593, %parallel_loop3A_594] {strides = array<i32>} : memref<2x128x128xf32, #tpu.memory_space<vmem>>, vector<1x1x16xf32>,
      %parallel_loop3A_596 = vector.shape_cast %parallel_loop3A_595 : vector<1x1x16xf32> to vector<16xf32>
      %parallel_loop3A_597 = vector.shape_cast %parallel_loop3A_590 : vector<16xf32> to vector<1x1x16xf32>
      tpu.vector_store %arg11[%parallel_loop3A_592, %parallel_loop3A_593, %parallel_loop3A_594], %parallel_loop3A_597 {add = true, strides = array<i32>} : memref<2x128x128xf32, #tpu.memory_space<vmem>>, vector<1x1x16xf32>,
      %parallel_loop3A_598 = arith.constant 0 : i32
      %parallel_loop3A_599 = arith.index_cast %parallel_loop3A_598 : i32 to index
      %parallel_loop3A_600 = arith.index_cast %parallel_loop3A_532 : i32 to index
      %parallel_loop3A_601 = arith.constant 80 : index
      %parallel_loop3A_602 = tpu.vector_load %arg12[%parallel_loop3A_599, %parallel_loop3A_600, %parallel_loop3A_601] {strides = array<i32>} : memref<2x128x128xf32, #tpu.memory_space<vmem>>, vector<1x1x16xf32>,
      %parallel_loop3A_603 = vector.shape_cast %parallel_loop3A_602 : vector<1x1x16xf32> to vector<16xf32>
      %parallel_loop3A_604 = arith.constant 0 : i32
      %parallel_loop3A_605 = arith.index_cast %parallel_loop3A_604 : i32 to index
      %parallel_loop3A_606 = arith.index_cast %parallel_loop3A_532 : i32 to index
      %parallel_loop3A_607 = arith.constant 80 : index
      %parallel_loop3A_608 = tpu.vector_load %arg11[%parallel_loop3A_605, %parallel_loop3A_606, %parallel_loop3A_607] {strides = array<i32>} : memref<2x128x128xf32, #tpu.memory_space<vmem>>, vector<1x1x16xf32>,
      %parallel_loop3A_609 = vector.shape_cast %parallel_loop3A_608 : vector<1x1x16xf32> to vector<16xf32>
      %parallel_loop3A_610 = vector.shape_cast %parallel_loop3A_603 : vector<16xf32> to vector<1x1x16xf32>
      tpu.vector_store %arg11[%parallel_loop3A_605, %parallel_loop3A_606, %parallel_loop3A_607], %parallel_loop3A_610 {add = true, strides = array<i32>} : memref<2x128x128xf32, #tpu.memory_space<vmem>>, vector<1x1x16xf32>,
      %parallel_loop3A_611 = arith.constant 0 : i32
      %parallel_loop3A_612 = arith.index_cast %parallel_loop3A_611 : i32 to index
      %parallel_loop3A_613 = arith.index_cast %parallel_loop3A_532 : i32 to index
      %parallel_loop3A_614 = arith.constant 96 : index
      %parallel_loop3A_615 = tpu.vector_load %arg12[%parallel_loop3A_612, %parallel_loop3A_613, %parallel_loop3A_614] {strides = array<i32>} : memref<2x128x128xf32, #tpu.memory_space<vmem>>, vector<1x1x16xf32>,
      %parallel_loop3A_616 = vector.shape_cast %parallel_loop3A_615 : vector<1x1x16xf32> to vector<16xf32>
      %parallel_loop3A_617 = arith.constant 0 : i32
      %parallel_loop3A_618 = arith.index_cast %parallel_loop3A_617 : i32 to index
      %parallel_loop3A_619 = arith.index_cast %parallel_loop3A_532 : i32 to index
      %parallel_loop3A_620 = arith.constant 96 : index
      %parallel_loop3A_621 = tpu.vector_load %arg11[%parallel_loop3A_618, %parallel_loop3A_619, %parallel_loop3A_620] {strides = array<i32>} : memref<2x128x128xf32, #tpu.memory_space<vmem>>, vector<1x1x16xf32>,
      %parallel_loop3A_622 = vector.shape_cast %parallel_loop3A_621 : vector<1x1x16xf32> to vector<16xf32>
      %parallel_loop3A_623 = vector.shape_cast %parallel_loop3A_616 : vector<16xf32> to vector<1x1x16xf32>
      tpu.vector_store %arg11[%parallel_loop3A_618, %parallel_loop3A_619, %parallel_loop3A_620], %parallel_loop3A_623 {add = true, strides = array<i32>} : memref<2x128x128xf32, #tpu.memory_space<vmem>>, vector<1x1x16xf32>,
      %parallel_loop3A_624 = arith.constant 0 : i32
      %parallel_loop3A_625 = arith.index_cast %parallel_loop3A_624 : i32 to index
      %parallel_loop3A_626 = arith.index_cast %parallel_loop3A_532 : i32 to index
      %parallel_loop3A_627 = arith.constant 112 : index
      %parallel_loop3A_628 = tpu.vector_load %arg12[%parallel_loop3A_625, %parallel_loop3A_626, %parallel_loop3A_627] {strides = array<i32>} : memref<2x128x128xf32, #tpu.memory_space<vmem>>, vector<1x1x16xf32>,
      %parallel_loop3A_629 = vector.shape_cast %parallel_loop3A_628 : vector<1x1x16xf32> to vector<16xf32>
      %parallel_loop3A_630 = arith.constant 0 : i32
      %parallel_loop3A_631 = arith.index_cast %parallel_loop3A_630 : i32 to index
      %parallel_loop3A_632 = arith.index_cast %parallel_loop3A_532 : i32 to index
      %parallel_loop3A_633 = arith.constant 112 : index
      %parallel_loop3A_634 = tpu.vector_load %arg11[%parallel_loop3A_631, %parallel_loop3A_632, %parallel_loop3A_633] {strides = array<i32>} : memref<2x128x128xf32, #tpu.memory_space<vmem>>, vector<1x1x16xf32>,
      %parallel_loop3A_635 = vector.shape_cast %parallel_loop3A_634 : vector<1x1x16xf32> to vector<16xf32>
      %parallel_loop3A_636 = vector.shape_cast %parallel_loop3A_629 : vector<16xf32> to vector<1x1x16xf32>
      tpu.vector_store %arg11[%parallel_loop3A_631, %parallel_loop3A_632, %parallel_loop3A_633], %parallel_loop3A_636 {add = true, strides = array<i32>} : memref<2x128x128xf32, #tpu.memory_space<vmem>>, vector<1x1x16xf32>,
    } {sc.loop_unroll_factor = 4 : i64, sc.parallel_access}
    %add3A_226 = arith.constant 0 : i32
    %add3A_227 = arith.addi %mul3A_2, %add3A_226 : i32
    %mul3A_228 = arith.constant 128 : i32
    %mul3A_229 = arith.muli %add3A_227, %mul3A_228 : i32
    %dma_start3A_230 = arith.constant 0 : i32
    %dma_start3A_231 = arith.constant 1 : i32
    %dma_start3A_232 = arith.constant 0 : i32
    %dma_start3A_233 = arith.constant 0 : i32
    %dma_start3A_234 = tpu.memref_slice %arg11[%dma_start3A_230, %dma_start3A_232, %dma_start3A_233] : memref<2x128x128xf32, #tpu.memory_space<vmem>> -> memref<1x128x128xf32, #tpu.memory_space<vmem>>
    %dma_start3A_235 = tpu.memref_squeeze %dma_start3A_234 : memref<1x128x128xf32, #tpu.memory_space<vmem>> -> memref<128x128xf32, #tpu.memory_space<vmem>>
    %dma_start3A_236 = arith.constant 0 : i32
    %dma_start3A_237 = tpu.memref_slice %arg5[%dma_start3A_231, %mul3A_229, %dma_start3A_236] : memref<4x8192x128xf32, #tpu.memory_space<hbm>> -> memref<1x128x128xf32, #tpu.memory_space<hbm>>
    %dma_start3A_238 = tpu.memref_squeeze %dma_start3A_237 : memref<1x128x128xf32, #tpu.memory_space<hbm>> -> memref<128x128xf32, #tpu.memory_space<hbm>>
    %dma_start3A_239 = arith.constant 0 : i32
    %dma_start3A_240 = tpu.memref_slice %arg5[%dma_start3A_231, %mul3A_229, %dma_start3A_239] : memref<4x8192x128xf32, #tpu.memory_space<hbm>> -> memref<1x128x128xf32, #tpu.memory_space<hbm>>
    %dma_start3A_241 = tpu.memref_squeeze %dma_start3A_240 : memref<1x128x128xf32, #tpu.memory_space<hbm>> -> memref<128x128xf32, #tpu.memory_space<hbm>>
    %dma_start3A_242 = arith.constant 0 : i32
    %dma_start3A_243 = arith.constant 0 : i32
    %dma_start3A_244 = tpu.memref_slice %arg11[%dma_start3A_230, %dma_start3A_242, %dma_start3A_243] : memref<2x128x128xf32, #tpu.memory_space<vmem>> -> memref<1x128x128xf32, #tpu.memory_space<vmem>>
    %dma_start3A_245 = tpu.memref_squeeze %dma_start3A_244 : memref<1x128x128xf32, #tpu.memory_space<vmem>> -> memref<128x128xf32, #tpu.memory_space<vmem>>
    tpu.enqueue_dma source(%dma_start3A_245 : memref<128x128xf32, #tpu.memory_space<vmem>>) target(%dma_start3A_241 : memref<128x128xf32, #tpu.memory_space<hbm>>) target_semaphore(%arg20 : memref<!tpu.dma_semaphore, #tpu.memory_space<semaphore_mem>>)
    %dma_wait3A_246 = arith.constant 1 : i32
    %dma_wait3A_247 = arith.constant 0 : i32
    %dma_wait3A_248 = arith.constant 0 : i32
    %dma_wait3A_249 = tpu.memref_slice %arg11[%dma_wait3A_246, %dma_wait3A_247, %dma_wait3A_248] : memref<2x128x128xf32, #tpu.memory_space<vmem>> -> memref<1x128x128xf32, #tpu.memory_space<vmem>>
    %dma_wait3A_250 = tpu.memref_squeeze %dma_wait3A_249 : memref<1x128x128xf32, #tpu.memory_space<vmem>> -> memref<128x128xf32, #tpu.memory_space<vmem>>
    %dma_wait3A_251 = arith.constant 128 : i32
    %dma_wait3A_252 = tpu.memref_slice %arg7[%dma_wait3A_251] : memref<256xi32, #tpu.memory_space<vmem>> -> memref<128xi32, #tpu.memory_space<vmem>>
    %dma_wait3A_253 = arith.constant 0 : i32
    %dma_wait3A_254 = arith.constant 0 : i32
    %dma_wait3A_255 = tpu.memref_slice %arg3[%dma_wait3A_253, %dma_wait3A_254] : memref<1000000x128xf32, #tpu.memory_space<hbm>> -> memref<1000000x128xf32, #tpu.memory_space<hbm>>
    tpu.wait_indirect_dma semaphore(%arg18 : memref<!tpu.dma_semaphore, #tpu.memory_space<semaphore_mem>>) src(%dma_wait3A_255 : memref<1000000x128xf32, #tpu.memory_space<hbm>>) dst(%dma_wait3A_250 : memref<128x128xf32, #tpu.memory_space<vmem>>)
    %parallel_loop3A_256 = arith.constant 0 : i32
    %parallel_loop3A_257 = arith.constant 128 : i32
    %parallel_loop3A_258 = arith.constant 1 : i32
    scf.for %parallel_loop3A_532 = %parallel_loop3A_256 to %parallel_loop3A_257 step %parallel_loop3A_258  : i32 {
      %parallel_loop3A_533 = arith.constant 1 : i32
      %parallel_loop3A_534 = arith.index_cast %parallel_loop3A_533 : i32 to index
      %parallel_loop3A_535 = arith.index_cast %parallel_loop3A_532 : i32 to index
      %parallel_loop3A_536 = arith.constant 0 : index
      %parallel_loop3A_537 = tpu.vector_load %arg12[%parallel_loop3A_534, %parallel_loop3A_535, %parallel_loop3A_536] {strides = array<i32>} : memref<2x128x128xf32, #tpu.memory_space<vmem>>, vector<1x1x16xf32>,
      %parallel_loop3A_538 = vector.shape_cast %parallel_loop3A_537 : vector<1x1x16xf32> to vector<16xf32>
      %parallel_loop3A_539 = arith.constant 1 : i32
      %parallel_loop3A_540 = arith.index_cast %parallel_loop3A_539 : i32 to index
      %parallel_loop3A_541 = arith.index_cast %parallel_loop3A_532 : i32 to index
      %parallel_loop3A_542 = arith.constant 0 : index
      %parallel_loop3A_543 = tpu.vector_load %arg11[%parallel_loop3A_540, %parallel_loop3A_541, %parallel_loop3A_542] {strides = array<i32>} : memref<2x128x128xf32, #tpu.memory_space<vmem>>, vector<1x1x16xf32>,
      %parallel_loop3A_544 = vector.shape_cast %parallel_loop3A_543 : vector<1x1x16xf32> to vector<16xf32>
      %parallel_loop3A_545 = vector.shape_cast %parallel_loop3A_538 : vector<16xf32> to vector<1x1x16xf32>
      tpu.vector_store %arg11[%parallel_loop3A_540, %parallel_loop3A_541, %parallel_loop3A_542], %parallel_loop3A_545 {add = true, strides = array<i32>} : memref<2x128x128xf32, #tpu.memory_space<vmem>>, vector<1x1x16xf32>,
      %parallel_loop3A_546 = arith.constant 1 : i32
      %parallel_loop3A_547 = arith.index_cast %parallel_loop3A_546 : i32 to index
      %parallel_loop3A_548 = arith.index_cast %parallel_loop3A_532 : i32 to index
      %parallel_loop3A_549 = arith.constant 16 : index
      %parallel_loop3A_550 = tpu.vector_load %arg12[%parallel_loop3A_547, %parallel_loop3A_548, %parallel_loop3A_549] {strides = array<i32>} : memref<2x128x128xf32, #tpu.memory_space<vmem>>, vector<1x1x16xf32>,
      %parallel_loop3A_551 = vector.shape_cast %parallel_loop3A_550 : vector<1x1x16xf32> to vector<16xf32>
      %parallel_loop3A_552 = arith.constant 1 : i32
      %parallel_loop3A_553 = arith.index_cast %parallel_loop3A_552 : i32 to index
      %parallel_loop3A_554 = arith.index_cast %parallel_loop3A_532 : i32 to index
      %parallel_loop3A_555 = arith.constant 16 : index
      %parallel_loop3A_556 = tpu.vector_load %arg11[%parallel_loop3A_553, %parallel_loop3A_554, %parallel_loop3A_555] {strides = array<i32>} : memref<2x128x128xf32, #tpu.memory_space<vmem>>, vector<1x1x16xf32>,
      %parallel_loop3A_557 = vector.shape_cast %parallel_loop3A_556 : vector<1x1x16xf32> to vector<16xf32>
      %parallel_loop3A_558 = vector.shape_cast %parallel_loop3A_551 : vector<16xf32> to vector<1x1x16xf32>
      tpu.vector_store %arg11[%parallel_loop3A_553, %parallel_loop3A_554, %parallel_loop3A_555], %parallel_loop3A_558 {add = true, strides = array<i32>} : memref<2x128x128xf32, #tpu.memory_space<vmem>>, vector<1x1x16xf32>,
      %parallel_loop3A_559 = arith.constant 1 : i32
      %parallel_loop3A_560 = arith.index_cast %parallel_loop3A_559 : i32 to index
      %parallel_loop3A_561 = arith.index_cast %parallel_loop3A_532 : i32 to index
      %parallel_loop3A_562 = arith.constant 32 : index
      %parallel_loop3A_563 = tpu.vector_load %arg12[%parallel_loop3A_560, %parallel_loop3A_561, %parallel_loop3A_562] {strides = array<i32>} : memref<2x128x128xf32, #tpu.memory_space<vmem>>, vector<1x1x16xf32>,
      %parallel_loop3A_564 = vector.shape_cast %parallel_loop3A_563 : vector<1x1x16xf32> to vector<16xf32>
      %parallel_loop3A_565 = arith.constant 1 : i32
      %parallel_loop3A_566 = arith.index_cast %parallel_loop3A_565 : i32 to index
      %parallel_loop3A_567 = arith.index_cast %parallel_loop3A_532 : i32 to index
      %parallel_loop3A_568 = arith.constant 32 : index
      %parallel_loop3A_569 = tpu.vector_load %arg11[%parallel_loop3A_566, %parallel_loop3A_567, %parallel_loop3A_568] {strides = array<i32>} : memref<2x128x128xf32, #tpu.memory_space<vmem>>, vector<1x1x16xf32>,
      %parallel_loop3A_570 = vector.shape_cast %parallel_loop3A_569 : vector<1x1x16xf32> to vector<16xf32>
      %parallel_loop3A_571 = vector.shape_cast %parallel_loop3A_564 : vector<16xf32> to vector<1x1x16xf32>
      tpu.vector_store %arg11[%parallel_loop3A_566, %parallel_loop3A_567, %parallel_loop3A_568], %parallel_loop3A_571 {add = true, strides = array<i32>} : memref<2x128x128xf32, #tpu.memory_space<vmem>>, vector<1x1x16xf32>,
      %parallel_loop3A_572 = arith.constant 1 : i32
      %parallel_loop3A_573 = arith.index_cast %parallel_loop3A_572 : i32 to index
      %parallel_loop3A_574 = arith.index_cast %parallel_loop3A_532 : i32 to index
      %parallel_loop3A_575 = arith.constant 48 : index
      %parallel_loop3A_576 = tpu.vector_load %arg12[%parallel_loop3A_573, %parallel_loop3A_574, %parallel_loop3A_575] {strides = array<i32>} : memref<2x128x128xf32, #tpu.memory_space<vmem>>, vector<1x1x16xf32>,
      %parallel_loop3A_577 = vector.shape_cast %parallel_loop3A_576 : vector<1x1x16xf32> to vector<16xf32>
      %parallel_loop3A_578 = arith.constant 1 : i32
      %parallel_loop3A_579 = arith.index_cast %parallel_loop3A_578 : i32 to index
      %parallel_loop3A_580 = arith.index_cast %parallel_loop3A_532 : i32 to index
      %parallel_loop3A_581 = arith.constant 48 : index
      %parallel_loop3A_582 = tpu.vector_load %arg11[%parallel_loop3A_579, %parallel_loop3A_580, %parallel_loop3A_581] {strides = array<i32>} : memref<2x128x128xf32, #tpu.memory_space<vmem>>, vector<1x1x16xf32>,
      %parallel_loop3A_583 = vector.shape_cast %parallel_loop3A_582 : vector<1x1x16xf32> to vector<16xf32>
      %parallel_loop3A_584 = vector.shape_cast %parallel_loop3A_577 : vector<16xf32> to vector<1x1x16xf32>
      tpu.vector_store %arg11[%parallel_loop3A_579, %parallel_loop3A_580, %parallel_loop3A_581], %parallel_loop3A_584 {add = true, strides = array<i32>} : memref<2x128x128xf32, #tpu.memory_space<vmem>>, vector<1x1x16xf32>,
      %parallel_loop3A_585 = arith.constant 1 : i32
      %parallel_loop3A_586 = arith.index_cast %parallel_loop3A_585 : i32 to index
      %parallel_loop3A_587 = arith.index_cast %parallel_loop3A_532 : i32 to index
      %parallel_loop3A_588 = arith.constant 64 : index
      %parallel_loop3A_589 = tpu.vector_load %arg12[%parallel_loop3A_586, %parallel_loop3A_587, %parallel_loop3A_588] {strides = array<i32>} : memref<2x128x128xf32, #tpu.memory_space<vmem>>, vector<1x1x16xf32>,
      %parallel_loop3A_590 = vector.shape_cast %parallel_loop3A_589 : vector<1x1x16xf32> to vector<16xf32>
      %parallel_loop3A_591 = arith.constant 1 : i32
      %parallel_loop3A_592 = arith.index_cast %parallel_loop3A_591 : i32 to index
      %parallel_loop3A_593 = arith.index_cast %parallel_loop3A_532 : i32 to index
      %parallel_loop3A_594 = arith.constant 64 : index
      %parallel_loop3A_595 = tpu.vector_load %arg11[%parallel_loop3A_592, %parallel_loop3A_593, %parallel_loop3A_594] {strides = array<i32>} : memref<2x128x128xf32, #tpu.memory_space<vmem>>, vector<1x1x16xf32>,
      %parallel_loop3A_596 = vector.shape_cast %parallel_loop3A_595 : vector<1x1x16xf32> to vector<16xf32>
      %parallel_loop3A_597 = vector.shape_cast %parallel_loop3A_590 : vector<16xf32> to vector<1x1x16xf32>
      tpu.vector_store %arg11[%parallel_loop3A_592, %parallel_loop3A_593, %parallel_loop3A_594], %parallel_loop3A_597 {add = true, strides = array<i32>} : memref<2x128x128xf32, #tpu.memory_space<vmem>>, vector<1x1x16xf32>,
      %parallel_loop3A_598 = arith.constant 1 : i32
      %parallel_loop3A_599 = arith.index_cast %parallel_loop3A_598 : i32 to index
      %parallel_loop3A_600 = arith.index_cast %parallel_loop3A_532 : i32 to index
      %parallel_loop3A_601 = arith.constant 80 : index
      %parallel_loop3A_602 = tpu.vector_load %arg12[%parallel_loop3A_599, %parallel_loop3A_600, %parallel_loop3A_601] {strides = array<i32>} : memref<2x128x128xf32, #tpu.memory_space<vmem>>, vector<1x1x16xf32>,
      %parallel_loop3A_603 = vector.shape_cast %parallel_loop3A_602 : vector<1x1x16xf32> to vector<16xf32>
      %parallel_loop3A_604 = arith.constant 1 : i32
      %parallel_loop3A_605 = arith.index_cast %parallel_loop3A_604 : i32 to index
      %parallel_loop3A_606 = arith.index_cast %parallel_loop3A_532 : i32 to index
      %parallel_loop3A_607 = arith.constant 80 : index
      %parallel_loop3A_608 = tpu.vector_load %arg11[%parallel_loop3A_605, %parallel_loop3A_606, %parallel_loop3A_607] {strides = array<i32>} : memref<2x128x128xf32, #tpu.memory_space<vmem>>, vector<1x1x16xf32>,
      %parallel_loop3A_609 = vector.shape_cast %parallel_loop3A_608 : vector<1x1x16xf32> to vector<16xf32>
      %parallel_loop3A_610 = vector.shape_cast %parallel_loop3A_603 : vector<16xf32> to vector<1x1x16xf32>
      tpu.vector_store %arg11[%parallel_loop3A_605, %parallel_loop3A_606, %parallel_loop3A_607], %parallel_loop3A_610 {add = true, strides = array<i32>} : memref<2x128x128xf32, #tpu.memory_space<vmem>>, vector<1x1x16xf32>,
      %parallel_loop3A_611 = arith.constant 1 : i32
      %parallel_loop3A_612 = arith.index_cast %parallel_loop3A_611 : i32 to index
      %parallel_loop3A_613 = arith.index_cast %parallel_loop3A_532 : i32 to index
      %parallel_loop3A_614 = arith.constant 96 : index
      %parallel_loop3A_615 = tpu.vector_load %arg12[%parallel_loop3A_612, %parallel_loop3A_613, %parallel_loop3A_614] {strides = array<i32>} : memref<2x128x128xf32, #tpu.memory_space<vmem>>, vector<1x1x16xf32>,
      %parallel_loop3A_616 = vector.shape_cast %parallel_loop3A_615 : vector<1x1x16xf32> to vector<16xf32>
      %parallel_loop3A_617 = arith.constant 1 : i32
      %parallel_loop3A_618 = arith.index_cast %parallel_loop3A_617 : i32 to index
      %parallel_loop3A_619 = arith.index_cast %parallel_loop3A_532 : i32 to index
      %parallel_loop3A_620 = arith.constant 96 : index
      %parallel_loop3A_621 = tpu.vector_load %arg11[%parallel_loop3A_618, %parallel_loop3A_619, %parallel_loop3A_620] {strides = array<i32>} : memref<2x128x128xf32, #tpu.memory_space<vmem>>, vector<1x1x16xf32>,
      %parallel_loop3A_622 = vector.shape_cast %parallel_loop3A_621 : vector<1x1x16xf32> to vector<16xf32>
      %parallel_loop3A_623 = vector.shape_cast %parallel_loop3A_616 : vector<16xf32> to vector<1x1x16xf32>
      tpu.vector_store %arg11[%parallel_loop3A_618, %parallel_loop3A_619, %parallel_loop3A_620], %parallel_loop3A_623 {add = true, strides = array<i32>} : memref<2x128x128xf32, #tpu.memory_space<vmem>>, vector<1x1x16xf32>,
      %parallel_loop3A_624 = arith.constant 1 : i32
      %parallel_loop3A_625 = arith.index_cast %parallel_loop3A_624 : i32 to index
      %parallel_loop3A_626 = arith.index_cast %parallel_loop3A_532 : i32 to index
      %parallel_loop3A_627 = arith.constant 112 : index
      %parallel_loop3A_628 = tpu.vector_load %arg12[%parallel_loop3A_625, %parallel_loop3A_626, %parallel_loop3A_627] {strides = array<i32>} : memref<2x128x128xf32, #tpu.memory_space<vmem>>, vector<1x1x16xf32>,
      %parallel_loop3A_629 = vector.shape_cast %parallel_loop3A_628 : vector<1x1x16xf32> to vector<16xf32>
      %parallel_loop3A_630 = arith.constant 1 : i32
      %parallel_loop3A_631 = arith.index_cast %parallel_loop3A_630 : i32 to index
      %parallel_loop3A_632 = arith.index_cast %parallel_loop3A_532 : i32 to index
      %parallel_loop3A_633 = arith.constant 112 : index
      %parallel_loop3A_634 = tpu.vector_load %arg11[%parallel_loop3A_631, %parallel_loop3A_632, %parallel_loop3A_633] {strides = array<i32>} : memref<2x128x128xf32, #tpu.memory_space<vmem>>, vector<1x1x16xf32>,
      %parallel_loop3A_635 = vector.shape_cast %parallel_loop3A_634 : vector<1x1x16xf32> to vector<16xf32>
      %parallel_loop3A_636 = vector.shape_cast %parallel_loop3A_629 : vector<16xf32> to vector<1x1x16xf32>
      tpu.vector_store %arg11[%parallel_loop3A_631, %parallel_loop3A_632, %parallel_loop3A_633], %parallel_loop3A_636 {add = true, strides = array<i32>} : memref<2x128x128xf32, #tpu.memory_space<vmem>>, vector<1x1x16xf32>,
    } {sc.loop_unroll_factor = 4 : i64, sc.parallel_access}
    %add3A_259 = arith.constant 1 : i32
    %add3A_260 = arith.addi %mul3A_2, %add3A_259 : i32
    %mul3A_261 = arith.constant 128 : i32
    %mul3A_262 = arith.muli %add3A_260, %mul3A_261 : i32
    %dma_start3A_263 = arith.constant 1 : i32
    %dma_start3A_264 = arith.constant 1 : i32
    %dma_start3A_265 = arith.constant 0 : i32
    %dma_start3A_266 = arith.constant 0 : i32
    %dma_start3A_267 = tpu.memref_slice %arg11[%dma_start3A_263, %dma_start3A_265, %dma_start3A_266] : memref<2x128x128xf32, #tpu.memory_space<vmem>> -> memref<1x128x128xf32, #tpu.memory_space<vmem>>
    %dma_start3A_268 = tpu.memref_squeeze %dma_start3A_267 : memref<1x128x128xf32, #tpu.memory_space<vmem>> -> memref<128x128xf32, #tpu.memory_space<vmem>>
    %dma_start3A_269 = arith.constant 0 : i32
    %dma_start3A_270 = tpu.memref_slice %arg5[%dma_start3A_264, %mul3A_262, %dma_start3A_269] : memref<4x8192x128xf32, #tpu.memory_space<hbm>> -> memref<1x128x128xf32, #tpu.memory_space<hbm>>
    %dma_start3A_271 = tpu.memref_squeeze %dma_start3A_270 : memref<1x128x128xf32, #tpu.memory_space<hbm>> -> memref<128x128xf32, #tpu.memory_space<hbm>>
    %dma_start3A_272 = arith.constant 0 : i32
    %dma_start3A_273 = tpu.memref_slice %arg5[%dma_start3A_264, %mul3A_262, %dma_start3A_272] : memref<4x8192x128xf32, #tpu.memory_space<hbm>> -> memref<1x128x128xf32, #tpu.memory_space<hbm>>
    %dma_start3A_274 = tpu.memref_squeeze %dma_start3A_273 : memref<1x128x128xf32, #tpu.memory_space<hbm>> -> memref<128x128xf32, #tpu.memory_space<hbm>>
    %dma_start3A_275 = arith.constant 0 : i32
    %dma_start3A_276 = arith.constant 0 : i32
    %dma_start3A_277 = tpu.memref_slice %arg11[%dma_start3A_263, %dma_start3A_275, %dma_start3A_276] : memref<2x128x128xf32, #tpu.memory_space<vmem>> -> memref<1x128x128xf32, #tpu.memory_space<vmem>>
    %dma_start3A_278 = tpu.memref_squeeze %dma_start3A_277 : memref<1x128x128xf32, #tpu.memory_space<vmem>> -> memref<128x128xf32, #tpu.memory_space<vmem>>
    tpu.enqueue_dma source(%dma_start3A_278 : memref<128x128xf32, #tpu.memory_space<vmem>>) target(%dma_start3A_274 : memref<128x128xf32, #tpu.memory_space<hbm>>) target_semaphore(%arg20 : memref<!tpu.dma_semaphore, #tpu.memory_space<semaphore_mem>>)
    %dma_wait3A_279 = arith.constant 3 : i32
    %dma_wait3A_280 = tpu.memref_slice %arg2[%dma_wait3A_279, %mul3A_24] : memref<4x8192xi32, #tpu.memory_space<hbm>> -> memref<1x256xi32, #tpu.memory_space<hbm>>
    %dma_wait3A_281 = tpu.memref_squeeze %dma_wait3A_280 : memref<1x256xi32, #tpu.memory_space<hbm>> -> memref<256xi32, #tpu.memory_space<hbm>>
    %dma_wait3A_282 = tpu.memref_slice %arg2[%dma_wait3A_279, %mul3A_24] : memref<4x8192xi32, #tpu.memory_space<hbm>> -> memref<1x256xi32, #tpu.memory_space<hbm>>
    %dma_wait3A_283 = tpu.memref_squeeze %dma_wait3A_282 : memref<1x256xi32, #tpu.memory_space<hbm>> -> memref<256xi32, #tpu.memory_space<hbm>>
    tpu.wait_dma2 semaphore(%arg16 : memref<!tpu.dma_semaphore, #tpu.memory_space<semaphore_mem>>) src(%dma_wait3A_283 : memref<256xi32, #tpu.memory_space<hbm>>) dst(%arg9 : memref<256xi32, #tpu.memory_space<vmem>>)
    %dma_wait3A_284 = arith.constant 0 : i32
    %dma_wait3A_285 = arith.constant 1 : i32
    %dma_wait3A_286 = arith.constant 0 : i32
    %dma_wait3A_287 = arith.constant 0 : i32
    %dma_wait3A_288 = tpu.memref_slice %arg11[%dma_wait3A_284, %dma_wait3A_286, %dma_wait3A_287] : memref<2x128x128xf32, #tpu.memory_space<vmem>> -> memref<1x128x128xf32, #tpu.memory_space<vmem>>
    %dma_wait3A_289 = tpu.memref_squeeze %dma_wait3A_288 : memref<1x128x128xf32, #tpu.memory_space<vmem>> -> memref<128x128xf32, #tpu.memory_space<vmem>>
    %dma_wait3A_290 = arith.constant 0 : i32
    %dma_wait3A_291 = tpu.memref_slice %arg5[%dma_wait3A_285, %mul3A_229, %dma_wait3A_290] : memref<4x8192x128xf32, #tpu.memory_space<hbm>> -> memref<1x128x128xf32, #tpu.memory_space<hbm>>
    %dma_wait3A_292 = tpu.memref_squeeze %dma_wait3A_291 : memref<1x128x128xf32, #tpu.memory_space<hbm>> -> memref<128x128xf32, #tpu.memory_space<hbm>>
    %dma_wait3A_293 = arith.constant 0 : i32
    %dma_wait3A_294 = tpu.memref_slice %arg5[%dma_wait3A_285, %mul3A_229, %dma_wait3A_293] : memref<4x8192x128xf32, #tpu.memory_space<hbm>> -> memref<1x128x128xf32, #tpu.memory_space<hbm>>
    %dma_wait3A_295 = tpu.memref_squeeze %dma_wait3A_294 : memref<1x128x128xf32, #tpu.memory_space<hbm>> -> memref<128x128xf32, #tpu.memory_space<hbm>>
    %dma_wait3A_296 = arith.constant 0 : i32
    %dma_wait3A_297 = arith.constant 0 : i32
    %dma_wait3A_298 = tpu.memref_slice %arg11[%dma_wait3A_284, %dma_wait3A_296, %dma_wait3A_297] : memref<2x128x128xf32, #tpu.memory_space<vmem>> -> memref<1x128x128xf32, #tpu.memory_space<vmem>>
    %dma_wait3A_299 = tpu.memref_squeeze %dma_wait3A_298 : memref<1x128x128xf32, #tpu.memory_space<vmem>> -> memref<128x128xf32, #tpu.memory_space<vmem>>
    tpu.wait_dma2 semaphore(%arg20 : memref<!tpu.dma_semaphore, #tpu.memory_space<semaphore_mem>>) src(%dma_wait3A_299 : memref<128x128xf32, #tpu.memory_space<vmem>>) dst(%dma_wait3A_295 : memref<128x128xf32, #tpu.memory_space<hbm>>)
    %dma_wait3A_300 = arith.constant 1 : i32
    %dma_wait3A_301 = arith.constant 1 : i32
    %dma_wait3A_302 = arith.constant 0 : i32
    %dma_wait3A_303 = arith.constant 0 : i32
    %dma_wait3A_304 = tpu.memref_slice %arg11[%dma_wait3A_300, %dma_wait3A_302, %dma_wait3A_303] : memref<2x128x128xf32, #tpu.memory_space<vmem>> -> memref<1x128x128xf32, #tpu.memory_space<vmem>>
    %dma_wait3A_305 = tpu.memref_squeeze %dma_wait3A_304 : memref<1x128x128xf32, #tpu.memory_space<vmem>> -> memref<128x128xf32, #tpu.memory_space<vmem>>
    %dma_wait3A_306 = arith.constant 0 : i32
    %dma_wait3A_307 = tpu.memref_slice %arg5[%dma_wait3A_301, %mul3A_262, %dma_wait3A_306] : memref<4x8192x128xf32, #tpu.memory_space<hbm>> -> memref<1x128x128xf32, #tpu.memory_space<hbm>>
    %dma_wait3A_308 = tpu.memref_squeeze %dma_wait3A_307 : memref<1x128x128xf32, #tpu.memory_space<hbm>> -> memref<128x128xf32, #tpu.memory_space<hbm>>
    %dma_wait3A_309 = arith.constant 0 : i32
    %dma_wait3A_310 = tpu.memref_slice %arg5[%dma_wait3A_301, %mul3A_262, %dma_wait3A_309] : memref<4x8192x128xf32, #tpu.memory_space<hbm>> -> memref<1x128x128xf32, #tpu.memory_space<hbm>>
    %dma_wait3A_311 = tpu.memref_squeeze %dma_wait3A_310 : memref<1x128x128xf32, #tpu.memory_space<hbm>> -> memref<128x128xf32, #tpu.memory_space<hbm>>
    %dma_wait3A_312 = arith.constant 0 : i32
    %dma_wait3A_313 = arith.constant 0 : i32
    %dma_wait3A_314 = tpu.memref_slice %arg11[%dma_wait3A_300, %dma_wait3A_312, %dma_wait3A_313] : memref<2x128x128xf32, #tpu.memory_space<vmem>> -> memref<1x128x128xf32, #tpu.memory_space<vmem>>
    %dma_wait3A_315 = tpu.memref_squeeze %dma_wait3A_314 : memref<1x128x128xf32, #tpu.memory_space<vmem>> -> memref<128x128xf32, #tpu.memory_space<vmem>>
    tpu.wait_dma2 semaphore(%arg20 : memref<!tpu.dma_semaphore, #tpu.memory_space<semaphore_mem>>) src(%dma_wait3A_315 : memref<128x128xf32, #tpu.memory_space<vmem>>) dst(%dma_wait3A_311 : memref<128x128xf32, #tpu.memory_space<hbm>>)
    %dma_start3A_316 = arith.constant 0 : i32
    %dma_start3A_317 = arith.constant 0 : i32
    %dma_start3A_318 = arith.constant 0 : i32
    %dma_start3A_319 = tpu.memref_slice %arg11[%dma_start3A_316, %dma_start3A_317, %dma_start3A_318] : memref<2x128x128xf32, #tpu.memory_space<vmem>> -> memref<1x128x128xf32, #tpu.memory_space<vmem>>
    %dma_start3A_320 = tpu.memref_squeeze %dma_start3A_319 : memref<1x128x128xf32, #tpu.memory_space<vmem>> -> memref<128x128xf32, #tpu.memory_space<vmem>>
    %dma_start3A_321 = arith.constant 0 : i32
    %dma_start3A_322 = tpu.memref_slice %arg9[%dma_start3A_321] : memref<256xi32, #tpu.memory_space<vmem>> -> memref<128xi32, #tpu.memory_space<vmem>>
    %dma_start3A_323 = arith.constant 0 : i32
    %dma_start3A_324 = arith.constant 0 : i32
    %dma_start3A_325 = tpu.memref_slice %arg3[%dma_start3A_323, %dma_start3A_324] : memref<1000000x128xf32, #tpu.memory_space<hbm>> -> memref<1000000x128xf32, #tpu.memory_space<hbm>>
    tpu.enqueue_indirect_dma source(%dma_start3A_325 : memref<1000000x128xf32, #tpu.memory_space<hbm>>) target(%dma_start3A_320 : memref<128x128xf32, #tpu.memory_space<vmem>>) offsets(%dma_start3A_322 : memref<128xi32, #tpu.memory_space<vmem>>) semaphore(%arg18 : memref<!tpu.dma_semaphore, #tpu.memory_space<semaphore_mem>>)
    %dma_start3A_326 = arith.constant 1 : i32
    %dma_start3A_327 = arith.constant 0 : i32
    %dma_start3A_328 = arith.constant 0 : i32
    %dma_start3A_329 = tpu.memref_slice %arg11[%dma_start3A_326, %dma_start3A_327, %dma_start3A_328] : memref<2x128x128xf32, #tpu.memory_space<vmem>> -> memref<1x128x128xf32, #tpu.memory_space<vmem>>
    %dma_start3A_330 = tpu.memref_squeeze %dma_start3A_329 : memref<1x128x128xf32, #tpu.memory_space<vmem>> -> memref<128x128xf32, #tpu.memory_space<vmem>>
    %dma_start3A_331 = arith.constant 128 : i32
    %dma_start3A_332 = tpu.memref_slice %arg9[%dma_start3A_331] : memref<256xi32, #tpu.memory_space<vmem>> -> memref<128xi32, #tpu.memory_space<vmem>>
    %dma_start3A_333 = arith.constant 0 : i32
    %dma_start3A_334 = arith.constant 0 : i32
    %dma_start3A_335 = tpu.memref_slice %arg3[%dma_start3A_333, %dma_start3A_334] : memref<1000000x128xf32, #tpu.memory_space<hbm>> -> memref<1000000x128xf32, #tpu.memory_space<hbm>>
    tpu.enqueue_indirect_dma source(%dma_start3A_335 : memref<1000000x128xf32, #tpu.memory_space<hbm>>) target(%dma_start3A_330 : memref<128x128xf32, #tpu.memory_space<vmem>>) offsets(%dma_start3A_332 : memref<128xi32, #tpu.memory_space<vmem>>) semaphore(%arg18 : memref<!tpu.dma_semaphore, #tpu.memory_space<semaphore_mem>>)
    %dma_wait3A_336 = arith.constant 0 : i32
    %dma_wait3A_337 = arith.constant 0 : i32
    %dma_wait3A_338 = arith.constant 0 : i32
    %dma_wait3A_339 = tpu.memref_slice %arg10[%dma_wait3A_336, %dma_wait3A_337, %dma_wait3A_338] : memref<2x128x128xf32, #tpu.memory_space<vmem>> -> memref<1x128x128xf32, #tpu.memory_space<vmem>>
    %dma_wait3A_340 = tpu.memref_squeeze %dma_wait3A_339 : memref<1x128x128xf32, #tpu.memory_space<vmem>> -> memref<128x128xf32, #tpu.memory_space<vmem>>
    %dma_wait3A_341 = arith.constant 0 : i32
    %dma_wait3A_342 = tpu.memref_slice %arg8[%dma_wait3A_341] : memref<256xi32, #tpu.memory_space<vmem>> -> memref<128xi32, #tpu.memory_space<vmem>>
    %dma_wait3A_343 = arith.constant 0 : i32
    %dma_wait3A_344 = arith.constant 0 : i32
    %dma_wait3A_345 = tpu.memref_slice %arg3[%dma_wait3A_343, %dma_wait3A_344] : memref<1000000x128xf32, #tpu.memory_space<hbm>> -> memref<1000000x128xf32, #tpu.memory_space<hbm>>
    tpu.wait_indirect_dma semaphore(%arg17 : memref<!tpu.dma_semaphore, #tpu.memory_space<semaphore_mem>>) src(%dma_wait3A_345 : memref<1000000x128xf32, #tpu.memory_space<hbm>>) dst(%dma_wait3A_340 : memref<128x128xf32, #tpu.memory_space<vmem>>)
    %parallel_loop3A_346 = arith.constant 0 : i32
    %parallel_loop3A_347 = arith.constant 128 : i32
    %parallel_loop3A_348 = arith.constant 1 : i32
    scf.for %parallel_loop3A_532 = %parallel_loop3A_346 to %parallel_loop3A_347 step %parallel_loop3A_348  : i32 {
      %parallel_loop3A_533 = arith.constant 0 : i32
      %parallel_loop3A_534 = arith.index_cast %parallel_loop3A_533 : i32 to index
      %parallel_loop3A_535 = arith.index_cast %parallel_loop3A_532 : i32 to index
      %parallel_loop3A_536 = arith.constant 0 : index
      %parallel_loop3A_537 = tpu.vector_load %arg12[%parallel_loop3A_534, %parallel_loop3A_535, %parallel_loop3A_536] {strides = array<i32>} : memref<2x128x128xf32, #tpu.memory_space<vmem>>, vector<1x1x16xf32>,
      %parallel_loop3A_538 = vector.shape_cast %parallel_loop3A_537 : vector<1x1x16xf32> to vector<16xf32>
      %parallel_loop3A_539 = arith.constant 0 : i32
      %parallel_loop3A_540 = arith.index_cast %parallel_loop3A_539 : i32 to index
      %parallel_loop3A_541 = arith.index_cast %parallel_loop3A_532 : i32 to index
      %parallel_loop3A_542 = arith.constant 0 : index
      %parallel_loop3A_543 = tpu.vector_load %arg10[%parallel_loop3A_540, %parallel_loop3A_541, %parallel_loop3A_542] {strides = array<i32>} : memref<2x128x128xf32, #tpu.memory_space<vmem>>, vector<1x1x16xf32>,
      %parallel_loop3A_544 = vector.shape_cast %parallel_loop3A_543 : vector<1x1x16xf32> to vector<16xf32>
      %parallel_loop3A_545 = vector.shape_cast %parallel_loop3A_538 : vector<16xf32> to vector<1x1x16xf32>
      tpu.vector_store %arg10[%parallel_loop3A_540, %parallel_loop3A_541, %parallel_loop3A_542], %parallel_loop3A_545 {add = true, strides = array<i32>} : memref<2x128x128xf32, #tpu.memory_space<vmem>>, vector<1x1x16xf32>,
      %parallel_loop3A_546 = arith.constant 0 : i32
      %parallel_loop3A_547 = arith.index_cast %parallel_loop3A_546 : i32 to index
      %parallel_loop3A_548 = arith.index_cast %parallel_loop3A_532 : i32 to index
      %parallel_loop3A_549 = arith.constant 16 : index
      %parallel_loop3A_550 = tpu.vector_load %arg12[%parallel_loop3A_547, %parallel_loop3A_548, %parallel_loop3A_549] {strides = array<i32>} : memref<2x128x128xf32, #tpu.memory_space<vmem>>, vector<1x1x16xf32>,
      %parallel_loop3A_551 = vector.shape_cast %parallel_loop3A_550 : vector<1x1x16xf32> to vector<16xf32>
      %parallel_loop3A_552 = arith.constant 0 : i32
      %parallel_loop3A_553 = arith.index_cast %parallel_loop3A_552 : i32 to index
      %parallel_loop3A_554 = arith.index_cast %parallel_loop3A_532 : i32 to index
      %parallel_loop3A_555 = arith.constant 16 : index
      %parallel_loop3A_556 = tpu.vector_load %arg10[%parallel_loop3A_553, %parallel_loop3A_554, %parallel_loop3A_555] {strides = array<i32>} : memref<2x128x128xf32, #tpu.memory_space<vmem>>, vector<1x1x16xf32>,
      %parallel_loop3A_557 = vector.shape_cast %parallel_loop3A_556 : vector<1x1x16xf32> to vector<16xf32>
      %parallel_loop3A_558 = vector.shape_cast %parallel_loop3A_551 : vector<16xf32> to vector<1x1x16xf32>
      tpu.vector_store %arg10[%parallel_loop3A_553, %parallel_loop3A_554, %parallel_loop3A_555], %parallel_loop3A_558 {add = true, strides = array<i32>} : memref<2x128x128xf32, #tpu.memory_space<vmem>>, vector<1x1x16xf32>,
      %parallel_loop3A_559 = arith.constant 0 : i32
      %parallel_loop3A_560 = arith.index_cast %parallel_loop3A_559 : i32 to index
      %parallel_loop3A_561 = arith.index_cast %parallel_loop3A_532 : i32 to index
      %parallel_loop3A_562 = arith.constant 32 : index
      %parallel_loop3A_563 = tpu.vector_load %arg12[%parallel_loop3A_560, %parallel_loop3A_561, %parallel_loop3A_562] {strides = array<i32>} : memref<2x128x128xf32, #tpu.memory_space<vmem>>, vector<1x1x16xf32>,
      %parallel_loop3A_564 = vector.shape_cast %parallel_loop3A_563 : vector<1x1x16xf32> to vector<16xf32>
      %parallel_loop3A_565 = arith.constant 0 : i32
      %parallel_loop3A_566 = arith.index_cast %parallel_loop3A_565 : i32 to index
      %parallel_loop3A_567 = arith.index_cast %parallel_loop3A_532 : i32 to index
      %parallel_loop3A_568 = arith.constant 32 : index
      %parallel_loop3A_569 = tpu.vector_load %arg10[%parallel_loop3A_566, %parallel_loop3A_567, %parallel_loop3A_568] {strides = array<i32>} : memref<2x128x128xf32, #tpu.memory_space<vmem>>, vector<1x1x16xf32>,
      %parallel_loop3A_570 = vector.shape_cast %parallel_loop3A_569 : vector<1x1x16xf32> to vector<16xf32>
      %parallel_loop3A_571 = vector.shape_cast %parallel_loop3A_564 : vector<16xf32> to vector<1x1x16xf32>
      tpu.vector_store %arg10[%parallel_loop3A_566, %parallel_loop3A_567, %parallel_loop3A_568], %parallel_loop3A_571 {add = true, strides = array<i32>} : memref<2x128x128xf32, #tpu.memory_space<vmem>>, vector<1x1x16xf32>,
      %parallel_loop3A_572 = arith.constant 0 : i32
      %parallel_loop3A_573 = arith.index_cast %parallel_loop3A_572 : i32 to index
      %parallel_loop3A_574 = arith.index_cast %parallel_loop3A_532 : i32 to index
      %parallel_loop3A_575 = arith.constant 48 : index
      %parallel_loop3A_576 = tpu.vector_load %arg12[%parallel_loop3A_573, %parallel_loop3A_574, %parallel_loop3A_575] {strides = array<i32>} : memref<2x128x128xf32, #tpu.memory_space<vmem>>, vector<1x1x16xf32>,
      %parallel_loop3A_577 = vector.shape_cast %parallel_loop3A_576 : vector<1x1x16xf32> to vector<16xf32>
      %parallel_loop3A_578 = arith.constant 0 : i32
      %parallel_loop3A_579 = arith.index_cast %parallel_loop3A_578 : i32 to index
      %parallel_loop3A_580 = arith.index_cast %parallel_loop3A_532 : i32 to index
      %parallel_loop3A_581 = arith.constant 48 : index
      %parallel_loop3A_582 = tpu.vector_load %arg10[%parallel_loop3A_579, %parallel_loop3A_580, %parallel_loop3A_581] {strides = array<i32>} : memref<2x128x128xf32, #tpu.memory_space<vmem>>, vector<1x1x16xf32>,
      %parallel_loop3A_583 = vector.shape_cast %parallel_loop3A_582 : vector<1x1x16xf32> to vector<16xf32>
      %parallel_loop3A_584 = vector.shape_cast %parallel_loop3A_577 : vector<16xf32> to vector<1x1x16xf32>
      tpu.vector_store %arg10[%parallel_loop3A_579, %parallel_loop3A_580, %parallel_loop3A_581], %parallel_loop3A_584 {add = true, strides = array<i32>} : memref<2x128x128xf32, #tpu.memory_space<vmem>>, vector<1x1x16xf32>,
      %parallel_loop3A_585 = arith.constant 0 : i32
      %parallel_loop3A_586 = arith.index_cast %parallel_loop3A_585 : i32 to index
      %parallel_loop3A_587 = arith.index_cast %parallel_loop3A_532 : i32 to index
      %parallel_loop3A_588 = arith.constant 64 : index
      %parallel_loop3A_589 = tpu.vector_load %arg12[%parallel_loop3A_586, %parallel_loop3A_587, %parallel_loop3A_588] {strides = array<i32>} : memref<2x128x128xf32, #tpu.memory_space<vmem>>, vector<1x1x16xf32>,
      %parallel_loop3A_590 = vector.shape_cast %parallel_loop3A_589 : vector<1x1x16xf32> to vector<16xf32>
      %parallel_loop3A_591 = arith.constant 0 : i32
      %parallel_loop3A_592 = arith.index_cast %parallel_loop3A_591 : i32 to index
      %parallel_loop3A_593 = arith.index_cast %parallel_loop3A_532 : i32 to index
      %parallel_loop3A_594 = arith.constant 64 : index
      %parallel_loop3A_595 = tpu.vector_load %arg10[%parallel_loop3A_592, %parallel_loop3A_593, %parallel_loop3A_594] {strides = array<i32>} : memref<2x128x128xf32, #tpu.memory_space<vmem>>, vector<1x1x16xf32>,
      %parallel_loop3A_596 = vector.shape_cast %parallel_loop3A_595 : vector<1x1x16xf32> to vector<16xf32>
      %parallel_loop3A_597 = vector.shape_cast %parallel_loop3A_590 : vector<16xf32> to vector<1x1x16xf32>
      tpu.vector_store %arg10[%parallel_loop3A_592, %parallel_loop3A_593, %parallel_loop3A_594], %parallel_loop3A_597 {add = true, strides = array<i32>} : memref<2x128x128xf32, #tpu.memory_space<vmem>>, vector<1x1x16xf32>,
      %parallel_loop3A_598 = arith.constant 0 : i32
      %parallel_loop3A_599 = arith.index_cast %parallel_loop3A_598 : i32 to index
      %parallel_loop3A_600 = arith.index_cast %parallel_loop3A_532 : i32 to index
      %parallel_loop3A_601 = arith.constant 80 : index
      %parallel_loop3A_602 = tpu.vector_load %arg12[%parallel_loop3A_599, %parallel_loop3A_600, %parallel_loop3A_601] {strides = array<i32>} : memref<2x128x128xf32, #tpu.memory_space<vmem>>, vector<1x1x16xf32>,
      %parallel_loop3A_603 = vector.shape_cast %parallel_loop3A_602 : vector<1x1x16xf32> to vector<16xf32>
      %parallel_loop3A_604 = arith.constant 0 : i32
      %parallel_loop3A_605 = arith.index_cast %parallel_loop3A_604 : i32 to index
      %parallel_loop3A_606 = arith.index_cast %parallel_loop3A_532 : i32 to index
      %parallel_loop3A_607 = arith.constant 80 : index
      %parallel_loop3A_608 = tpu.vector_load %arg10[%parallel_loop3A_605, %parallel_loop3A_606, %parallel_loop3A_607] {strides = array<i32>} : memref<2x128x128xf32, #tpu.memory_space<vmem>>, vector<1x1x16xf32>,
      %parallel_loop3A_609 = vector.shape_cast %parallel_loop3A_608 : vector<1x1x16xf32> to vector<16xf32>
      %parallel_loop3A_610 = vector.shape_cast %parallel_loop3A_603 : vector<16xf32> to vector<1x1x16xf32>
      tpu.vector_store %arg10[%parallel_loop3A_605, %parallel_loop3A_606, %parallel_loop3A_607], %parallel_loop3A_610 {add = true, strides = array<i32>} : memref<2x128x128xf32, #tpu.memory_space<vmem>>, vector<1x1x16xf32>,
      %parallel_loop3A_611 = arith.constant 0 : i32
      %parallel_loop3A_612 = arith.index_cast %parallel_loop3A_611 : i32 to index
      %parallel_loop3A_613 = arith.index_cast %parallel_loop3A_532 : i32 to index
      %parallel_loop3A_614 = arith.constant 96 : index
      %parallel_loop3A_615 = tpu.vector_load %arg12[%parallel_loop3A_612, %parallel_loop3A_613, %parallel_loop3A_614] {strides = array<i32>} : memref<2x128x128xf32, #tpu.memory_space<vmem>>, vector<1x1x16xf32>,
      %parallel_loop3A_616 = vector.shape_cast %parallel_loop3A_615 : vector<1x1x16xf32> to vector<16xf32>
      %parallel_loop3A_617 = arith.constant 0 : i32
      %parallel_loop3A_618 = arith.index_cast %parallel_loop3A_617 : i32 to index
      %parallel_loop3A_619 = arith.index_cast %parallel_loop3A_532 : i32 to index
      %parallel_loop3A_620 = arith.constant 96 : index
      %parallel_loop3A_621 = tpu.vector_load %arg10[%parallel_loop3A_618, %parallel_loop3A_619, %parallel_loop3A_620] {strides = array<i32>} : memref<2x128x128xf32, #tpu.memory_space<vmem>>, vector<1x1x16xf32>,
      %parallel_loop3A_622 = vector.shape_cast %parallel_loop3A_621 : vector<1x1x16xf32> to vector<16xf32>
      %parallel_loop3A_623 = vector.shape_cast %parallel_loop3A_616 : vector<16xf32> to vector<1x1x16xf32>
      tpu.vector_store %arg10[%parallel_loop3A_618, %parallel_loop3A_619, %parallel_loop3A_620], %parallel_loop3A_623 {add = true, strides = array<i32>} : memref<2x128x128xf32, #tpu.memory_space<vmem>>, vector<1x1x16xf32>,
      %parallel_loop3A_624 = arith.constant 0 : i32
      %parallel_loop3A_625 = arith.index_cast %parallel_loop3A_624 : i32 to index
      %parallel_loop3A_626 = arith.index_cast %parallel_loop3A_532 : i32 to index
      %parallel_loop3A_627 = arith.constant 112 : index
      %parallel_loop3A_628 = tpu.vector_load %arg12[%parallel_loop3A_625, %parallel_loop3A_626, %parallel_loop3A_627] {strides = array<i32>} : memref<2x128x128xf32, #tpu.memory_space<vmem>>, vector<1x1x16xf32>,
      %parallel_loop3A_629 = vector.shape_cast %parallel_loop3A_628 : vector<1x1x16xf32> to vector<16xf32>
      %parallel_loop3A_630 = arith.constant 0 : i32
      %parallel_loop3A_631 = arith.index_cast %parallel_loop3A_630 : i32 to index
      %parallel_loop3A_632 = arith.index_cast %parallel_loop3A_532 : i32 to index
      %parallel_loop3A_633 = arith.constant 112 : index
      %parallel_loop3A_634 = tpu.vector_load %arg10[%parallel_loop3A_631, %parallel_loop3A_632, %parallel_loop3A_633] {strides = array<i32>} : memref<2x128x128xf32, #tpu.memory_space<vmem>>, vector<1x1x16xf32>,
      %parallel_loop3A_635 = vector.shape_cast %parallel_loop3A_634 : vector<1x1x16xf32> to vector<16xf32>
      %parallel_loop3A_636 = vector.shape_cast %parallel_loop3A_629 : vector<16xf32> to vector<1x1x16xf32>
      tpu.vector_store %arg10[%parallel_loop3A_631, %parallel_loop3A_632, %parallel_loop3A_633], %parallel_loop3A_636 {add = true, strides = array<i32>} : memref<2x128x128xf32, #tpu.memory_space<vmem>>, vector<1x1x16xf32>,
    } {sc.loop_unroll_factor = 4 : i64, sc.parallel_access}
    %add3A_349 = arith.constant 0 : i32
    %add3A_350 = arith.addi %mul3A_2, %add3A_349 : i32
    %mul3A_351 = arith.constant 128 : i32
    %mul3A_352 = arith.muli %add3A_350, %mul3A_351 : i32
    %dma_start3A_353 = arith.constant 0 : i32
    %dma_start3A_354 = arith.constant 2 : i32
    %dma_start3A_355 = arith.constant 0 : i32
    %dma_start3A_356 = arith.constant 0 : i32
    %dma_start3A_357 = tpu.memref_slice %arg10[%dma_start3A_353, %dma_start3A_355, %dma_start3A_356] : memref<2x128x128xf32, #tpu.memory_space<vmem>> -> memref<1x128x128xf32, #tpu.memory_space<vmem>>
    %dma_start3A_358 = tpu.memref_squeeze %dma_start3A_357 : memref<1x128x128xf32, #tpu.memory_space<vmem>> -> memref<128x128xf32, #tpu.memory_space<vmem>>
    %dma_start3A_359 = arith.constant 0 : i32
    %dma_start3A_360 = tpu.memref_slice %arg5[%dma_start3A_354, %mul3A_352, %dma_start3A_359] : memref<4x8192x128xf32, #tpu.memory_space<hbm>> -> memref<1x128x128xf32, #tpu.memory_space<hbm>>
    %dma_start3A_361 = tpu.memref_squeeze %dma_start3A_360 : memref<1x128x128xf32, #tpu.memory_space<hbm>> -> memref<128x128xf32, #tpu.memory_space<hbm>>
    %dma_start3A_362 = arith.constant 0 : i32
    %dma_start3A_363 = tpu.memref_slice %arg5[%dma_start3A_354, %mul3A_352, %dma_start3A_362] : memref<4x8192x128xf32, #tpu.memory_space<hbm>> -> memref<1x128x128xf32, #tpu.memory_space<hbm>>
    %dma_start3A_364 = tpu.memref_squeeze %dma_start3A_363 : memref<1x128x128xf32, #tpu.memory_space<hbm>> -> memref<128x128xf32, #tpu.memory_space<hbm>>
    %dma_start3A_365 = arith.constant 0 : i32
    %dma_start3A_366 = arith.constant 0 : i32
    %dma_start3A_367 = tpu.memref_slice %arg10[%dma_start3A_353, %dma_start3A_365, %dma_start3A_366] : memref<2x128x128xf32, #tpu.memory_space<vmem>> -> memref<1x128x128xf32, #tpu.memory_space<vmem>>
    %dma_start3A_368 = tpu.memref_squeeze %dma_start3A_367 : memref<1x128x128xf32, #tpu.memory_space<vmem>> -> memref<128x128xf32, #tpu.memory_space<vmem>>
    tpu.enqueue_dma source(%dma_start3A_368 : memref<128x128xf32, #tpu.memory_space<vmem>>) target(%dma_start3A_364 : memref<128x128xf32, #tpu.memory_space<hbm>>) target_semaphore(%arg19 : memref<!tpu.dma_semaphore, #tpu.memory_space<semaphore_mem>>)
    %dma_wait3A_369 = arith.constant 1 : i32
    %dma_wait3A_370 = arith.constant 0 : i32
    %dma_wait3A_371 = arith.constant 0 : i32
    %dma_wait3A_372 = tpu.memref_slice %arg10[%dma_wait3A_369, %dma_wait3A_370, %dma_wait3A_371] : memref<2x128x128xf32, #tpu.memory_space<vmem>> -> memref<1x128x128xf32, #tpu.memory_space<vmem>>
    %dma_wait3A_373 = tpu.memref_squeeze %dma_wait3A_372 : memref<1x128x128xf32, #tpu.memory_space<vmem>> -> memref<128x128xf32, #tpu.memory_space<vmem>>
    %dma_wait3A_374 = arith.constant 128 : i32
    %dma_wait3A_375 = tpu.memref_slice %arg8[%dma_wait3A_374] : memref<256xi32, #tpu.memory_space<vmem>> -> memref<128xi32, #tpu.memory_space<vmem>>
    %dma_wait3A_376 = arith.constant 0 : i32
    %dma_wait3A_377 = arith.constant 0 : i32
    %dma_wait3A_378 = tpu.memref_slice %arg3[%dma_wait3A_376, %dma_wait3A_377] : memref<1000000x128xf32, #tpu.memory_space<hbm>> -> memref<1000000x128xf32, #tpu.memory_space<hbm>>
    tpu.wait_indirect_dma semaphore(%arg17 : memref<!tpu.dma_semaphore, #tpu.memory_space<semaphore_mem>>) src(%dma_wait3A_378 : memref<1000000x128xf32, #tpu.memory_space<hbm>>) dst(%dma_wait3A_373 : memref<128x128xf32, #tpu.memory_space<vmem>>)
    %parallel_loop3A_379 = arith.constant 0 : i32
    %parallel_loop3A_380 = arith.constant 128 : i32
    %parallel_loop3A_381 = arith.constant 1 : i32
    scf.for %parallel_loop3A_532 = %parallel_loop3A_379 to %parallel_loop3A_380 step %parallel_loop3A_381  : i32 {
      %parallel_loop3A_533 = arith.constant 1 : i32
      %parallel_loop3A_534 = arith.index_cast %parallel_loop3A_533 : i32 to index
      %parallel_loop3A_535 = arith.index_cast %parallel_loop3A_532 : i32 to index
      %parallel_loop3A_536 = arith.constant 0 : index
      %parallel_loop3A_537 = tpu.vector_load %arg12[%parallel_loop3A_534, %parallel_loop3A_535, %parallel_loop3A_536] {strides = array<i32>} : memref<2x128x128xf32, #tpu.memory_space<vmem>>, vector<1x1x16xf32>,
      %parallel_loop3A_538 = vector.shape_cast %parallel_loop3A_537 : vector<1x1x16xf32> to vector<16xf32>
      %parallel_loop3A_539 = arith.constant 1 : i32
      %parallel_loop3A_540 = arith.index_cast %parallel_loop3A_539 : i32 to index
      %parallel_loop3A_541 = arith.index_cast %parallel_loop3A_532 : i32 to index
      %parallel_loop3A_542 = arith.constant 0 : index
      %parallel_loop3A_543 = tpu.vector_load %arg10[%parallel_loop3A_540, %parallel_loop3A_541, %parallel_loop3A_542] {strides = array<i32>} : memref<2x128x128xf32, #tpu.memory_space<vmem>>, vector<1x1x16xf32>,
      %parallel_loop3A_544 = vector.shape_cast %parallel_loop3A_543 : vector<1x1x16xf32> to vector<16xf32>
      %parallel_loop3A_545 = vector.shape_cast %parallel_loop3A_538 : vector<16xf32> to vector<1x1x16xf32>
      tpu.vector_store %arg10[%parallel_loop3A_540, %parallel_loop3A_541, %parallel_loop3A_542], %parallel_loop3A_545 {add = true, strides = array<i32>} : memref<2x128x128xf32, #tpu.memory_space<vmem>>, vector<1x1x16xf32>,
      %parallel_loop3A_546 = arith.constant 1 : i32
      %parallel_loop3A_547 = arith.index_cast %parallel_loop3A_546 : i32 to index
      %parallel_loop3A_548 = arith.index_cast %parallel_loop3A_532 : i32 to index
      %parallel_loop3A_549 = arith.constant 16 : index
      %parallel_loop3A_550 = tpu.vector_load %arg12[%parallel_loop3A_547, %parallel_loop3A_548, %parallel_loop3A_549] {strides = array<i32>} : memref<2x128x128xf32, #tpu.memory_space<vmem>>, vector<1x1x16xf32>,
      %parallel_loop3A_551 = vector.shape_cast %parallel_loop3A_550 : vector<1x1x16xf32> to vector<16xf32>
      %parallel_loop3A_552 = arith.constant 1 : i32
      %parallel_loop3A_553 = arith.index_cast %parallel_loop3A_552 : i32 to index
      %parallel_loop3A_554 = arith.index_cast %parallel_loop3A_532 : i32 to index
      %parallel_loop3A_555 = arith.constant 16 : index
      %parallel_loop3A_556 = tpu.vector_load %arg10[%parallel_loop3A_553, %parallel_loop3A_554, %parallel_loop3A_555] {strides = array<i32>} : memref<2x128x128xf32, #tpu.memory_space<vmem>>, vector<1x1x16xf32>,
      %parallel_loop3A_557 = vector.shape_cast %parallel_loop3A_556 : vector<1x1x16xf32> to vector<16xf32>
      %parallel_loop3A_558 = vector.shape_cast %parallel_loop3A_551 : vector<16xf32> to vector<1x1x16xf32>
      tpu.vector_store %arg10[%parallel_loop3A_553, %parallel_loop3A_554, %parallel_loop3A_555], %parallel_loop3A_558 {add = true, strides = array<i32>} : memref<2x128x128xf32, #tpu.memory_space<vmem>>, vector<1x1x16xf32>,
      %parallel_loop3A_559 = arith.constant 1 : i32
      %parallel_loop3A_560 = arith.index_cast %parallel_loop3A_559 : i32 to index
      %parallel_loop3A_561 = arith.index_cast %parallel_loop3A_532 : i32 to index
      %parallel_loop3A_562 = arith.constant 32 : index
      %parallel_loop3A_563 = tpu.vector_load %arg12[%parallel_loop3A_560, %parallel_loop3A_561, %parallel_loop3A_562] {strides = array<i32>} : memref<2x128x128xf32, #tpu.memory_space<vmem>>, vector<1x1x16xf32>,
      %parallel_loop3A_564 = vector.shape_cast %parallel_loop3A_563 : vector<1x1x16xf32> to vector<16xf32>
      %parallel_loop3A_565 = arith.constant 1 : i32
      %parallel_loop3A_566 = arith.index_cast %parallel_loop3A_565 : i32 to index
      %parallel_loop3A_567 = arith.index_cast %parallel_loop3A_532 : i32 to index
      %parallel_loop3A_568 = arith.constant 32 : index
      %parallel_loop3A_569 = tpu.vector_load %arg10[%parallel_loop3A_566, %parallel_loop3A_567, %parallel_loop3A_568] {strides = array<i32>} : memref<2x128x128xf32, #tpu.memory_space<vmem>>, vector<1x1x16xf32>,
      %parallel_loop3A_570 = vector.shape_cast %parallel_loop3A_569 : vector<1x1x16xf32> to vector<16xf32>
      %parallel_loop3A_571 = vector.shape_cast %parallel_loop3A_564 : vector<16xf32> to vector<1x1x16xf32>
      tpu.vector_store %arg10[%parallel_loop3A_566, %parallel_loop3A_567, %parallel_loop3A_568], %parallel_loop3A_571 {add = true, strides = array<i32>} : memref<2x128x128xf32, #tpu.memory_space<vmem>>, vector<1x1x16xf32>,
      %parallel_loop3A_572 = arith.constant 1 : i32
      %parallel_loop3A_573 = arith.index_cast %parallel_loop3A_572 : i32 to index
      %parallel_loop3A_574 = arith.index_cast %parallel_loop3A_532 : i32 to index
      %parallel_loop3A_575 = arith.constant 48 : index
      %parallel_loop3A_576 = tpu.vector_load %arg12[%parallel_loop3A_573, %parallel_loop3A_574, %parallel_loop3A_575] {strides = array<i32>} : memref<2x128x128xf32, #tpu.memory_space<vmem>>, vector<1x1x16xf32>,
      %parallel_loop3A_577 = vector.shape_cast %parallel_loop3A_576 : vector<1x1x16xf32> to vector<16xf32>
      %parallel_loop3A_578 = arith.constant 1 : i32
      %parallel_loop3A_579 = arith.index_cast %parallel_loop3A_578 : i32 to index
      %parallel_loop3A_580 = arith.index_cast %parallel_loop3A_532 : i32 to index
      %parallel_loop3A_581 = arith.constant 48 : index
      %parallel_loop3A_582 = tpu.vector_load %arg10[%parallel_loop3A_579, %parallel_loop3A_580, %parallel_loop3A_581] {strides = array<i32>} : memref<2x128x128xf32, #tpu.memory_space<vmem>>, vector<1x1x16xf32>,
      %parallel_loop3A_583 = vector.shape_cast %parallel_loop3A_582 : vector<1x1x16xf32> to vector<16xf32>
      %parallel_loop3A_584 = vector.shape_cast %parallel_loop3A_577 : vector<16xf32> to vector<1x1x16xf32>
      tpu.vector_store %arg10[%parallel_loop3A_579, %parallel_loop3A_580, %parallel_loop3A_581], %parallel_loop3A_584 {add = true, strides = array<i32>} : memref<2x128x128xf32, #tpu.memory_space<vmem>>, vector<1x1x16xf32>,
      %parallel_loop3A_585 = arith.constant 1 : i32
      %parallel_loop3A_586 = arith.index_cast %parallel_loop3A_585 : i32 to index
      %parallel_loop3A_587 = arith.index_cast %parallel_loop3A_532 : i32 to index
      %parallel_loop3A_588 = arith.constant 64 : index
      %parallel_loop3A_589 = tpu.vector_load %arg12[%parallel_loop3A_586, %parallel_loop3A_587, %parallel_loop3A_588] {strides = array<i32>} : memref<2x128x128xf32, #tpu.memory_space<vmem>>, vector<1x1x16xf32>,
      %parallel_loop3A_590 = vector.shape_cast %parallel_loop3A_589 : vector<1x1x16xf32> to vector<16xf32>
      %parallel_loop3A_591 = arith.constant 1 : i32
      %parallel_loop3A_592 = arith.index_cast %parallel_loop3A_591 : i32 to index
      %parallel_loop3A_593 = arith.index_cast %parallel_loop3A_532 : i32 to index
      %parallel_loop3A_594 = arith.constant 64 : index
      %parallel_loop3A_595 = tpu.vector_load %arg10[%parallel_loop3A_592, %parallel_loop3A_593, %parallel_loop3A_594] {strides = array<i32>} : memref<2x128x128xf32, #tpu.memory_space<vmem>>, vector<1x1x16xf32>,
      %parallel_loop3A_596 = vector.shape_cast %parallel_loop3A_595 : vector<1x1x16xf32> to vector<16xf32>
      %parallel_loop3A_597 = vector.shape_cast %parallel_loop3A_590 : vector<16xf32> to vector<1x1x16xf32>
      tpu.vector_store %arg10[%parallel_loop3A_592, %parallel_loop3A_593, %parallel_loop3A_594], %parallel_loop3A_597 {add = true, strides = array<i32>} : memref<2x128x128xf32, #tpu.memory_space<vmem>>, vector<1x1x16xf32>,
      %parallel_loop3A_598 = arith.constant 1 : i32
      %parallel_loop3A_599 = arith.index_cast %parallel_loop3A_598 : i32 to index
      %parallel_loop3A_600 = arith.index_cast %parallel_loop3A_532 : i32 to index
      %parallel_loop3A_601 = arith.constant 80 : index
      %parallel_loop3A_602 = tpu.vector_load %arg12[%parallel_loop3A_599, %parallel_loop3A_600, %parallel_loop3A_601] {strides = array<i32>} : memref<2x128x128xf32, #tpu.memory_space<vmem>>, vector<1x1x16xf32>,
      %parallel_loop3A_603 = vector.shape_cast %parallel_loop3A_602 : vector<1x1x16xf32> to vector<16xf32>
      %parallel_loop3A_604 = arith.constant 1 : i32
      %parallel_loop3A_605 = arith.index_cast %parallel_loop3A_604 : i32 to index
      %parallel_loop3A_606 = arith.index_cast %parallel_loop3A_532 : i32 to index
      %parallel_loop3A_607 = arith.constant 80 : index
      %parallel_loop3A_608 = tpu.vector_load %arg10[%parallel_loop3A_605, %parallel_loop3A_606, %parallel_loop3A_607] {strides = array<i32>} : memref<2x128x128xf32, #tpu.memory_space<vmem>>, vector<1x1x16xf32>,
      %parallel_loop3A_609 = vector.shape_cast %parallel_loop3A_608 : vector<1x1x16xf32> to vector<16xf32>
      %parallel_loop3A_610 = vector.shape_cast %parallel_loop3A_603 : vector<16xf32> to vector<1x1x16xf32>
      tpu.vector_store %arg10[%parallel_loop3A_605, %parallel_loop3A_606, %parallel_loop3A_607], %parallel_loop3A_610 {add = true, strides = array<i32>} : memref<2x128x128xf32, #tpu.memory_space<vmem>>, vector<1x1x16xf32>,
      %parallel_loop3A_611 = arith.constant 1 : i32
      %parallel_loop3A_612 = arith.index_cast %parallel_loop3A_611 : i32 to index
      %parallel_loop3A_613 = arith.index_cast %parallel_loop3A_532 : i32 to index
      %parallel_loop3A_614 = arith.constant 96 : index
      %parallel_loop3A_615 = tpu.vector_load %arg12[%parallel_loop3A_612, %parallel_loop3A_613, %parallel_loop3A_614] {strides = array<i32>} : memref<2x128x128xf32, #tpu.memory_space<vmem>>, vector<1x1x16xf32>,
      %parallel_loop3A_616 = vector.shape_cast %parallel_loop3A_615 : vector<1x1x16xf32> to vector<16xf32>
      %parallel_loop3A_617 = arith.constant 1 : i32
      %parallel_loop3A_618 = arith.index_cast %parallel_loop3A_617 : i32 to index
      %parallel_loop3A_619 = arith.index_cast %parallel_loop3A_532 : i32 to index
      %parallel_loop3A_620 = arith.constant 96 : index
      %parallel_loop3A_621 = tpu.vector_load %arg10[%parallel_loop3A_618, %parallel_loop3A_619, %parallel_loop3A_620] {strides = array<i32>} : memref<2x128x128xf32, #tpu.memory_space<vmem>>, vector<1x1x16xf32>,
      %parallel_loop3A_622 = vector.shape_cast %parallel_loop3A_621 : vector<1x1x16xf32> to vector<16xf32>
      %parallel_loop3A_623 = vector.shape_cast %parallel_loop3A_616 : vector<16xf32> to vector<1x1x16xf32>
      tpu.vector_store %arg10[%parallel_loop3A_618, %parallel_loop3A_619, %parallel_loop3A_620], %parallel_loop3A_623 {add = true, strides = array<i32>} : memref<2x128x128xf32, #tpu.memory_space<vmem>>, vector<1x1x16xf32>,
      %parallel_loop3A_624 = arith.constant 1 : i32
      %parallel_loop3A_625 = arith.index_cast %parallel_loop3A_624 : i32 to index
      %parallel_loop3A_626 = arith.index_cast %parallel_loop3A_532 : i32 to index
      %parallel_loop3A_627 = arith.constant 112 : index
      %parallel_loop3A_628 = tpu.vector_load %arg12[%parallel_loop3A_625, %parallel_loop3A_626, %parallel_loop3A_627] {strides = array<i32>} : memref<2x128x128xf32, #tpu.memory_space<vmem>>, vector<1x1x16xf32>,
      %parallel_loop3A_629 = vector.shape_cast %parallel_loop3A_628 : vector<1x1x16xf32> to vector<16xf32>
      %parallel_loop3A_630 = arith.constant 1 : i32
      %parallel_loop3A_631 = arith.index_cast %parallel_loop3A_630 : i32 to index
      %parallel_loop3A_632 = arith.index_cast %parallel_loop3A_532 : i32 to index
      %parallel_loop3A_633 = arith.constant 112 : index
      %parallel_loop3A_634 = tpu.vector_load %arg10[%parallel_loop3A_631, %parallel_loop3A_632, %parallel_loop3A_633] {strides = array<i32>} : memref<2x128x128xf32, #tpu.memory_space<vmem>>, vector<1x1x16xf32>,
      %parallel_loop3A_635 = vector.shape_cast %parallel_loop3A_634 : vector<1x1x16xf32> to vector<16xf32>
      %parallel_loop3A_636 = vector.shape_cast %parallel_loop3A_629 : vector<16xf32> to vector<1x1x16xf32>
      tpu.vector_store %arg10[%parallel_loop3A_631, %parallel_loop3A_632, %parallel_loop3A_633], %parallel_loop3A_636 {add = true, strides = array<i32>} : memref<2x128x128xf32, #tpu.memory_space<vmem>>, vector<1x1x16xf32>,
    } {sc.loop_unroll_factor = 4 : i64, sc.parallel_access}
    %add3A_382 = arith.constant 1 : i32
    %add3A_383 = arith.addi %mul3A_2, %add3A_382 : i32
    %mul3A_384 = arith.constant 128 : i32
    %mul3A_385 = arith.muli %add3A_383, %mul3A_384 : i32
    %dma_start3A_386 = arith.constant 1 : i32
    %dma_start3A_387 = arith.constant 2 : i32
    %dma_start3A_388 = arith.constant 0 : i32
    %dma_start3A_389 = arith.constant 0 : i32
    %dma_start3A_390 = tpu.memref_slice %arg10[%dma_start3A_386, %dma_start3A_388, %dma_start3A_389] : memref<2x128x128xf32, #tpu.memory_space<vmem>> -> memref<1x128x128xf32, #tpu.memory_space<vmem>>
    %dma_start3A_391 = tpu.memref_squeeze %dma_start3A_390 : memref<1x128x128xf32, #tpu.memory_space<vmem>> -> memref<128x128xf32, #tpu.memory_space<vmem>>
    %dma_start3A_392 = arith.constant 0 : i32
    %dma_start3A_393 = tpu.memref_slice %arg5[%dma_start3A_387, %mul3A_385, %dma_start3A_392] : memref<4x8192x128xf32, #tpu.memory_space<hbm>> -> memref<1x128x128xf32, #tpu.memory_space<hbm>>
    %dma_start3A_394 = tpu.memref_squeeze %dma_start3A_393 : memref<1x128x128xf32, #tpu.memory_space<hbm>> -> memref<128x128xf32, #tpu.memory_space<hbm>>
    %dma_start3A_395 = arith.constant 0 : i32
    %dma_start3A_396 = tpu.memref_slice %arg5[%dma_start3A_387, %mul3A_385, %dma_start3A_395] : memref<4x8192x128xf32, #tpu.memory_space<hbm>> -> memref<1x128x128xf32, #tpu.memory_space<hbm>>
    %dma_start3A_397 = tpu.memref_squeeze %dma_start3A_396 : memref<1x128x128xf32, #tpu.memory_space<hbm>> -> memref<128x128xf32, #tpu.memory_space<hbm>>
    %dma_start3A_398 = arith.constant 0 : i32
    %dma_start3A_399 = arith.constant 0 : i32
    %dma_start3A_400 = tpu.memref_slice %arg10[%dma_start3A_386, %dma_start3A_398, %dma_start3A_399] : memref<2x128x128xf32, #tpu.memory_space<vmem>> -> memref<1x128x128xf32, #tpu.memory_space<vmem>>
    %dma_start3A_401 = tpu.memref_squeeze %dma_start3A_400 : memref<1x128x128xf32, #tpu.memory_space<vmem>> -> memref<128x128xf32, #tpu.memory_space<vmem>>
    tpu.enqueue_dma source(%dma_start3A_401 : memref<128x128xf32, #tpu.memory_space<vmem>>) target(%dma_start3A_397 : memref<128x128xf32, #tpu.memory_space<hbm>>) target_semaphore(%arg19 : memref<!tpu.dma_semaphore, #tpu.memory_space<semaphore_mem>>)
    %dma_wait3A_402 = arith.constant 0 : i32
    %dma_wait3A_403 = arith.constant 0 : i32
    %dma_wait3A_404 = arith.constant 0 : i32
    %dma_wait3A_405 = tpu.memref_slice %arg11[%dma_wait3A_402, %dma_wait3A_403, %dma_wait3A_404] : memref<2x128x128xf32, #tpu.memory_space<vmem>> -> memref<1x128x128xf32, #tpu.memory_space<vmem>>
    %dma_wait3A_406 = tpu.memref_squeeze %dma_wait3A_405 : memref<1x128x128xf32, #tpu.memory_space<vmem>> -> memref<128x128xf32, #tpu.memory_space<vmem>>
    %dma_wait3A_407 = arith.constant 0 : i32
    %dma_wait3A_408 = tpu.memref_slice %arg9[%dma_wait3A_407] : memref<256xi32, #tpu.memory_space<vmem>> -> memref<128xi32, #tpu.memory_space<vmem>>
    %dma_wait3A_409 = arith.constant 0 : i32
    %dma_wait3A_410 = arith.constant 0 : i32
    %dma_wait3A_411 = tpu.memref_slice %arg3[%dma_wait3A_409, %dma_wait3A_410] : memref<1000000x128xf32, #tpu.memory_space<hbm>> -> memref<1000000x128xf32, #tpu.memory_space<hbm>>
    tpu.wait_indirect_dma semaphore(%arg18 : memref<!tpu.dma_semaphore, #tpu.memory_space<semaphore_mem>>) src(%dma_wait3A_411 : memref<1000000x128xf32, #tpu.memory_space<hbm>>) dst(%dma_wait3A_406 : memref<128x128xf32, #tpu.memory_space<vmem>>)
    %parallel_loop3A_412 = arith.constant 0 : i32
    %parallel_loop3A_413 = arith.constant 128 : i32
    %parallel_loop3A_414 = arith.constant 1 : i32
    scf.for %parallel_loop3A_532 = %parallel_loop3A_412 to %parallel_loop3A_413 step %parallel_loop3A_414  : i32 {
      %parallel_loop3A_533 = arith.constant 0 : i32
      %parallel_loop3A_534 = arith.index_cast %parallel_loop3A_533 : i32 to index
      %parallel_loop3A_535 = arith.index_cast %parallel_loop3A_532 : i32 to index
      %parallel_loop3A_536 = arith.constant 0 : index
      %parallel_loop3A_537 = tpu.vector_load %arg12[%parallel_loop3A_534, %parallel_loop3A_535, %parallel_loop3A_536] {strides = array<i32>} : memref<2x128x128xf32, #tpu.memory_space<vmem>>, vector<1x1x16xf32>,
      %parallel_loop3A_538 = vector.shape_cast %parallel_loop3A_537 : vector<1x1x16xf32> to vector<16xf32>
      %parallel_loop3A_539 = arith.constant 0 : i32
      %parallel_loop3A_540 = arith.index_cast %parallel_loop3A_539 : i32 to index
      %parallel_loop3A_541 = arith.index_cast %parallel_loop3A_532 : i32 to index
      %parallel_loop3A_542 = arith.constant 0 : index
      %parallel_loop3A_543 = tpu.vector_load %arg11[%parallel_loop3A_540, %parallel_loop3A_541, %parallel_loop3A_542] {strides = array<i32>} : memref<2x128x128xf32, #tpu.memory_space<vmem>>, vector<1x1x16xf32>,
      %parallel_loop3A_544 = vector.shape_cast %parallel_loop3A_543 : vector<1x1x16xf32> to vector<16xf32>
      %parallel_loop3A_545 = vector.shape_cast %parallel_loop3A_538 : vector<16xf32> to vector<1x1x16xf32>
      tpu.vector_store %arg11[%parallel_loop3A_540, %parallel_loop3A_541, %parallel_loop3A_542], %parallel_loop3A_545 {add = true, strides = array<i32>} : memref<2x128x128xf32, #tpu.memory_space<vmem>>, vector<1x1x16xf32>,
      %parallel_loop3A_546 = arith.constant 0 : i32
      %parallel_loop3A_547 = arith.index_cast %parallel_loop3A_546 : i32 to index
      %parallel_loop3A_548 = arith.index_cast %parallel_loop3A_532 : i32 to index
      %parallel_loop3A_549 = arith.constant 16 : index
      %parallel_loop3A_550 = tpu.vector_load %arg12[%parallel_loop3A_547, %parallel_loop3A_548, %parallel_loop3A_549] {strides = array<i32>} : memref<2x128x128xf32, #tpu.memory_space<vmem>>, vector<1x1x16xf32>,
      %parallel_loop3A_551 = vector.shape_cast %parallel_loop3A_550 : vector<1x1x16xf32> to vector<16xf32>
      %parallel_loop3A_552 = arith.constant 0 : i32
      %parallel_loop3A_553 = arith.index_cast %parallel_loop3A_552 : i32 to index
      %parallel_loop3A_554 = arith.index_cast %parallel_loop3A_532 : i32 to index
      %parallel_loop3A_555 = arith.constant 16 : index
      %parallel_loop3A_556 = tpu.vector_load %arg11[%parallel_loop3A_553, %parallel_loop3A_554, %parallel_loop3A_555] {strides = array<i32>} : memref<2x128x128xf32, #tpu.memory_space<vmem>>, vector<1x1x16xf32>,
      %parallel_loop3A_557 = vector.shape_cast %parallel_loop3A_556 : vector<1x1x16xf32> to vector<16xf32>
      %parallel_loop3A_558 = vector.shape_cast %parallel_loop3A_551 : vector<16xf32> to vector<1x1x16xf32>
      tpu.vector_store %arg11[%parallel_loop3A_553, %parallel_loop3A_554, %parallel_loop3A_555], %parallel_loop3A_558 {add = true, strides = array<i32>} : memref<2x128x128xf32, #tpu.memory_space<vmem>>, vector<1x1x16xf32>,
      %parallel_loop3A_559 = arith.constant 0 : i32
      %parallel_loop3A_560 = arith.index_cast %parallel_loop3A_559 : i32 to index
      %parallel_loop3A_561 = arith.index_cast %parallel_loop3A_532 : i32 to index
      %parallel_loop3A_562 = arith.constant 32 : index
      %parallel_loop3A_563 = tpu.vector_load %arg12[%parallel_loop3A_560, %parallel_loop3A_561, %parallel_loop3A_562] {strides = array<i32>} : memref<2x128x128xf32, #tpu.memory_space<vmem>>, vector<1x1x16xf32>,
      %parallel_loop3A_564 = vector.shape_cast %parallel_loop3A_563 : vector<1x1x16xf32> to vector<16xf32>
      %parallel_loop3A_565 = arith.constant 0 : i32
      %parallel_loop3A_566 = arith.index_cast %parallel_loop3A_565 : i32 to index
      %parallel_loop3A_567 = arith.index_cast %parallel_loop3A_532 : i32 to index
      %parallel_loop3A_568 = arith.constant 32 : index
      %parallel_loop3A_569 = tpu.vector_load %arg11[%parallel_loop3A_566, %parallel_loop3A_567, %parallel_loop3A_568] {strides = array<i32>} : memref<2x128x128xf32, #tpu.memory_space<vmem>>, vector<1x1x16xf32>,
      %parallel_loop3A_570 = vector.shape_cast %parallel_loop3A_569 : vector<1x1x16xf32> to vector<16xf32>
      %parallel_loop3A_571 = vector.shape_cast %parallel_loop3A_564 : vector<16xf32> to vector<1x1x16xf32>
      tpu.vector_store %arg11[%parallel_loop3A_566, %parallel_loop3A_567, %parallel_loop3A_568], %parallel_loop3A_571 {add = true, strides = array<i32>} : memref<2x128x128xf32, #tpu.memory_space<vmem>>, vector<1x1x16xf32>,
      %parallel_loop3A_572 = arith.constant 0 : i32
      %parallel_loop3A_573 = arith.index_cast %parallel_loop3A_572 : i32 to index
      %parallel_loop3A_574 = arith.index_cast %parallel_loop3A_532 : i32 to index
      %parallel_loop3A_575 = arith.constant 48 : index
      %parallel_loop3A_576 = tpu.vector_load %arg12[%parallel_loop3A_573, %parallel_loop3A_574, %parallel_loop3A_575] {strides = array<i32>} : memref<2x128x128xf32, #tpu.memory_space<vmem>>, vector<1x1x16xf32>,
      %parallel_loop3A_577 = vector.shape_cast %parallel_loop3A_576 : vector<1x1x16xf32> to vector<16xf32>
      %parallel_loop3A_578 = arith.constant 0 : i32
      %parallel_loop3A_579 = arith.index_cast %parallel_loop3A_578 : i32 to index
      %parallel_loop3A_580 = arith.index_cast %parallel_loop3A_532 : i32 to index
      %parallel_loop3A_581 = arith.constant 48 : index
      %parallel_loop3A_582 = tpu.vector_load %arg11[%parallel_loop3A_579, %parallel_loop3A_580, %parallel_loop3A_581] {strides = array<i32>} : memref<2x128x128xf32, #tpu.memory_space<vmem>>, vector<1x1x16xf32>,
      %parallel_loop3A_583 = vector.shape_cast %parallel_loop3A_582 : vector<1x1x16xf32> to vector<16xf32>
      %parallel_loop3A_584 = vector.shape_cast %parallel_loop3A_577 : vector<16xf32> to vector<1x1x16xf32>
      tpu.vector_store %arg11[%parallel_loop3A_579, %parallel_loop3A_580, %parallel_loop3A_581], %parallel_loop3A_584 {add = true, strides = array<i32>} : memref<2x128x128xf32, #tpu.memory_space<vmem>>, vector<1x1x16xf32>,
      %parallel_loop3A_585 = arith.constant 0 : i32
      %parallel_loop3A_586 = arith.index_cast %parallel_loop3A_585 : i32 to index
      %parallel_loop3A_587 = arith.index_cast %parallel_loop3A_532 : i32 to index
      %parallel_loop3A_588 = arith.constant 64 : index
      %parallel_loop3A_589 = tpu.vector_load %arg12[%parallel_loop3A_586, %parallel_loop3A_587, %parallel_loop3A_588] {strides = array<i32>} : memref<2x128x128xf32, #tpu.memory_space<vmem>>, vector<1x1x16xf32>,
      %parallel_loop3A_590 = vector.shape_cast %parallel_loop3A_589 : vector<1x1x16xf32> to vector<16xf32>
      %parallel_loop3A_591 = arith.constant 0 : i32
      %parallel_loop3A_592 = arith.index_cast %parallel_loop3A_591 : i32 to index
      %parallel_loop3A_593 = arith.index_cast %parallel_loop3A_532 : i32 to index
      %parallel_loop3A_594 = arith.constant 64 : index
      %parallel_loop3A_595 = tpu.vector_load %arg11[%parallel_loop3A_592, %parallel_loop3A_593, %parallel_loop3A_594] {strides = array<i32>} : memref<2x128x128xf32, #tpu.memory_space<vmem>>, vector<1x1x16xf32>,
      %parallel_loop3A_596 = vector.shape_cast %parallel_loop3A_595 : vector<1x1x16xf32> to vector<16xf32>
      %parallel_loop3A_597 = vector.shape_cast %parallel_loop3A_590 : vector<16xf32> to vector<1x1x16xf32>
      tpu.vector_store %arg11[%parallel_loop3A_592, %parallel_loop3A_593, %parallel_loop3A_594], %parallel_loop3A_597 {add = true, strides = array<i32>} : memref<2x128x128xf32, #tpu.memory_space<vmem>>, vector<1x1x16xf32>,
      %parallel_loop3A_598 = arith.constant 0 : i32
      %parallel_loop3A_599 = arith.index_cast %parallel_loop3A_598 : i32 to index
      %parallel_loop3A_600 = arith.index_cast %parallel_loop3A_532 : i32 to index
      %parallel_loop3A_601 = arith.constant 80 : index
      %parallel_loop3A_602 = tpu.vector_load %arg12[%parallel_loop3A_599, %parallel_loop3A_600, %parallel_loop3A_601] {strides = array<i32>} : memref<2x128x128xf32, #tpu.memory_space<vmem>>, vector<1x1x16xf32>,
      %parallel_loop3A_603 = vector.shape_cast %parallel_loop3A_602 : vector<1x1x16xf32> to vector<16xf32>
      %parallel_loop3A_604 = arith.constant 0 : i32
      %parallel_loop3A_605 = arith.index_cast %parallel_loop3A_604 : i32 to index
      %parallel_loop3A_606 = arith.index_cast %parallel_loop3A_532 : i32 to index
      %parallel_loop3A_607 = arith.constant 80 : index
      %parallel_loop3A_608 = tpu.vector_load %arg11[%parallel_loop3A_605, %parallel_loop3A_606, %parallel_loop3A_607] {strides = array<i32>} : memref<2x128x128xf32, #tpu.memory_space<vmem>>, vector<1x1x16xf32>,
      %parallel_loop3A_609 = vector.shape_cast %parallel_loop3A_608 : vector<1x1x16xf32> to vector<16xf32>
      %parallel_loop3A_610 = vector.shape_cast %parallel_loop3A_603 : vector<16xf32> to vector<1x1x16xf32>
      tpu.vector_store %arg11[%parallel_loop3A_605, %parallel_loop3A_606, %parallel_loop3A_607], %parallel_loop3A_610 {add = true, strides = array<i32>} : memref<2x128x128xf32, #tpu.memory_space<vmem>>, vector<1x1x16xf32>,
      %parallel_loop3A_611 = arith.constant 0 : i32
      %parallel_loop3A_612 = arith.index_cast %parallel_loop3A_611 : i32 to index
      %parallel_loop3A_613 = arith.index_cast %parallel_loop3A_532 : i32 to index
      %parallel_loop3A_614 = arith.constant 96 : index
      %parallel_loop3A_615 = tpu.vector_load %arg12[%parallel_loop3A_612, %parallel_loop3A_613, %parallel_loop3A_614] {strides = array<i32>} : memref<2x128x128xf32, #tpu.memory_space<vmem>>, vector<1x1x16xf32>,
      %parallel_loop3A_616 = vector.shape_cast %parallel_loop3A_615 : vector<1x1x16xf32> to vector<16xf32>
      %parallel_loop3A_617 = arith.constant 0 : i32
      %parallel_loop3A_618 = arith.index_cast %parallel_loop3A_617 : i32 to index
      %parallel_loop3A_619 = arith.index_cast %parallel_loop3A_532 : i32 to index
      %parallel_loop3A_620 = arith.constant 96 : index
      %parallel_loop3A_621 = tpu.vector_load %arg11[%parallel_loop3A_618, %parallel_loop3A_619, %parallel_loop3A_620] {strides = array<i32>} : memref<2x128x128xf32, #tpu.memory_space<vmem>>, vector<1x1x16xf32>,
      %parallel_loop3A_622 = vector.shape_cast %parallel_loop3A_621 : vector<1x1x16xf32> to vector<16xf32>
      %parallel_loop3A_623 = vector.shape_cast %parallel_loop3A_616 : vector<16xf32> to vector<1x1x16xf32>
      tpu.vector_store %arg11[%parallel_loop3A_618, %parallel_loop3A_619, %parallel_loop3A_620], %parallel_loop3A_623 {add = true, strides = array<i32>} : memref<2x128x128xf32, #tpu.memory_space<vmem>>, vector<1x1x16xf32>,
      %parallel_loop3A_624 = arith.constant 0 : i32
      %parallel_loop3A_625 = arith.index_cast %parallel_loop3A_624 : i32 to index
      %parallel_loop3A_626 = arith.index_cast %parallel_loop3A_532 : i32 to index
      %parallel_loop3A_627 = arith.constant 112 : index
      %parallel_loop3A_628 = tpu.vector_load %arg12[%parallel_loop3A_625, %parallel_loop3A_626, %parallel_loop3A_627] {strides = array<i32>} : memref<2x128x128xf32, #tpu.memory_space<vmem>>, vector<1x1x16xf32>,
      %parallel_loop3A_629 = vector.shape_cast %parallel_loop3A_628 : vector<1x1x16xf32> to vector<16xf32>
      %parallel_loop3A_630 = arith.constant 0 : i32
      %parallel_loop3A_631 = arith.index_cast %parallel_loop3A_630 : i32 to index
      %parallel_loop3A_632 = arith.index_cast %parallel_loop3A_532 : i32 to index
      %parallel_loop3A_633 = arith.constant 112 : index
      %parallel_loop3A_634 = tpu.vector_load %arg11[%parallel_loop3A_631, %parallel_loop3A_632, %parallel_loop3A_633] {strides = array<i32>} : memref<2x128x128xf32, #tpu.memory_space<vmem>>, vector<1x1x16xf32>,
      %parallel_loop3A_635 = vector.shape_cast %parallel_loop3A_634 : vector<1x1x16xf32> to vector<16xf32>
      %parallel_loop3A_636 = vector.shape_cast %parallel_loop3A_629 : vector<16xf32> to vector<1x1x16xf32>
      tpu.vector_store %arg11[%parallel_loop3A_631, %parallel_loop3A_632, %parallel_loop3A_633], %parallel_loop3A_636 {add = true, strides = array<i32>} : memref<2x128x128xf32, #tpu.memory_space<vmem>>, vector<1x1x16xf32>,
    } {sc.loop_unroll_factor = 4 : i64, sc.parallel_access}
    %add3A_415 = arith.constant 0 : i32
    %add3A_416 = arith.addi %mul3A_2, %add3A_415 : i32
    %mul3A_417 = arith.constant 128 : i32
    %mul3A_418 = arith.muli %add3A_416, %mul3A_417 : i32
    %dma_start3A_419 = arith.constant 0 : i32
    %dma_start3A_420 = arith.constant 3 : i32
    %dma_start3A_421 = arith.constant 0 : i32
    %dma_start3A_422 = arith.constant 0 : i32
    %dma_start3A_423 = tpu.memref_slice %arg11[%dma_start3A_419, %dma_start3A_421, %dma_start3A_422] : memref<2x128x128xf32, #tpu.memory_space<vmem>> -> memref<1x128x128xf32, #tpu.memory_space<vmem>>
    %dma_start3A_424 = tpu.memref_squeeze %dma_start3A_423 : memref<1x128x128xf32, #tpu.memory_space<vmem>> -> memref<128x128xf32, #tpu.memory_space<vmem>>
    %dma_start3A_425 = arith.constant 0 : i32
    %dma_start3A_426 = tpu.memref_slice %arg5[%dma_start3A_420, %mul3A_418, %dma_start3A_425] : memref<4x8192x128xf32, #tpu.memory_space<hbm>> -> memref<1x128x128xf32, #tpu.memory_space<hbm>>
    %dma_start3A_427 = tpu.memref_squeeze %dma_start3A_426 : memref<1x128x128xf32, #tpu.memory_space<hbm>> -> memref<128x128xf32, #tpu.memory_space<hbm>>
    %dma_start3A_428 = arith.constant 0 : i32
    %dma_start3A_429 = tpu.memref_slice %arg5[%dma_start3A_420, %mul3A_418, %dma_start3A_428] : memref<4x8192x128xf32, #tpu.memory_space<hbm>> -> memref<1x128x128xf32, #tpu.memory_space<hbm>>
    %dma_start3A_430 = tpu.memref_squeeze %dma_start3A_429 : memref<1x128x128xf32, #tpu.memory_space<hbm>> -> memref<128x128xf32, #tpu.memory_space<hbm>>
    %dma_start3A_431 = arith.constant 0 : i32
    %dma_start3A_432 = arith.constant 0 : i32
    %dma_start3A_433 = tpu.memref_slice %arg11[%dma_start3A_419, %dma_start3A_431, %dma_start3A_432] : memref<2x128x128xf32, #tpu.memory_space<vmem>> -> memref<1x128x128xf32, #tpu.memory_space<vmem>>
    %dma_start3A_434 = tpu.memref_squeeze %dma_start3A_433 : memref<1x128x128xf32, #tpu.memory_space<vmem>> -> memref<128x128xf32, #tpu.memory_space<vmem>>
    tpu.enqueue_dma source(%dma_start3A_434 : memref<128x128xf32, #tpu.memory_space<vmem>>) target(%dma_start3A_430 : memref<128x128xf32, #tpu.memory_space<hbm>>) target_semaphore(%arg20 : memref<!tpu.dma_semaphore, #tpu.memory_space<semaphore_mem>>)
    %dma_wait3A_435 = arith.constant 1 : i32
    %dma_wait3A_436 = arith.constant 0 : i32
    %dma_wait3A_437 = arith.constant 0 : i32
    %dma_wait3A_438 = tpu.memref_slice %arg11[%dma_wait3A_435, %dma_wait3A_436, %dma_wait3A_437] : memref<2x128x128xf32, #tpu.memory_space<vmem>> -> memref<1x128x128xf32, #tpu.memory_space<vmem>>
    %dma_wait3A_439 = tpu.memref_squeeze %dma_wait3A_438 : memref<1x128x128xf32, #tpu.memory_space<vmem>> -> memref<128x128xf32, #tpu.memory_space<vmem>>
    %dma_wait3A_440 = arith.constant 128 : i32
    %dma_wait3A_441 = tpu.memref_slice %arg9[%dma_wait3A_440] : memref<256xi32, #tpu.memory_space<vmem>> -> memref<128xi32, #tpu.memory_space<vmem>>
    %dma_wait3A_442 = arith.constant 0 : i32
    %dma_wait3A_443 = arith.constant 0 : i32
    %dma_wait3A_444 = tpu.memref_slice %arg3[%dma_wait3A_442, %dma_wait3A_443] : memref<1000000x128xf32, #tpu.memory_space<hbm>> -> memref<1000000x128xf32, #tpu.memory_space<hbm>>
    tpu.wait_indirect_dma semaphore(%arg18 : memref<!tpu.dma_semaphore, #tpu.memory_space<semaphore_mem>>) src(%dma_wait3A_444 : memref<1000000x128xf32, #tpu.memory_space<hbm>>) dst(%dma_wait3A_439 : memref<128x128xf32, #tpu.memory_space<vmem>>)
    %parallel_loop3A_445 = arith.constant 0 : i32
    %parallel_loop3A_446 = arith.constant 128 : i32
    %parallel_loop3A_447 = arith.constant 1 : i32
    scf.for %parallel_loop3A_532 = %parallel_loop3A_445 to %parallel_loop3A_446 step %parallel_loop3A_447  : i32 {
      %parallel_loop3A_533 = arith.constant 1 : i32
      %parallel_loop3A_534 = arith.index_cast %parallel_loop3A_533 : i32 to index
      %parallel_loop3A_535 = arith.index_cast %parallel_loop3A_532 : i32 to index
      %parallel_loop3A_536 = arith.constant 0 : index
      %parallel_loop3A_537 = tpu.vector_load %arg12[%parallel_loop3A_534, %parallel_loop3A_535, %parallel_loop3A_536] {strides = array<i32>} : memref<2x128x128xf32, #tpu.memory_space<vmem>>, vector<1x1x16xf32>,
      %parallel_loop3A_538 = vector.shape_cast %parallel_loop3A_537 : vector<1x1x16xf32> to vector<16xf32>
      %parallel_loop3A_539 = arith.constant 1 : i32
      %parallel_loop3A_540 = arith.index_cast %parallel_loop3A_539 : i32 to index
      %parallel_loop3A_541 = arith.index_cast %parallel_loop3A_532 : i32 to index
      %parallel_loop3A_542 = arith.constant 0 : index
      %parallel_loop3A_543 = tpu.vector_load %arg11[%parallel_loop3A_540, %parallel_loop3A_541, %parallel_loop3A_542] {strides = array<i32>} : memref<2x128x128xf32, #tpu.memory_space<vmem>>, vector<1x1x16xf32>,
      %parallel_loop3A_544 = vector.shape_cast %parallel_loop3A_543 : vector<1x1x16xf32> to vector<16xf32>
      %parallel_loop3A_545 = vector.shape_cast %parallel_loop3A_538 : vector<16xf32> to vector<1x1x16xf32>
      tpu.vector_store %arg11[%parallel_loop3A_540, %parallel_loop3A_541, %parallel_loop3A_542], %parallel_loop3A_545 {add = true, strides = array<i32>} : memref<2x128x128xf32, #tpu.memory_space<vmem>>, vector<1x1x16xf32>,
      %parallel_loop3A_546 = arith.constant 1 : i32
      %parallel_loop3A_547 = arith.index_cast %parallel_loop3A_546 : i32 to index
      %parallel_loop3A_548 = arith.index_cast %parallel_loop3A_532 : i32 to index
      %parallel_loop3A_549 = arith.constant 16 : index
      %parallel_loop3A_550 = tpu.vector_load %arg12[%parallel_loop3A_547, %parallel_loop3A_548, %parallel_loop3A_549] {strides = array<i32>} : memref<2x128x128xf32, #tpu.memory_space<vmem>>, vector<1x1x16xf32>,
      %parallel_loop3A_551 = vector.shape_cast %parallel_loop3A_550 : vector<1x1x16xf32> to vector<16xf32>
      %parallel_loop3A_552 = arith.constant 1 : i32
      %parallel_loop3A_553 = arith.index_cast %parallel_loop3A_552 : i32 to index
      %parallel_loop3A_554 = arith.index_cast %parallel_loop3A_532 : i32 to index
      %parallel_loop3A_555 = arith.constant 16 : index
      %parallel_loop3A_556 = tpu.vector_load %arg11[%parallel_loop3A_553, %parallel_loop3A_554, %parallel_loop3A_555] {strides = array<i32>} : memref<2x128x128xf32, #tpu.memory_space<vmem>>, vector<1x1x16xf32>,
      %parallel_loop3A_557 = vector.shape_cast %parallel_loop3A_556 : vector<1x1x16xf32> to vector<16xf32>
      %parallel_loop3A_558 = vector.shape_cast %parallel_loop3A_551 : vector<16xf32> to vector<1x1x16xf32>
      tpu.vector_store %arg11[%parallel_loop3A_553, %parallel_loop3A_554, %parallel_loop3A_555], %parallel_loop3A_558 {add = true, strides = array<i32>} : memref<2x128x128xf32, #tpu.memory_space<vmem>>, vector<1x1x16xf32>,
      %parallel_loop3A_559 = arith.constant 1 : i32
      %parallel_loop3A_560 = arith.index_cast %parallel_loop3A_559 : i32 to index
      %parallel_loop3A_561 = arith.index_cast %parallel_loop3A_532 : i32 to index
      %parallel_loop3A_562 = arith.constant 32 : index
      %parallel_loop3A_563 = tpu.vector_load %arg12[%parallel_loop3A_560, %parallel_loop3A_561, %parallel_loop3A_562] {strides = array<i32>} : memref<2x128x128xf32, #tpu.memory_space<vmem>>, vector<1x1x16xf32>,
      %parallel_loop3A_564 = vector.shape_cast %parallel_loop3A_563 : vector<1x1x16xf32> to vector<16xf32>
      %parallel_loop3A_565 = arith.constant 1 : i32
      %parallel_loop3A_566 = arith.index_cast %parallel_loop3A_565 : i32 to index
      %parallel_loop3A_567 = arith.index_cast %parallel_loop3A_532 : i32 to index
      %parallel_loop3A_568 = arith.constant 32 : index
      %parallel_loop3A_569 = tpu.vector_load %arg11[%parallel_loop3A_566, %parallel_loop3A_567, %parallel_loop3A_568] {strides = array<i32>} : memref<2x128x128xf32, #tpu.memory_space<vmem>>, vector<1x1x16xf32>,
      %parallel_loop3A_570 = vector.shape_cast %parallel_loop3A_569 : vector<1x1x16xf32> to vector<16xf32>
      %parallel_loop3A_571 = vector.shape_cast %parallel_loop3A_564 : vector<16xf32> to vector<1x1x16xf32>
      tpu.vector_store %arg11[%parallel_loop3A_566, %parallel_loop3A_567, %parallel_loop3A_568], %parallel_loop3A_571 {add = true, strides = array<i32>} : memref<2x128x128xf32, #tpu.memory_space<vmem>>, vector<1x1x16xf32>,
      %parallel_loop3A_572 = arith.constant 1 : i32
      %parallel_loop3A_573 = arith.index_cast %parallel_loop3A_572 : i32 to index
      %parallel_loop3A_574 = arith.index_cast %parallel_loop3A_532 : i32 to index
      %parallel_loop3A_575 = arith.constant 48 : index
      %parallel_loop3A_576 = tpu.vector_load %arg12[%parallel_loop3A_573, %parallel_loop3A_574, %parallel_loop3A_575] {strides = array<i32>} : memref<2x128x128xf32, #tpu.memory_space<vmem>>, vector<1x1x16xf32>,
      %parallel_loop3A_577 = vector.shape_cast %parallel_loop3A_576 : vector<1x1x16xf32> to vector<16xf32>
      %parallel_loop3A_578 = arith.constant 1 : i32
      %parallel_loop3A_579 = arith.index_cast %parallel_loop3A_578 : i32 to index
      %parallel_loop3A_580 = arith.index_cast %parallel_loop3A_532 : i32 to index
      %parallel_loop3A_581 = arith.constant 48 : index
      %parallel_loop3A_582 = tpu.vector_load %arg11[%parallel_loop3A_579, %parallel_loop3A_580, %parallel_loop3A_581] {strides = array<i32>} : memref<2x128x128xf32, #tpu.memory_space<vmem>>, vector<1x1x16xf32>,
      %parallel_loop3A_583 = vector.shape_cast %parallel_loop3A_582 : vector<1x1x16xf32> to vector<16xf32>
      %parallel_loop3A_584 = vector.shape_cast %parallel_loop3A_577 : vector<16xf32> to vector<1x1x16xf32>
      tpu.vector_store %arg11[%parallel_loop3A_579, %parallel_loop3A_580, %parallel_loop3A_581], %parallel_loop3A_584 {add = true, strides = array<i32>} : memref<2x128x128xf32, #tpu.memory_space<vmem>>, vector<1x1x16xf32>,
      %parallel_loop3A_585 = arith.constant 1 : i32
      %parallel_loop3A_586 = arith.index_cast %parallel_loop3A_585 : i32 to index
      %parallel_loop3A_587 = arith.index_cast %parallel_loop3A_532 : i32 to index
      %parallel_loop3A_588 = arith.constant 64 : index
      %parallel_loop3A_589 = tpu.vector_load %arg12[%parallel_loop3A_586, %parallel_loop3A_587, %parallel_loop3A_588] {strides = array<i32>} : memref<2x128x128xf32, #tpu.memory_space<vmem>>, vector<1x1x16xf32>,
      %parallel_loop3A_590 = vector.shape_cast %parallel_loop3A_589 : vector<1x1x16xf32> to vector<16xf32>
      %parallel_loop3A_591 = arith.constant 1 : i32
      %parallel_loop3A_592 = arith.index_cast %parallel_loop3A_591 : i32 to index
      %parallel_loop3A_593 = arith.index_cast %parallel_loop3A_532 : i32 to index
      %parallel_loop3A_594 = arith.constant 64 : index
      %parallel_loop3A_595 = tpu.vector_load %arg11[%parallel_loop3A_592, %parallel_loop3A_593, %parallel_loop3A_594] {strides = array<i32>} : memref<2x128x128xf32, #tpu.memory_space<vmem>>, vector<1x1x16xf32>,
      %parallel_loop3A_596 = vector.shape_cast %parallel_loop3A_595 : vector<1x1x16xf32> to vector<16xf32>
      %parallel_loop3A_597 = vector.shape_cast %parallel_loop3A_590 : vector<16xf32> to vector<1x1x16xf32>
      tpu.vector_store %arg11[%parallel_loop3A_592, %parallel_loop3A_593, %parallel_loop3A_594], %parallel_loop3A_597 {add = true, strides = array<i32>} : memref<2x128x128xf32, #tpu.memory_space<vmem>>, vector<1x1x16xf32>,
      %parallel_loop3A_598 = arith.constant 1 : i32
      %parallel_loop3A_599 = arith.index_cast %parallel_loop3A_598 : i32 to index
      %parallel_loop3A_600 = arith.index_cast %parallel_loop3A_532 : i32 to index
      %parallel_loop3A_601 = arith.constant 80 : index
      %parallel_loop3A_602 = tpu.vector_load %arg12[%parallel_loop3A_599, %parallel_loop3A_600, %parallel_loop3A_601] {strides = array<i32>} : memref<2x128x128xf32, #tpu.memory_space<vmem>>, vector<1x1x16xf32>,
      %parallel_loop3A_603 = vector.shape_cast %parallel_loop3A_602 : vector<1x1x16xf32> to vector<16xf32>
      %parallel_loop3A_604 = arith.constant 1 : i32
      %parallel_loop3A_605 = arith.index_cast %parallel_loop3A_604 : i32 to index
      %parallel_loop3A_606 = arith.index_cast %parallel_loop3A_532 : i32 to index
      %parallel_loop3A_607 = arith.constant 80 : index
      %parallel_loop3A_608 = tpu.vector_load %arg11[%parallel_loop3A_605, %parallel_loop3A_606, %parallel_loop3A_607] {strides = array<i32>} : memref<2x128x128xf32, #tpu.memory_space<vmem>>, vector<1x1x16xf32>,
      %parallel_loop3A_609 = vector.shape_cast %parallel_loop3A_608 : vector<1x1x16xf32> to vector<16xf32>
      %parallel_loop3A_610 = vector.shape_cast %parallel_loop3A_603 : vector<16xf32> to vector<1x1x16xf32>
      tpu.vector_store %arg11[%parallel_loop3A_605, %parallel_loop3A_606, %parallel_loop3A_607], %parallel_loop3A_610 {add = true, strides = array<i32>} : memref<2x128x128xf32, #tpu.memory_space<vmem>>, vector<1x1x16xf32>,
      %parallel_loop3A_611 = arith.constant 1 : i32
      %parallel_loop3A_612 = arith.index_cast %parallel_loop3A_611 : i32 to index
      %parallel_loop3A_613 = arith.index_cast %parallel_loop3A_532 : i32 to index
      %parallel_loop3A_614 = arith.constant 96 : index
      %parallel_loop3A_615 = tpu.vector_load %arg12[%parallel_loop3A_612, %parallel_loop3A_613, %parallel_loop3A_614] {strides = array<i32>} : memref<2x128x128xf32, #tpu.memory_space<vmem>>, vector<1x1x16xf32>,
      %parallel_loop3A_616 = vector.shape_cast %parallel_loop3A_615 : vector<1x1x16xf32> to vector<16xf32>
      %parallel_loop3A_617 = arith.constant 1 : i32
      %parallel_loop3A_618 = arith.index_cast %parallel_loop3A_617 : i32 to index
      %parallel_loop3A_619 = arith.index_cast %parallel_loop3A_532 : i32 to index
      %parallel_loop3A_620 = arith.constant 96 : index
      %parallel_loop3A_621 = tpu.vector_load %arg11[%parallel_loop3A_618, %parallel_loop3A_619, %parallel_loop3A_620] {strides = array<i32>} : memref<2x128x128xf32, #tpu.memory_space<vmem>>, vector<1x1x16xf32>,
      %parallel_loop3A_622 = vector.shape_cast %parallel_loop3A_621 : vector<1x1x16xf32> to vector<16xf32>
      %parallel_loop3A_623 = vector.shape_cast %parallel_loop3A_616 : vector<16xf32> to vector<1x1x16xf32>
      tpu.vector_store %arg11[%parallel_loop3A_618, %parallel_loop3A_619, %parallel_loop3A_620], %parallel_loop3A_623 {add = true, strides = array<i32>} : memref<2x128x128xf32, #tpu.memory_space<vmem>>, vector<1x1x16xf32>,
      %parallel_loop3A_624 = arith.constant 1 : i32
      %parallel_loop3A_625 = arith.index_cast %parallel_loop3A_624 : i32 to index
      %parallel_loop3A_626 = arith.index_cast %parallel_loop3A_532 : i32 to index
      %parallel_loop3A_627 = arith.constant 112 : index
      %parallel_loop3A_628 = tpu.vector_load %arg12[%parallel_loop3A_625, %parallel_loop3A_626, %parallel_loop3A_627] {strides = array<i32>} : memref<2x128x128xf32, #tpu.memory_space<vmem>>, vector<1x1x16xf32>,
      %parallel_loop3A_629 = vector.shape_cast %parallel_loop3A_628 : vector<1x1x16xf32> to vector<16xf32>
      %parallel_loop3A_630 = arith.constant 1 : i32
      %parallel_loop3A_631 = arith.index_cast %parallel_loop3A_630 : i32 to index
      %parallel_loop3A_632 = arith.index_cast %parallel_loop3A_532 : i32 to index
      %parallel_loop3A_633 = arith.constant 112 : index
      %parallel_loop3A_634 = tpu.vector_load %arg11[%parallel_loop3A_631, %parallel_loop3A_632, %parallel_loop3A_633] {strides = array<i32>} : memref<2x128x128xf32, #tpu.memory_space<vmem>>, vector<1x1x16xf32>,
      %parallel_loop3A_635 = vector.shape_cast %parallel_loop3A_634 : vector<1x1x16xf32> to vector<16xf32>
      %parallel_loop3A_636 = vector.shape_cast %parallel_loop3A_629 : vector<16xf32> to vector<1x1x16xf32>
      tpu.vector_store %arg11[%parallel_loop3A_631, %parallel_loop3A_632, %parallel_loop3A_633], %parallel_loop3A_636 {add = true, strides = array<i32>} : memref<2x128x128xf32, #tpu.memory_space<vmem>>, vector<1x1x16xf32>,
    } {sc.loop_unroll_factor = 4 : i64, sc.parallel_access}
    %add3A_448 = arith.constant 1 : i32
    %add3A_449 = arith.addi %mul3A_2, %add3A_448 : i32
    %mul3A_450 = arith.constant 128 : i32
    %mul3A_451 = arith.muli %add3A_449, %mul3A_450 : i32
    %dma_start3A_452 = arith.constant 1 : i32
    %dma_start3A_453 = arith.constant 3 : i32
    %dma_start3A_454 = arith.constant 0 : i32
    %dma_start3A_455 = arith.constant 0 : i32
    %dma_start3A_456 = tpu.memref_slice %arg11[%dma_start3A_452, %dma_start3A_454, %dma_start3A_455] : memref<2x128x128xf32, #tpu.memory_space<vmem>> -> memref<1x128x128xf32, #tpu.memory_space<vmem>>
    %dma_start3A_457 = tpu.memref_squeeze %dma_start3A_456 : memref<1x128x128xf32, #tpu.memory_space<vmem>> -> memref<128x128xf32, #tpu.memory_space<vmem>>
    %dma_start3A_458 = arith.constant 0 : i32
    %dma_start3A_459 = tpu.memref_slice %arg5[%dma_start3A_453, %mul3A_451, %dma_start3A_458] : memref<4x8192x128xf32, #tpu.memory_space<hbm>> -> memref<1x128x128xf32, #tpu.memory_space<hbm>>
    %dma_start3A_460 = tpu.memref_squeeze %dma_start3A_459 : memref<1x128x128xf32, #tpu.memory_space<hbm>> -> memref<128x128xf32, #tpu.memory_space<hbm>>
    %dma_start3A_461 = arith.constant 0 : i32
    %dma_start3A_462 = tpu.memref_slice %arg5[%dma_start3A_453, %mul3A_451, %dma_start3A_461] : memref<4x8192x128xf32, #tpu.memory_space<hbm>> -> memref<1x128x128xf32, #tpu.memory_space<hbm>>
    %dma_start3A_463 = tpu.memref_squeeze %dma_start3A_462 : memref<1x128x128xf32, #tpu.memory_space<hbm>> -> memref<128x128xf32, #tpu.memory_space<hbm>>
    %dma_start3A_464 = arith.constant 0 : i32
    %dma_start3A_465 = arith.constant 0 : i32
    %dma_start3A_466 = tpu.memref_slice %arg11[%dma_start3A_452, %dma_start3A_464, %dma_start3A_465] : memref<2x128x128xf32, #tpu.memory_space<vmem>> -> memref<1x128x128xf32, #tpu.memory_space<vmem>>
    %dma_start3A_467 = tpu.memref_squeeze %dma_start3A_466 : memref<1x128x128xf32, #tpu.memory_space<vmem>> -> memref<128x128xf32, #tpu.memory_space<vmem>>
    tpu.enqueue_dma source(%dma_start3A_467 : memref<128x128xf32, #tpu.memory_space<vmem>>) target(%dma_start3A_463 : memref<128x128xf32, #tpu.memory_space<hbm>>) target_semaphore(%arg20 : memref<!tpu.dma_semaphore, #tpu.memory_space<semaphore_mem>>)
    %dma_wait3A_468 = arith.constant 0 : i32
    %dma_wait3A_469 = arith.constant 2 : i32
    %dma_wait3A_470 = arith.constant 0 : i32
    %dma_wait3A_471 = arith.constant 0 : i32
    %dma_wait3A_472 = tpu.memref_slice %arg10[%dma_wait3A_468, %dma_wait3A_470, %dma_wait3A_471] : memref<2x128x128xf32, #tpu.memory_space<vmem>> -> memref<1x128x128xf32, #tpu.memory_space<vmem>>
    %dma_wait3A_473 = tpu.memref_squeeze %dma_wait3A_472 : memref<1x128x128xf32, #tpu.memory_space<vmem>> -> memref<128x128xf32, #tpu.memory_space<vmem>>
    %dma_wait3A_474 = arith.constant 0 : i32
    %dma_wait3A_475 = tpu.memref_slice %arg5[%dma_wait3A_469, %mul3A_352, %dma_wait3A_474] : memref<4x8192x128xf32, #tpu.memory_space<hbm>> -> memref<1x128x128xf32, #tpu.memory_space<hbm>>
    %dma_wait3A_476 = tpu.memref_squeeze %dma_wait3A_475 : memref<1x128x128xf32, #tpu.memory_space<hbm>> -> memref<128x128xf32, #tpu.memory_space<hbm>>
    %dma_wait3A_477 = arith.constant 0 : i32
    %dma_wait3A_478 = tpu.memref_slice %arg5[%dma_wait3A_469, %mul3A_352, %dma_wait3A_477] : memref<4x8192x128xf32, #tpu.memory_space<hbm>> -> memref<1x128x128xf32, #tpu.memory_space<hbm>>
    %dma_wait3A_479 = tpu.memref_squeeze %dma_wait3A_478 : memref<1x128x128xf32, #tpu.memory_space<hbm>> -> memref<128x128xf32, #tpu.memory_space<hbm>>
    %dma_wait3A_480 = arith.constant 0 : i32
    %dma_wait3A_481 = arith.constant 0 : i32
    %dma_wait3A_482 = tpu.memref_slice %arg10[%dma_wait3A_468, %dma_wait3A_480, %dma_wait3A_481] : memref<2x128x128xf32, #tpu.memory_space<vmem>> -> memref<1x128x128xf32, #tpu.memory_space<vmem>>
    %dma_wait3A_483 = tpu.memref_squeeze %dma_wait3A_482 : memref<1x128x128xf32, #tpu.memory_space<vmem>> -> memref<128x128xf32, #tpu.memory_space<vmem>>
    tpu.wait_dma2 semaphore(%arg19 : memref<!tpu.dma_semaphore, #tpu.memory_space<semaphore_mem>>) src(%dma_wait3A_483 : memref<128x128xf32, #tpu.memory_space<vmem>>) dst(%dma_wait3A_479 : memref<128x128xf32, #tpu.memory_space<hbm>>)
    %dma_wait3A_484 = arith.constant 1 : i32
    %dma_wait3A_485 = arith.constant 2 : i32
    %dma_wait3A_486 = arith.constant 0 : i32
    %dma_wait3A_487 = arith.constant 0 : i32
    %dma_wait3A_488 = tpu.memref_slice %arg10[%dma_wait3A_484, %dma_wait3A_486, %dma_wait3A_487] : memref<2x128x128xf32, #tpu.memory_space<vmem>> -> memref<1x128x128xf32, #tpu.memory_space<vmem>>
    %dma_wait3A_489 = tpu.memref_squeeze %dma_wait3A_488 : memref<1x128x128xf32, #tpu.memory_space<vmem>> -> memref<128x128xf32, #tpu.memory_space<vmem>>
    %dma_wait3A_490 = arith.constant 0 : i32
    %dma_wait3A_491 = tpu.memref_slice %arg5[%dma_wait3A_485, %mul3A_385, %dma_wait3A_490] : memref<4x8192x128xf32, #tpu.memory_space<hbm>> -> memref<1x128x128xf32, #tpu.memory_space<hbm>>
    %dma_wait3A_492 = tpu.memref_squeeze %dma_wait3A_491 : memref<1x128x128xf32, #tpu.memory_space<hbm>> -> memref<128x128xf32, #tpu.memory_space<hbm>>
    %dma_wait3A_493 = arith.constant 0 : i32
    %dma_wait3A_494 = tpu.memref_slice %arg5[%dma_wait3A_485, %mul3A_385, %dma_wait3A_493] : memref<4x8192x128xf32, #tpu.memory_space<hbm>> -> memref<1x128x128xf32, #tpu.memory_space<hbm>>
    %dma_wait3A_495 = tpu.memref_squeeze %dma_wait3A_494 : memref<1x128x128xf32, #tpu.memory_space<hbm>> -> memref<128x128xf32, #tpu.memory_space<hbm>>
    %dma_wait3A_496 = arith.constant 0 : i32
    %dma_wait3A_497 = arith.constant 0 : i32
    %dma_wait3A_498 = tpu.memref_slice %arg10[%dma_wait3A_484, %dma_wait3A_496, %dma_wait3A_497] : memref<2x128x128xf32, #tpu.memory_space<vmem>> -> memref<1x128x128xf32, #tpu.memory_space<vmem>>
    %dma_wait3A_499 = tpu.memref_squeeze %dma_wait3A_498 : memref<1x128x128xf32, #tpu.memory_space<vmem>> -> memref<128x128xf32, #tpu.memory_space<vmem>>
    tpu.wait_dma2 semaphore(%arg19 : memref<!tpu.dma_semaphore, #tpu.memory_space<semaphore_mem>>) src(%dma_wait3A_499 : memref<128x128xf32, #tpu.memory_space<vmem>>) dst(%dma_wait3A_495 : memref<128x128xf32, #tpu.memory_space<hbm>>)
    %dma_wait3A_500 = arith.constant 0 : i32
    %dma_wait3A_501 = arith.constant 3 : i32
    %dma_wait3A_502 = arith.constant 0 : i32
    %dma_wait3A_503 = arith.constant 0 : i32
    %dma_wait3A_504 = tpu.memref_slice %arg11[%dma_wait3A_500, %dma_wait3A_502, %dma_wait3A_503] : memref<2x128x128xf32, #tpu.memory_space<vmem>> -> memref<1x128x128xf32, #tpu.memory_space<vmem>>
    %dma_wait3A_505 = tpu.memref_squeeze %dma_wait3A_504 : memref<1x128x128xf32, #tpu.memory_space<vmem>> -> memref<128x128xf32, #tpu.memory_space<vmem>>
    %dma_wait3A_506 = arith.constant 0 : i32
    %dma_wait3A_507 = tpu.memref_slice %arg5[%dma_wait3A_501, %mul3A_418, %dma_wait3A_506] : memref<4x8192x128xf32, #tpu.memory_space<hbm>> -> memref<1x128x128xf32, #tpu.memory_space<hbm>>
    %dma_wait3A_508 = tpu.memref_squeeze %dma_wait3A_507 : memref<1x128x128xf32, #tpu.memory_space<hbm>> -> memref<128x128xf32, #tpu.memory_space<hbm>>
    %dma_wait3A_509 = arith.constant 0 : i32
    %dma_wait3A_510 = tpu.memref_slice %arg5[%dma_wait3A_501, %mul3A_418, %dma_wait3A_509] : memref<4x8192x128xf32, #tpu.memory_space<hbm>> -> memref<1x128x128xf32, #tpu.memory_space<hbm>>
    %dma_wait3A_511 = tpu.memref_squeeze %dma_wait3A_510 : memref<1x128x128xf32, #tpu.memory_space<hbm>> -> memref<128x128xf32, #tpu.memory_space<hbm>>
    %dma_wait3A_512 = arith.constant 0 : i32
    %dma_wait3A_513 = arith.constant 0 : i32
    %dma_wait3A_514 = tpu.memref_slice %arg11[%dma_wait3A_500, %dma_wait3A_512, %dma_wait3A_513] : memref<2x128x128xf32, #tpu.memory_space<vmem>> -> memref<1x128x128xf32, #tpu.memory_space<vmem>>
    %dma_wait3A_515 = tpu.memref_squeeze %dma_wait3A_514 : memref<1x128x128xf32, #tpu.memory_space<vmem>> -> memref<128x128xf32, #tpu.memory_space<vmem>>
    tpu.wait_dma2 semaphore(%arg20 : memref<!tpu.dma_semaphore, #tpu.memory_space<semaphore_mem>>) src(%dma_wait3A_515 : memref<128x128xf32, #tpu.memory_space<vmem>>) dst(%dma_wait3A_511 : memref<128x128xf32, #tpu.memory_space<hbm>>)
    %dma_wait3A_516 = arith.constant 1 : i32
    %dma_wait3A_517 = arith.constant 3 : i32
    %dma_wait3A_518 = arith.constant 0 : i32
    %dma_wait3A_519 = arith.constant 0 : i32
    %dma_wait3A_520 = tpu.memref_slice %arg11[%dma_wait3A_516, %dma_wait3A_518, %dma_wait3A_519] : memref<2x128x128xf32, #tpu.memory_space<vmem>> -> memref<1x128x128xf32, #tpu.memory_space<vmem>>
    %dma_wait3A_521 = tpu.memref_squeeze %dma_wait3A_520 : memref<1x128x128xf32, #tpu.memory_space<vmem>> -> memref<128x128xf32, #tpu.memory_space<vmem>>
    %dma_wait3A_522 = arith.constant 0 : i32
    %dma_wait3A_523 = tpu.memref_slice %arg5[%dma_wait3A_517, %mul3A_451, %dma_wait3A_522] : memref<4x8192x128xf32, #tpu.memory_space<hbm>> -> memref<1x128x128xf32, #tpu.memory_space<hbm>>
    %dma_wait3A_524 = tpu.memref_squeeze %dma_wait3A_523 : memref<1x128x128xf32, #tpu.memory_space<hbm>> -> memref<128x128xf32, #tpu.memory_space<hbm>>
    %dma_wait3A_525 = arith.constant 0 : i32
    %dma_wait3A_526 = tpu.memref_slice %arg5[%dma_wait3A_517, %mul3A_451, %dma_wait3A_525] : memref<4x8192x128xf32, #tpu.memory_space<hbm>> -> memref<1x128x128xf32, #tpu.memory_space<hbm>>
    %dma_wait3A_527 = tpu.memref_squeeze %dma_wait3A_526 : memref<1x128x128xf32, #tpu.memory_space<hbm>> -> memref<128x128xf32, #tpu.memory_space<hbm>>
    %dma_wait3A_528 = arith.constant 0 : i32
    %dma_wait3A_529 = arith.constant 0 : i32
    %dma_wait3A_530 = tpu.memref_slice %arg11[%dma_wait3A_516, %dma_wait3A_528, %dma_wait3A_529] : memref<2x128x128xf32, #tpu.memory_space<vmem>> -> memref<1x128x128xf32, #tpu.memory_space<vmem>>
    %dma_wait3A_531 = tpu.memref_squeeze %dma_wait3A_530 : memref<1x128x128xf32, #tpu.memory_space<vmem>> -> memref<128x128xf32, #tpu.memory_space<vmem>>
    tpu.wait_dma2 semaphore(%arg20 : memref<!tpu.dma_semaphore, #tpu.memory_space<semaphore_mem>>) src(%dma_wait3A_531 : memref<128x128xf32, #tpu.memory_space<vmem>>) dst(%dma_wait3A_527 : memref<128x128xf32, #tpu.memory_space<hbm>>)
    return
  }
}

</mosaic_0001>

<sc_bundles>
// kernel: kernel.3.cloned.1.call-start
scs
__scs_entry_jumppad:
0x0: {  	(pc) =	sbr.rel $0x88, $3  }
0x1: {  	(tag) =	ssettag $0x0;
	lr =	simm.s32 $0x1  }
0x2: {  	[smem:$0x3F9E] =	sst lr;
	_ =	strace $0xD0000000  }
0x3: {  	_ = 	snop  }
0x4: {  	_ = 	snop  }
0x5: {  	_ = 	snop  }
0x6: {  	_ = 	snop  }
0x7: {  	_ = 	snop  }
__scs_overlays_trampoline_lowered:
0x8: {  	[smem:$0x3FAD] =	sst s0  }
0x9: {  	[smem:$0x3FAE] =	sst s1  }
0xa: {  	[smem:$0x3FAF] =	sst s2  }
0xb: {  	[smem:$0x3FB0] =	sst s3  }
0xc: {  	[smem:$0x3FB1] =	sst s4  }
0xd: {  	[smem:$0x3FB2] =	sst s5  }
0xe: {  	[smem:$0x3FB3] =	sst s6  }
0xf: {  	[smem:$0x3FB4] =	sst s7  }
0x10: {  	[smem:$0x3FB5] =	sst s8  }
0x11: {  	[smem:$0x3FB6] =	sst s9;
	s0 =	simm.s32 @!p0 $0x0  }
0x12: {  	s1 =	sld [smem:$0x3F9C];
	s0 =	simm.s32 @p0 $0x1  }
0x13: {  	[smem:$0x3FB7] =	sst s0;
	s0 =	simm.s32 @!p1 $0x0  }
0x14: {  	s2 =	sld [smem:$0x3F9B];
	s0 =	simm.s32 @p1 $0x1  }
0x15: {  	[smem:$0x3FB8] =	sst s0;
	s0 =	simm.s32 @!p2 $0x0  }
0x16: {  	s3 =	sld [smem:$0x3FDB];
	s0 =	simm.s32 @p2 $0x1  }
0x17: {  	s4 =	simm.s32 $0x1BF5;
	[smem:$0x3FBA] =	sst s0  }
0x18: {  	s0 =	sld [smem:$0x3F9D];
	_ =	swait.ge [sflag:s4], $0x0  }
0x19: {  	s7 =	sld [smem:$0x3F9E]  }
0x1a: {  	s8 =	sadd.s32 $0xFFFFE003, lr  }
0x1b: {  	s9 =	sadd.s32 $0xFFFFFEF7, lr;
	s5 =	simm.s32 $0xFFFFFFFF;
	p2 =	slt.u32 s8, $0xFFFFF086  }
0x1c: {  	p1 =	slt.u32 s9, $0xF7A;
	s5 =	simm.s32 @!p2 $0x0  }
0x1d: {  	s5 =	simm.s32 @p1 $0x1;
	p0 =	seq.s32 s7, s2  }
0x1e: {  	s7 =	smul.u32 @!p0 $0xF7A, s2;
	p2 =	seq.s32 @!p0 s5, $0x0  }
0x1f: {  	s9 =	smul.u32 $0xF7A, s1;
	s8 =	simm.s32 @!p0 $0x1BF5;
	p2 =	por !p2, p0  }
0x20: {  	[sflag:s8] =	ssyncset.s32 @!p0 $0xFFFFF086;
	s6 =	sadd.s32 @!p0 s3, s7;
	s7 =	simm.s32 @!p0 $0x108  }
0x21: {  	s3 =	sadd.s32 s3, s9;
	s6 =	sadd.s32 @!p0 $0x88, s6;
	s7 =	simm.s32 @p2 $0x1082  }
0x22: {  	[simem:s7], [sflag:s8] =	dma.local @!p0 [hbm:s6], $0xF7A  }
0x23: {  	s9 =	sor.u32 $0xD0000000, s2;
	s6 =	simm.s32 $0x108;
	_ =	swait.ge @!p0 [sflag:s8], $0x0  }
0x24: {  	s3 =	sadd.s32 $0x88, s3;
	s6 =	simm.s32 @!p1 $0x1082;
	[sflag:s4] =	ssyncset.s32 $0xFFFFF086  }
0x25: {  	[simem:s6], [sflag:s4] =	dma.local [hbm:s3], $0xF7A  }
0x26: {  	[smem:$0x3F9E] =	sst s1;
	(tag) =	ssettag s2;
	_ =	strace s9  }
0x27: {  	s1 =	sld [smem:$0x3FAE]  }
0x28: {  	s2 =	sld [smem:$0x3FAF]  }
0x29: {  	s4 =	sld [smem:$0x3FB1]  }
0x2a: {  	p0 =	seq.s32 s5, $0x0;
	s5 =	sld [smem:$0x3FB2]  }
0x2b: {  	s6 =	sld [smem:$0x3FB3]  }
0x2c: {  	s7 =	sld [smem:$0x3FB4]  }
0x2d: {  	s3 =	simm.s32 $0x108;
	s8 =	sld [smem:$0x3FB5]  }
0x2e: {  	s3 =	simm.s32 @!p0 $0x1082;
	s9 =	sld [smem:$0x3FB6]  }
0x2f: {  	lr =	sadd.s32 s0, s3;
	s0 =	sld [smem:$0x3FAD]  }
0x30: {  	s3 =	sld [smem:$0x3FB0]  }
0x31: {  	[smem:$0x3FB9] =	sst s10  }
0x32: {  	s10 =	sld [smem:$0x3FB7];
	_ =	sdelay $0x3  }
0x33: {  	p0 =	seq.s32 s10, $0x1;
	s10 =	sld [smem:$0x3FB9];
	_ =	sdelay $0x3  }
0x34: {  	[smem:$0x3FB9] =	sst s10  }
0x35: {  	s10 =	sld [smem:$0x3FB8];
	_ =	sdelay $0x3  }
0x36: {  	p1 =	seq.s32 s10, $0x1;
	s10 =	sld [smem:$0x3FB9];
	_ =	sdelay $0x3  }
0x37: {  	[smem:$0x3FB9] =	sst s10  }
0x38: {  	s10 =	sld [smem:$0x3FBA]  }
0x39: {  	_ = 	snop;
	(pc) =	sbr.ind lr, $3  }
0x3a: {  	_ = 	snop  }
0x3b: {  	_ = 	snop  }
0x3c: {  	p2 =	seq.s32 s10, $0x1;
	s10 =	sld [smem:$0x3FB9]  }
0x3d: {  	_ =	shalt  }
0x3e: {  	_ =	shalt  }
0x3f: {  	_ =	shalt  }
0x40: {  	_ =	shalt  }
0x41: {  	_ =	shalt  }
0x42: {  	_ =	shalt  }
0x43: {  	_ =	shalt  }
0x44: {  	_ =	shalt  }
0x45: {  	_ =	shalt  }
0x46: {  	_ =	shalt  }
0x47: {  	_ =	shalt  }
0x48: {  	_ =	shalt  }
0x49: {  	_ =	shalt  }
0x4a: {  	_ =	shalt  }
0x4b: {  	_ =	shalt  }
0x4c: {  	_ =	shalt  }
0x4d: {  	_ =	shalt  }
0x4e: {  	_ =	shalt  }
0x4f: {  	_ =	shalt  }
0x50: {  	_ =	shalt  }
0x51: {  	_ =	shalt  }
0x52: {  	_ =	shalt  }
0x53: {  	_ =	shalt  }
0x54: {  	_ =	shalt  }
0x55: {  	_ =	shalt  }
0x56: {  	_ =	shalt  }
0x57: {  	_ =	shalt  }
0x58: {  	_ =	shalt  }
0x59: {  	_ =	shalt  }
0x5a: {  	_ =	shalt  }
0x5b: {  	_ =	shalt  }
0x5c: {  	_ =	shalt  }
0x5d: {  	_ =	shalt  }
0x5e: {  	_ =	shalt  }
0x5f: {  	_ =	shalt  }
0x60: {  	_ =	shalt  }
0x61: {  	_ =	shalt  }
0x62: {  	_ =	shalt  }
0x63: {  	_ =	shalt  }
0x64: {  	_ =	shalt  }
0x65: {  	_ =	shalt  }
0x66: {  	_ =	shalt  }
0x67: {  	_ =	shalt  }
0x68: {  	_ =	shalt  }
0x69: {  	_ =	shalt  }
0x6a: {  	_ =	shalt  }
0x6b: {  	_ =	shalt  }
0x6c: {  	_ =	shalt  }
0x6d: {  	_ =	shalt  }
0x6e: {  	_ =	shalt  }
0x6f: {  	_ =	shalt  }
0x70: {  	_ =	shalt  }
0x71: {  	_ =	shalt  }
0x72: {  	_ =	shalt  }
0x73: {  	_ =	shalt  }
0x74: {  	_ =	shalt  }
0x75: {  	_ =	shalt  }
0x76: {  	_ =	shalt  }
0x77: {  	_ =	shalt  }
0x78: {  	_ =	shalt  }
0x79: {  	_ =	shalt  }
0x7a: {  	_ =	shalt  }
0x7b: {  	_ =	shalt  }
0x7c: {  	_ =	shalt  }
0x7d: {  	_ =	shalt  }
0x7e: {  	_ =	shalt  }
0x7f: {  	_ =	shalt  }
0x80: {  	_ =	shalt  }
0x81: {  	_ =	shalt  }
0x82: {  	_ =	shalt  }
0x83: {  	_ =	shalt  }
0x84: {  	_ =	shalt  }
0x85: {  	_ =	shalt  }
0x86: {  	_ =	shalt  }
0x87: {  	_ =	shalt  }
.Lfunc_end0:
.L_simem_size_0:
called_computation_lowered:
.L_overlay_start_0:
0x88: {  	s2 =	sld [smem:$0x3FD9]  }
0x89: {  	s3 =	sld [smem:$0x3FFE];
	_ =	sdelay $0x1  }
0x8a: {  	s1 =	srdreg.scid  }
0x8b: {  	s0 =	sand.u32 $0x1, s1  }
0x8c: {  	s18 =	sshll.u32 s0, $0xA;
	s2 =	sadd.s32 s3, s2  }
0x8d: {  	s2 =	sadd.s32 s2, s18  }
0x8e: {  	[smem:$0x3FC5] =	sst s2  }
0x8f: {  	_ = 	snop  }
0x90: {  	s2 =	sld [smem:$0x3FC9]  }
0x91: {  	s19 =	sld [smem:$0x3FC8]  }
0x92: {  	s4 =	sld [smem:$0x3FC7]  }
0x93: {  	s5 =	sld [smem:$0x3FD0];
	(tm) =	ssettm $0x1  }
0x94: {  	s6 =	sld [smem:$0x3FFB];
	_ =	sdelay $0x3  }
0x95: {  	_ =	strace s6  }
0x96: {  	s6 =	sld [smem:$0x3FFC];
	_ =	sdelay $0x3  }
0x97: {  	_ =	strace s6  }
0x98: {  	s6 =	sld [smem:$0x3FFD];
	_ =	sdelay $0x3  }
0x99: {  	_ =	strace s6  }
0x9a: {  	_ =	strace $0x8FFFFFFF  }
0x9b: {  	s20 =	sld [smem:$0x3FDB];
	_ =	sdelay $0x1  }
0x9c: {  	s7 =	simm.s32 $_scs_section_size  }
0x9d: {  	s8 =	simm.s32 $_size__tile_overlayer_lowered;
	s9 =	simm.s32 $_tile_overlayer_lowered  }
0x9e: {  	s23 =	simm.s32 $0x1BFF;
	s22 =	sshll.u32 s9, $0x1;
	s6 =	sadd.s32 s7, s20  }
0x9f: {  	s10 =	simm.s32 $0x0;
	s21 =	sshll.u32 s8, $0x1;
	s8 =	sadd.s32 s22, s6  }
0xa0: {  	[timem:s10], [sflag:s23] =	dma.local [hbm:s8], s21  }
0xa1: {  	_ =	swait.ge [sflag:s23], s21  }
0xa2: {  	s7 =	ssub.s32 $0x0, s21;
	[sflag:s23] =	ssyncset.done $0x0  }
0xa3: {  	[sflag:s23] =	ssyncadd.s32 s7;
	_ =	sdelay $0x1  }
0xa4: {  	s24 =	simm.s32 $0x1B8B  }
0xa5: {  	_ =	swait.ge [sflag:s24], $0x1  }
0xa6: {  	[sflag:s24] =	ssyncset.done $0x0  }
0xa7: {  	s25 =	simm.s32 $0x1B8E;
	[sflag:s24] =	ssyncadd.s32 $0xFFFFFFFF  }
0xa8: {  	s26 =	simm.s32 $execute0_lowered;
	[smem:$0x3FD2] =	sst s25  }
0xa9: {  	s7 =	sshll.u32 s26, $0x1;
	_ =	strace $0x80000046;
	[dreg:$0x1] =	wrdreg $0xFFFFFFFF  }
0xaa: {  	s28 =	simm.s32 $_size_execute0_lowered;
	s6 =	sadd.s32 s6, s7;
	[dreg:$0x0] =	wrdreg $0x0  }
0xab: {  	s7 =	sshll.u32 s28, $0x1;
	[dreg:$0x2] =	wrdreg s6  }
0xac: {  	[dreg:$0x3] =	wrdreg s7  }
0xad: {  	[dreg:$0x4] =	wrdreg $0xC0  }
0xae: {  	_ =	task [dreg:s10], $0x5FFFF  }
0xaf: {  	[dreg:$0x1] =	wrdreg $0xFFFFFFFF  }
0xb0: {  	[dreg:$0x0] =	wrdreg $0x60  }
0xb1: {  	[dreg:$0x2] =	wrdreg s2  }
0xb2: {  	[dreg:$0x3] =	wrdreg s19  }
0xb3: {  	[dreg:$0x4] =	wrdreg s4  }
0xb4: {  	[dreg:$0x5] =	wrdreg s5  }
0xb5: {  	[dreg:$0x6] =	wrdreg $0x9  }
0xb6: {  	_ =	task.clear_ibuf [dreg:s10], $0x7FFFF;
	_ =	strace $0x90000046  }
0xb7: {  	s29 =	simm.s32 $0x9;
	_ =	strace $0x80000048  }
0xb8: {  	_ =	swait.ge [sflag:s29], $0x1  }
0xb9: {  	[sflag:s29] =	ssyncadd.s32 $0xFFFFFFFF  }
0xba: {  	_ =	strace $0x90000048  }
0xbb: {  	_ =	sfence  }
0xbc: {  	s30 =	sld [smem:$0x0];
	_ =	sdelay $0x2  }
0xbd: {  	s31 =	sshll.u32 s1, $0xD;
	s1 =	sshrl.u32 s1, $0x2  }
0xbe: {  	s3 =	sand.u32 $0x4000, s31;
	s1 =	sadd.s32 s1, s30  }
0xbf: {  	s0 =	sor.u32 s3, s0;
	s1 =	sshll.u32 s1, $0x11  }
0xc0: {  	s0 =	sor.u32 s1, s0  }
0xc1: {  	s0 =	sadd.s32 $0x8F2B, s0  }
0xc2: {  	[sflag:s0] =	ssyncadd.remote.s32 $0x1  }
0xc3: {  	_ =	sfence.sel $0xFFFF  }
0xc4: {  	[dreg:$0x0] =	wrdreg $0xFFFFFFFF;
	(pc) =	sbr.abs _section_cstart, $3  }
0xc5: {  	[dreg:$0x1] =	wrdreg $0xFFFFFFFF  }
0xc6: {  	_ =	task.clear_ibuf [dreg:s10], $0x2FFFF;
	_ =	strace $0x9FFFFFFF  }
0xc7: {  	(tm) =	ssettm $0x7FFFFFFF  }
tec
execute0_lowered:
.L_overlay_start_1:
0x0: {  	(tag) =	ssettag $0x1  }
0x1: {  	s0 =	rddreg [dreg:$0x0]  }
0x2: {  	s2 =	rddreg [dreg:$0x1]  }
0x3: {  	s1 =	rddreg [dreg:$0x2]  }
0x4: {  	s5 =	rddreg [dreg:$0x3]  }
0x5: {  	s3 =	srdreg.scid;
	s6 =	stileid.u32  }
0x6: {  	s18 =	simm.s32 $0x80;
	s19 =	simm.s32 $0x200;
	s28 =	simm.s32 $0x8400  }
0x7: {  	s30 =	simm.s32 $0xC400;
	s31 =	simm.s32 $0x9;
	s22 =	simm.s32 $0x7  }
0x8: {  	s29 =	simm.s32 $0x6;
	s20 =	simm.s32 $0x4;
	s21 =	simm.s32 $0x8  }
0x9: {  	s4 =	sand.u32 $0x1, s3;
	s6 =	sshll.u32 s6, $0x1;
	s3 =	simm.s32 $0x0  }
0xa: {  	s7 =	ssub.s32 $0x2, s4;
	s6 =	sor.u32 s4, s6;
	[smem:$0x7FF] =	sst s3  }
0xb: {  	s23 =	sshrl.u32 s7, $0x1;
	s8 =	sshll.u32 s6, $0x7;
	_ =	strace $0x80000047  }
0xc: {  	s25 =	sshll.u32 s6, $0xC;
	s7 =	ssub.s32 s7, s23;
	s4 =	sadd.s32 s0, s8  }
0xd: {  	s1 =	sadd.s32 s1, s25;
	s9 =	sadd.s32 s5, s25;
	s23 =	simm.s32 $0x1  }
0xe: {  	s25 =	simm.s32 $0x4400;
	s5 =	simm.s32 $0x0;
	s0 =	sadd.s32 $0x10, s4  }
0xf: {  	s24 =	sadd.s32 $0x20, s4;
	s26 =	sadd.s32 $0x30, s4;
	[dreg:$0x8] =	wrdreg s1  }
0x10: {  	s10 =	sadd.s32 $0x800, s9;
	s11 =	sadd.s32 $0x20000, s9;
	s12 =	sadd.s32 $0x20800, s9  }
0x11: {  	s13 =	sadd.s32 $0x40000, s9;
	s14 =	sadd.s32 $0x40800, s9;
	[dreg:$0x5] =	wrdreg s0  }
0x12: {  	s15 =	sadd.s32 $0x60000, s9;
	s16 =	sadd.s32 $0x60800, s9;
	[dreg:$0x6] =	wrdreg s24  }
0x13: {  	s17 =	smax.u32 s7, $0x1;
	s1 =	simm.s32 $0x3;
	[dreg:$0x7] =	wrdreg s26  }
0x14: {  	s24 =	simm.s32 $0x400;
	s26 =	simm.s32 $0x2;
	s0 =	simm.s32 $0x5  }
.LBB2_1:
0x15: {  	[tilespmem:s3], [sflag:$0x1] =	stream.strided.gather [hbm4b:s4+s18], $0x100, s19, s18, $0x38;
	[tilespmem:$0x18400] =	vst v63  }
0x16: {  	s6 =	rddreg [dreg:$0x5];
	s7 =	simm.s32 $0x100  }
0x17: {  	[tilespmem:s7], [sflag:$0x2] =	stream.strided.gather [hbm4b:s6+s18], $0x100, s19, s18, $0x38;
	[tilespmem:$0x18400] =	vst v63  }
0x18: {  	s8 =	rddreg [dreg:$0x6]  }
0x19: {  	[tilespmem:s19], [sflag:$0x3] =	stream.strided.gather [hbm4b:s8+s18], $0x100, s19, s18, $0x38;
	[tilespmem:$0x18400] =	vst v63  }
0x1a: {  	s6 =	rddreg [dreg:$0x7];
	s8 =	simm.s32 $0x300  }
0x1b: {  	[tilespmem:s8], [sflag:$0x4] =	stream.strided.gather [hbm4b:s6+s18], $0x100, s19, s18, $0x38;
	[tilespmem:$0x18400] =	vst v63  }
0x1c: {  	s6 =	rddreg [dreg:$0x8];
	s8 =	simm.s32 $0x10400  }
0x1d: {  	[tilespmem:s8], [sflag:$0x9] =	stream.linear.gather [hbm4b:s6+s3], $0x8000, $0x38;
	[tilespmem:$0x18400] =	vst v63  }
0x1e: {  	_ =	swait.ge [sflag:s23], $0x100  }
0x1f: {  	[sflag:s23] =	ssyncset.done $0x0  }
0x20: {  	[sflag:s23] =	ssyncadd.s32 $0xFFFFFF00  }
0x21: {  	[tilespmem:s24], [sflag:$0x5] =	stream.indirect.gather [hbm4b:s2+s18], $0x80, s3, s18, $0xb8;
	[tilespmem:$0x18400] =	vst v63  }
0x22: {  	_ = 	snop  }
0x23: {  	[tilespmem:s25], [sflag:$0x5] =	stream.indirect.gather [hbm4b:s2+s18], $0x80, s18, s18, $0xb8;
	[tilespmem:$0x18400] =	vst v63  }
0x24: {  	_ =	swait.ge [sflag:s26], $0x100  }
0x25: {  	[sflag:s26] =	ssyncset.done $0x0  }
0x26: {  	[sflag:s26] =	ssyncadd.s32 $0xFFFFFF00  }
0x27: {  	[tilespmem:s28], [sflag:$0x6] =	stream.indirect.gather [hbm4b:s2+s18], $0x80, s7, s18, $0xb8;
	[tilespmem:$0x18400] =	vst v63  }
0x28: {  	s8 =	simm.s32 $0x180  }
0x29: {  	[tilespmem:s30], [sflag:$0x6] =	stream.indirect.gather [hbm4b:s2+s18], $0x80, s8, s18, $0xb8;
	[tilespmem:$0x18400] =	vst v63  }
0x2a: {  	_ =	swait.ge [sflag:s31], $0x8000  }
0x2b: {  	[sflag:s31] =	ssyncset.done $0x0  }
0x2c: {  	[sflag:s31] =	ssyncadd.s32 $0xFFFF8000  }
0x2d: {  	_ =	swait.ge [sflag:s0], $0x4000  }
0x2e: {  	[sflag:s0] =	ssyncset.done $0x0  }
0x2f: {  	s6 =	simm.s32 $0x0;
	[sflag:s0] =	ssyncadd.s32 $0xFFFFC000  }
0x30: {  	v0 =	vld [tilespmem:s6+$0x105F0]  }
0x31: {  	v1 =	vld [tilespmem:s6+$0x10400]  }
0x32: {  	v2 =	vld [tilespmem:s6+$0x10410]  }
0x33: {  	v3 =	vld [tilespmem:s6+$0x10420]  }
0x34: {  	v4 =	vld [tilespmem:s6+$0x10430]  }
0x35: {  	v5 =	vld [tilespmem:s6+$0x10440]  }
0x36: {  	v6 =	vld [tilespmem:s6+$0x10450]  }
0x37: {  	v7 =	vld [tilespmem:s6+$0x10460]  }
0x38: {  	v8 =	vld [tilespmem:s6+$0x10470]  }
0x39: {  	v9 =	vld [tilespmem:s6+$0x10480]  }
0x3a: {  	v10 =	vld [tilespmem:s6+$0x10490]  }
0x3b: {  	v11 =	vld [tilespmem:s6+$0x104A0]  }
0x3c: {  	v12 =	vld [tilespmem:s6+$0x104B0]  }
0x3d: {  	v13 =	vld [tilespmem:s6+$0x104C0]  }
0x3e: {  	v14 =	vld [tilespmem:s6+$0x104D0]  }
0x3f: {  	v15 =	vld [tilespmem:s6+$0x104E0]  }
0x40: {  	v16 =	vld [tilespmem:s6+$0x104F0]  }
0x41: {  	v17 =	vld [tilespmem:s6+$0x10500]  }
0x42: {  	v18 =	vld [tilespmem:s6+$0x10510]  }
0x43: {  	v19 =	vld [tilespmem:s6+$0x10520]  }
0x44: {  	v20 =	vld [tilespmem:s6+$0x10530]  }
0x45: {  	v21 =	vld [tilespmem:s6+$0x10540]  }
0x46: {  	v22 =	vld [tilespmem:s6+$0x10550]  }
0x47: {  	v23 =	vld [tilespmem:s6+$0x10560]  }
0x48: {  	v24 =	vld [tilespmem:s6+$0x10570]  }
0x49: {  	v25 =	vld [tilespmem:s6+$0x10580]  }
0x4a: {  	v26 =	vld [tilespmem:s6+$0x10590]  }
0x4b: {  	v27 =	vld [tilespmem:s6+$0x105A0]  }
0x4c: {  	v28 =	vld [tilespmem:s6+$0x105B0]  }
0x4d: {  	v29 =	vld [tilespmem:s6+$0x105C0]  }
0x4e: {  	v30 =	vld [tilespmem:s6+$0x105D0]  }
0x4f: {  	[tilespmem:s6+$0x5F0] =	vst.add.f32.msk $0xffff, v0  }
0x50: {  	v0 =	vld [tilespmem:s6+$0x105E0]  }
0x51: {  	[tilespmem:s6+$0x400] =	vst.add.f32.msk $0xffff, v1  }
0x52: {  	[tilespmem:s6+$0x410] =	vst.add.f32.msk $0xffff, v2  }
0x53: {  	[tilespmem:s6+$0x420] =	vst.add.f32.msk $0xffff, v3  }
0x54: {  	[tilespmem:s6+$0x430] =	vst.add.f32.msk $0xffff, v4  }
0x55: {  	[tilespmem:s6+$0x440] =	vst.add.f32.msk $0xffff, v5  }
0x56: {  	[tilespmem:s6+$0x450] =	vst.add.f32.msk $0xffff, v6  }
0x57: {  	[tilespmem:s6+$0x460] =	vst.add.f32.msk $0xffff, v7  }
0x58: {  	[tilespmem:s6+$0x470] =	vst.add.f32.msk $0xffff, v8  }
0x59: {  	[tilespmem:s6+$0x480] =	vst.add.f32.msk $0xffff, v9  }
0x5a: {  	[tilespmem:s6+$0x490] =	vst.add.f32.msk $0xffff, v10  }
0x5b: {  	[tilespmem:s6+$0x4A0] =	vst.add.f32.msk $0xffff, v11  }
0x5c: {  	[tilespmem:s6+$0x4B0] =	vst.add.f32.msk $0xffff, v12  }
0x5d: {  	[tilespmem:s6+$0x4C0] =	vst.add.f32.msk $0xffff, v13  }
0x5e: {  	[tilespmem:s6+$0x4D0] =	vst.add.f32.msk $0xffff, v14  }
0x5f: {  	[tilespmem:s6+$0x4E0] =	vst.add.f32.msk $0xffff, v15  }
0x60: {  	[tilespmem:s6+$0x4F0] =	vst.add.f32.msk $0xffff, v16  }
0x61: {  	[tilespmem:s6+$0x500] =	vst.add.f32.msk $0xffff, v17  }
0x62: {  	[tilespmem:s6+$0x510] =	vst.add.f32.msk $0xffff, v18  }
0x63: {  	[tilespmem:s6+$0x520] =	vst.add.f32.msk $0xffff, v19  }
0x64: {  	[tilespmem:s6+$0x530] =	vst.add.f32.msk $0xffff, v20  }
0x65: {  	[tilespmem:s6+$0x540] =	vst.add.f32.msk $0xffff, v21  }
0x66: {  	[tilespmem:s6+$0x550] =	vst.add.f32.msk $0xffff, v22  }
0x67: {  	[tilespmem:s6+$0x560] =	vst.add.f32.msk $0xffff, v23  }
0x68: {  	[tilespmem:s6+$0x570] =	vst.add.f32.msk $0xffff, v24  }
0x69: {  	[tilespmem:s6+$0x580] =	vst.add.f32.msk $0xffff, v25  }
0x6a: {  	[tilespmem:s6+$0x590] =	vst.add.f32.msk $0xffff, v26  }
0x6b: {  	[tilespmem:s6+$0x5A0] =	vst.add.f32.msk $0xffff, v27  }
0x6c: {  	[tilespmem:s6+$0x5B0] =	vst.add.f32.msk $0xffff, v28  }
0x6d: {  	[tilespmem:s6+$0x5C0] =	vst.add.f32.msk $0xffff, v29  }
0x6e: {  	s7 =	simm.s32 $0x0;
	s8 =	simm.s32 $0x800;
	[tilespmem:s6+$0x5D0] =	vst.add.f32.msk $0xffff, v30  }
.LBB2_2:
0x6f: {  	s7 =	sadd.s32 $0x4, s7;
	[tilespmem:s6+$0x5E0] =	vst.add.f32.msk $0xffff, v0;
	s6 =	sshra.s32 s8, $0x2  }
0x70: {  	v0 =	vld [tilespmem:s6+$0x105F0];
	p0 =	slt.u32 s7, $0x7C  }
0x71: {  	v1 =	vld [tilespmem:s6+$0x10400]  }
0x72: {  	v2 =	vld [tilespmem:s6+$0x10410]  }
0x73: {  	v3 =	vld [tilespmem:s6+$0x10420]  }
0x74: {  	v4 =	vld [tilespmem:s6+$0x10430]  }
0x75: {  	[tilespmem:s6+$0x5F0] =	vst.add.f32.msk $0xffff, v0  }
0x76: {  	v5 =	vld [tilespmem:s6+$0x10440]  }
0x77: {  	v6 =	vld [tilespmem:s6+$0x10450]  }
0x78: {  	v7 =	vld [tilespmem:s6+$0x10460]  }
0x79: {  	v8 =	vld [tilespmem:s6+$0x10470]  }
0x7a: {  	v9 =	vld [tilespmem:s6+$0x10480]  }
0x7b: {  	v10 =	vld [tilespmem:s6+$0x10490]  }
0x7c: {  	v11 =	vld [tilespmem:s6+$0x104A0]  }
0x7d: {  	v12 =	vld [tilespmem:s6+$0x104B0]  }
0x7e: {  	v13 =	vld [tilespmem:s6+$0x104C0]  }
0x7f: {  	v14 =	vld [tilespmem:s6+$0x104D0]  }
0x80: {  	v15 =	vld [tilespmem:s6+$0x104E0]  }
0x81: {  	v16 =	vld [tilespmem:s6+$0x104F0]  }
0x82: {  	v17 =	vld [tilespmem:s6+$0x10500]  }
0x83: {  	v18 =	vld [tilespmem:s6+$0x10510]  }
0x84: {  	v19 =	vld [tilespmem:s6+$0x10520]  }
0x85: {  	v20 =	vld [tilespmem:s6+$0x10530]  }
0x86: {  	v21 =	vld [tilespmem:s6+$0x10540]  }
0x87: {  	v22 =	vld [tilespmem:s6+$0x10550]  }
0x88: {  	v23 =	vld [tilespmem:s6+$0x10560]  }
0x89: {  	v24 =	vld [tilespmem:s6+$0x10570]  }
0x8a: {  	v25 =	vld [tilespmem:s6+$0x10580]  }
0x8b: {  	v26 =	vld [tilespmem:s6+$0x10590]  }
0x8c: {  	v27 =	vld [tilespmem:s6+$0x105A0]  }
0x8d: {  	v28 =	vld [tilespmem:s6+$0x105B0]  }
0x8e: {  	v29 =	vld [tilespmem:s6+$0x105C0]  }
0x8f: {  	v30 =	vld [tilespmem:s6+$0x105D0]  }
0x90: {  	v0 =	vld [tilespmem:s6+$0x105E0]  }
0x91: {  	[tilespmem:s6+$0x400] =	vst.add.f32.msk $0xffff, v1  }
0x92: {  	[tilespmem:s6+$0x410] =	vst.add.f32.msk $0xffff, v2  }
0x93: {  	[tilespmem:s6+$0x420] =	vst.add.f32.msk $0xffff, v3  }
0x94: {  	[tilespmem:s6+$0x430] =	vst.add.f32.msk $0xffff, v4  }
0x95: {  	[tilespmem:s6+$0x440] =	vst.add.f32.msk $0xffff, v5  }
0x96: {  	[tilespmem:s6+$0x450] =	vst.add.f32.msk $0xffff, v6  }
0x97: {  	[tilespmem:s6+$0x460] =	vst.add.f32.msk $0xffff, v7  }
0x98: {  	[tilespmem:s6+$0x470] =	vst.add.f32.msk $0xffff, v8  }
0x99: {  	[tilespmem:s6+$0x480] =	vst.add.f32.msk $0xffff, v9  }
0x9a: {  	[tilespmem:s6+$0x490] =	vst.add.f32.msk $0xffff, v10  }
0x9b: {  	[tilespmem:s6+$0x4A0] =	vst.add.f32.msk $0xffff, v11  }
0x9c: {  	[tilespmem:s6+$0x4B0] =	vst.add.f32.msk $0xffff, v12  }
0x9d: {  	[tilespmem:s6+$0x4C0] =	vst.add.f32.msk $0xffff, v13  }
0x9e: {  	[tilespmem:s6+$0x4D0] =	vst.add.f32.msk $0xffff, v14  }
0x9f: {  	[tilespmem:s6+$0x4E0] =	vst.add.f32.msk $0xffff, v15  }
0xa0: {  	[tilespmem:s6+$0x4F0] =	vst.add.f32.msk $0xffff, v16  }
0xa1: {  	[tilespmem:s6+$0x500] =	vst.add.f32.msk $0xffff, v17  }
0xa2: {  	[tilespmem:s6+$0x510] =	vst.add.f32.msk $0xffff, v18  }
0xa3: {  	[tilespmem:s6+$0x520] =	vst.add.f32.msk $0xffff, v19  }
0xa4: {  	[tilespmem:s6+$0x530] =	vst.add.f32.msk $0xffff, v20  }
0xa5: {  	[tilespmem:s6+$0x540] =	vst.add.f32.msk $0xffff, v21  }
0xa6: {  	[tilespmem:s6+$0x550] =	vst.add.f32.msk $0xffff, v22  }
0xa7: {  	[tilespmem:s6+$0x560] =	vst.add.f32.msk $0xffff, v23  }
0xa8: {  	[tilespmem:s6+$0x570] =	vst.add.f32.msk $0xffff, v24  }
0xa9: {  	[tilespmem:s6+$0x580] =	vst.add.f32.msk $0xffff, v25  }
.Ltmp0:
0xaa: {  	[tilespmem:s6+$0x590] =	vst.add.f32.msk $0xffff, v26;
	(pc) =	sbr.rel @p0 .LBB2_2-.Ltmp0, $4  }
0xab: {  	[tilespmem:s6+$0x5A0] =	vst.add.f32.msk $0xffff, v27  }
0xac: {  	[tilespmem:s6+$0x5B0] =	vst.add.f32.msk $0xffff, v28  }
0xad: {  	[tilespmem:s6+$0x5C0] =	vst.add.f32.msk $0xffff, v29  }
0xae: {  	s8 =	sadd.s32 $0x800, s8;
	[tilespmem:s6+$0x5D0] =	vst.add.f32.msk $0xffff, v30  }
0xaf: {  	[tilespmem:s6+$0x5E0] =	vst.add.f32.msk $0xffff, v0;
	s8 =	simm.s32 $0x0  }
0xb0: {  	[hbm4b:s9+s8] =	stream.linear.scatter [tilespmem:s24], [sflag:$0x7], $0x4000, $0x38;
	[tilespmem:$0x18400] =	vst v63  }
0xb1: {  	_ =	swait.ge [sflag:s0], $0x4000  }
0xb2: {  	[sflag:s0] =	ssyncset.done $0x0  }
0xb3: {  	s6 =	simm.s32 $0x0;
	[sflag:s0] =	ssyncadd.s32 $0xFFFFC000  }
0xb4: {  	v0 =	vld [tilespmem:s6+$0x145F0]  }
0xb5: {  	v1 =	vld [tilespmem:s6+$0x14400]  }
0xb6: {  	v2 =	vld [tilespmem:s6+$0x14410]  }
0xb7: {  	v3 =	vld [tilespmem:s6+$0x14420]  }
0xb8: {  	v4 =	vld [tilespmem:s6+$0x14430]  }
0xb9: {  	v5 =	vld [tilespmem:s6+$0x14440]  }
0xba: {  	v6 =	vld [tilespmem:s6+$0x14450]  }
0xbb: {  	v7 =	vld [tilespmem:s6+$0x14460]  }
0xbc: {  	v8 =	vld [tilespmem:s6+$0x14470]  }
0xbd: {  	v9 =	vld [tilespmem:s6+$0x14480]  }
0xbe: {  	v10 =	vld [tilespmem:s6+$0x14490]  }
0xbf: {  	v11 =	vld [tilespmem:s6+$0x144A0]  }
0xc0: {  	v12 =	vld [tilespmem:s6+$0x144B0]  }
0xc1: {  	v13 =	vld [tilespmem:s6+$0x144C0]  }
0xc2: {  	v14 =	vld [tilespmem:s6+$0x144D0]  }
0xc3: {  	v15 =	vld [tilespmem:s6+$0x144E0]  }
0xc4: {  	v16 =	vld [tilespmem:s6+$0x144F0]  }
0xc5: {  	v17 =	vld [tilespmem:s6+$0x14500]  }
0xc6: {  	v18 =	vld [tilespmem:s6+$0x14510]  }
0xc7: {  	v19 =	vld [tilespmem:s6+$0x14520]  }
0xc8: {  	v20 =	vld [tilespmem:s6+$0x14530]  }
0xc9: {  	v21 =	vld [tilespmem:s6+$0x14540]  }
0xca: {  	v22 =	vld [tilespmem:s6+$0x14550]  }
0xcb: {  	v23 =	vld [tilespmem:s6+$0x14560]  }
0xcc: {  	v24 =	vld [tilespmem:s6+$0x14570]  }
0xcd: {  	v25 =	vld [tilespmem:s6+$0x14580]  }
0xce: {  	v26 =	vld [tilespmem:s6+$0x14590]  }
0xcf: {  	v27 =	vld [tilespmem:s6+$0x145A0]  }
0xd0: {  	v28 =	vld [tilespmem:s6+$0x145B0]  }
0xd1: {  	v29 =	vld [tilespmem:s6+$0x145C0]  }
0xd2: {  	v30 =	vld [tilespmem:s6+$0x145D0]  }
0xd3: {  	[tilespmem:s6+$0x45F0] =	vst.add.f32.msk $0xffff, v0  }
0xd4: {  	v0 =	vld [tilespmem:s6+$0x145E0]  }
0xd5: {  	[tilespmem:s6+$0x4400] =	vst.add.f32.msk $0xffff, v1  }
0xd6: {  	[tilespmem:s6+$0x4410] =	vst.add.f32.msk $0xffff, v2  }
0xd7: {  	[tilespmem:s6+$0x4420] =	vst.add.f32.msk $0xffff, v3  }
0xd8: {  	[tilespmem:s6+$0x4430] =	vst.add.f32.msk $0xffff, v4  }
0xd9: {  	[tilespmem:s6+$0x4440] =	vst.add.f32.msk $0xffff, v5  }
0xda: {  	[tilespmem:s6+$0x4450] =	vst.add.f32.msk $0xffff, v6  }
0xdb: {  	[tilespmem:s6+$0x4460] =	vst.add.f32.msk $0xffff, v7  }
0xdc: {  	[tilespmem:s6+$0x4470] =	vst.add.f32.msk $0xffff, v8  }
0xdd: {  	[tilespmem:s6+$0x4480] =	vst.add.f32.msk $0xffff, v9  }
0xde: {  	[tilespmem:s6+$0x4490] =	vst.add.f32.msk $0xffff, v10  }
0xdf: {  	[tilespmem:s6+$0x44A0] =	vst.add.f32.msk $0xffff, v11  }
0xe0: {  	[tilespmem:s6+$0x44B0] =	vst.add.f32.msk $0xffff, v12  }
0xe1: {  	[tilespmem:s6+$0x44C0] =	vst.add.f32.msk $0xffff, v13  }
0xe2: {  	[tilespmem:s6+$0x44D0] =	vst.add.f32.msk $0xffff, v14  }
0xe3: {  	[tilespmem:s6+$0x44E0] =	vst.add.f32.msk $0xffff, v15  }
0xe4: {  	[tilespmem:s6+$0x44F0] =	vst.add.f32.msk $0xffff, v16  }
0xe5: {  	[tilespmem:s6+$0x4500] =	vst.add.f32.msk $0xffff, v17  }
0xe6: {  	[tilespmem:s6+$0x4510] =	vst.add.f32.msk $0xffff, v18  }
0xe7: {  	[tilespmem:s6+$0x4520] =	vst.add.f32.msk $0xffff, v19  }
0xe8: {  	[tilespmem:s6+$0x4530] =	vst.add.f32.msk $0xffff, v20  }
0xe9: {  	[tilespmem:s6+$0x4540] =	vst.add.f32.msk $0xffff, v21  }
0xea: {  	[tilespmem:s6+$0x4550] =	vst.add.f32.msk $0xffff, v22  }
0xeb: {  	[tilespmem:s6+$0x4560] =	vst.add.f32.msk $0xffff, v23  }
0xec: {  	[tilespmem:s6+$0x4570] =	vst.add.f32.msk $0xffff, v24  }
0xed: {  	[tilespmem:s6+$0x4580] =	vst.add.f32.msk $0xffff, v25  }
0xee: {  	[tilespmem:s6+$0x4590] =	vst.add.f32.msk $0xffff, v26  }
0xef: {  	[tilespmem:s6+$0x45A0] =	vst.add.f32.msk $0xffff, v27  }
0xf0: {  	[tilespmem:s6+$0x45B0] =	vst.add.f32.msk $0xffff, v28  }
0xf1: {  	[tilespmem:s6+$0x45C0] =	vst.add.f32.msk $0xffff, v29  }
0xf2: {  	s7 =	simm.s32 $0x0;
	s8 =	simm.s32 $0x800;
	[tilespmem:s6+$0x45D0] =	vst.add.f32.msk $0xffff, v30  }
.LBB2_4:
0xf3: {  	s7 =	sadd.s32 $0x4, s7;
	[tilespmem:s6+$0x45E0] =	vst.add.f32.msk $0xffff, v0;
	s6 =	sshra.s32 s8, $0x2  }
0xf4: {  	v0 =	vld [tilespmem:s6+$0x145F0];
	p0 =	slt.u32 s7, $0x7C  }
0xf5: {  	v1 =	vld [tilespmem:s6+$0x14400]  }
0xf6: {  	v2 =	vld [tilespmem:s6+$0x14410]  }
0xf7: {  	v3 =	vld [tilespmem:s6+$0x14420]  }
0xf8: {  	v4 =	vld [tilespmem:s6+$0x14430]  }
0xf9: {  	[tilespmem:s6+$0x45F0] =	vst.add.f32.msk $0xffff, v0  }
0xfa: {  	v5 =	vld [tilespmem:s6+$0x14440]  }
0xfb: {  	v6 =	vld [tilespmem:s6+$0x14450]  }
0xfc: {  	v7 =	vld [tilespmem:s6+$0x14460]  }
0xfd: {  	v8 =	vld [tilespmem:s6+$0x14470]  }
0xfe: {  	v9 =	vld [tilespmem:s6+$0x14480]  }
0xff: {  	v10 =	vld [tilespmem:s6+$0x14490]  }
0x100: {  	v11 =	vld [tilespmem:s6+$0x144A0]  }
0x101: {  	v12 =	vld [tilespmem:s6+$0x144B0]  }
0x102: {  	v13 =	vld [tilespmem:s6+$0x144C0]  }
0x103: {  	v14 =	vld [tilespmem:s6+$0x144D0]  }
0x104: {  	v15 =	vld [tilespmem:s6+$0x144E0]  }
0x105: {  	v16 =	vld [tilespmem:s6+$0x144F0]  }
0x106: {  	v17 =	vld [tilespmem:s6+$0x14500]  }
0x107: {  	v18 =	vld [tilespmem:s6+$0x14510]  }
0x108: {  	v19 =	vld [tilespmem:s6+$0x14520]  }
0x109: {  	v20 =	vld [tilespmem:s6+$0x14530]  }
0x10a: {  	v21 =	vld [tilespmem:s6+$0x14540]  }
0x10b: {  	v22 =	vld [tilespmem:s6+$0x14550]  }
0x10c: {  	v23 =	vld [tilespmem:s6+$0x14560]  }
0x10d: {  	v24 =	vld [tilespmem:s6+$0x14570]  }
0x10e: {  	v25 =	vld [tilespmem:s6+$0x14580]  }
0x10f: {  	v26 =	vld [tilespmem:s6+$0x14590]  }
0x110: {  	v27 =	vld [tilespmem:s6+$0x145A0]  }
0x111: {  	v28 =	vld [tilespmem:s6+$0x145B0]  }
0x112: {  	v29 =	vld [tilespmem:s6+$0x145C0]  }
0x113: {  	v30 =	vld [tilespmem:s6+$0x145D0]  }
0x114: {  	v0 =	vld [tilespmem:s6+$0x145E0]  }
0x115: {  	[tilespmem:s6+$0x4400] =	vst.add.f32.msk $0xffff, v1  }
0x116: {  	[tilespmem:s6+$0x4410] =	vst.add.f32.msk $0xffff, v2  }
0x117: {  	[tilespmem:s6+$0x4420] =	vst.add.f32.msk $0xffff, v3  }
0x118: {  	[tilespmem:s6+$0x4430] =	vst.add.f32.msk $0xffff, v4  }
0x119: {  	[tilespmem:s6+$0x4440] =	vst.add.f32.msk $0xffff, v5  }
0x11a: {  	[tilespmem:s6+$0x4450] =	vst.add.f32.msk $0xffff, v6  }
0x11b: {  	[tilespmem:s6+$0x4460] =	vst.add.f32.msk $0xffff, v7  }
0x11c: {  	[tilespmem:s6+$0x4470] =	vst.add.f32.msk $0xffff, v8  }
0x11d: {  	[tilespmem:s6+$0x4480] =	vst.add.f32.msk $0xffff, v9  }
0x11e: {  	[tilespmem:s6+$0x4490] =	vst.add.f32.msk $0xffff, v10  }
0x11f: {  	[tilespmem:s6+$0x44A0] =	vst.add.f32.msk $0xffff, v11  }
0x120: {  	[tilespmem:s6+$0x44B0] =	vst.add.f32.msk $0xffff, v12  }
0x121: {  	[tilespmem:s6+$0x44C0] =	vst.add.f32.msk $0xffff, v13  }
0x122: {  	[tilespmem:s6+$0x44D0] =	vst.add.f32.msk $0xffff, v14  }
0x123: {  	[tilespmem:s6+$0x44E0] =	vst.add.f32.msk $0xffff, v15  }
0x124: {  	[tilespmem:s6+$0x44F0] =	vst.add.f32.msk $0xffff, v16  }
0x125: {  	[tilespmem:s6+$0x4500] =	vst.add.f32.msk $0xffff, v17  }
0x126: {  	[tilespmem:s6+$0x4510] =	vst.add.f32.msk $0xffff, v18  }
0x127: {  	[tilespmem:s6+$0x4520] =	vst.add.f32.msk $0xffff, v19  }
0x128: {  	[tilespmem:s6+$0x4530] =	vst.add.f32.msk $0xffff, v20  }
0x129: {  	[tilespmem:s6+$0x4540] =	vst.add.f32.msk $0xffff, v21  }
0x12a: {  	[tilespmem:s6+$0x4550] =	vst.add.f32.msk $0xffff, v22  }
0x12b: {  	[tilespmem:s6+$0x4560] =	vst.add.f32.msk $0xffff, v23  }
0x12c: {  	[tilespmem:s6+$0x4570] =	vst.add.f32.msk $0xffff, v24  }
0x12d: {  	[tilespmem:s6+$0x4580] =	vst.add.f32.msk $0xffff, v25  }
.Ltmp1:
0x12e: {  	[tilespmem:s6+$0x4590] =	vst.add.f32.msk $0xffff, v26;
	(pc) =	sbr.rel @p0 .LBB2_4-.Ltmp1, $4  }
0x12f: {  	[tilespmem:s6+$0x45A0] =	vst.add.f32.msk $0xffff, v27  }
0x130: {  	[tilespmem:s6+$0x45B0] =	vst.add.f32.msk $0xffff, v28  }
0x131: {  	[tilespmem:s6+$0x45C0] =	vst.add.f32.msk $0xffff, v29  }
0x132: {  	s8 =	sadd.s32 $0x800, s8;
	[tilespmem:s6+$0x45D0] =	vst.add.f32.msk $0xffff, v30  }
0x133: {  	[tilespmem:s6+$0x45E0] =	vst.add.f32.msk $0xffff, v0;
	s7 =	simm.s32 $0x0  }
0x134: {  	[hbm4b:s10+s7] =	stream.linear.scatter [tilespmem:s25], [sflag:$0x7], $0x4000, $0x38;
	[tilespmem:$0x18400] =	vst v63  }
0x135: {  	_ =	swait.ge [sflag:s1], $0x100  }
0x136: {  	[sflag:s1] =	ssyncset.done $0x0  }
0x137: {  	[sflag:s1] =	ssyncadd.s32 $0xFFFFFF00  }
0x138: {  	_ =	swait.ge [sflag:s22], $0x4000  }
0x139: {  	[sflag:s22] =	ssyncset.done $0x0  }
0x13a: {  	[sflag:s22] =	ssyncadd.s32 $0xFFFFC000  }
0x13b: {  	_ =	swait.ge [sflag:s22], $0x4000  }
0x13c: {  	[sflag:s22] =	ssyncset.done $0x0  }
0x13d: {  	[sflag:s22] =	ssyncadd.s32 $0xFFFFC000  }
0x13e: {  	[tilespmem:s24], [sflag:$0x5] =	stream.indirect.gather [hbm4b:s2+s18], $0x80, s19, s18, $0xb8;
	[tilespmem:$0x18400] =	vst v63  }
0x13f: {  	s8 =	simm.s32 $0x280  }
0x140: {  	[tilespmem:s25], [sflag:$0x5] =	stream.indirect.gather [hbm4b:s2+s18], $0x80, s8, s18, $0xb8;
	[tilespmem:$0x18400] =	vst v63  }
0x141: {  	_ =	swait.ge [sflag:s29], $0x4000  }
0x142: {  	[sflag:s29] =	ssyncset.done $0x0  }
0x143: {  	s6 =	simm.s32 $0x0;
	[sflag:s29] =	ssyncadd.s32 $0xFFFFC000  }
0x144: {  	v0 =	vld [tilespmem:s6+$0x105F0]  }
0x145: {  	v1 =	vld [tilespmem:s6+$0x10400]  }
0x146: {  	v2 =	vld [tilespmem:s6+$0x10410]  }
0x147: {  	v3 =	vld [tilespmem:s6+$0x10420]  }
0x148: {  	v4 =	vld [tilespmem:s6+$0x10430]  }
0x149: {  	v5 =	vld [tilespmem:s6+$0x10440]  }
0x14a: {  	v6 =	vld [tilespmem:s6+$0x10450]  }
0x14b: {  	v7 =	vld [tilespmem:s6+$0x10460]  }
0x14c: {  	v8 =	vld [tilespmem:s6+$0x10470]  }
0x14d: {  	v9 =	vld [tilespmem:s6+$0x10480]  }
0x14e: {  	v10 =	vld [tilespmem:s6+$0x10490]  }
0x14f: {  	v11 =	vld [tilespmem:s6+$0x104A0]  }
0x150: {  	v12 =	vld [tilespmem:s6+$0x104B0]  }
0x151: {  	v13 =	vld [tilespmem:s6+$0x104C0]  }
0x152: {  	v14 =	vld [tilespmem:s6+$0x104D0]  }
0x153: {  	v15 =	vld [tilespmem:s6+$0x104E0]  }
0x154: {  	v16 =	vld [tilespmem:s6+$0x104F0]  }
0x155: {  	v17 =	vld [tilespmem:s6+$0x10500]  }
0x156: {  	v18 =	vld [tilespmem:s6+$0x10510]  }
0x157: {  	v19 =	vld [tilespmem:s6+$0x10520]  }
0x158: {  	v20 =	vld [tilespmem:s6+$0x10530]  }
0x159: {  	v21 =	vld [tilespmem:s6+$0x10540]  }
0x15a: {  	v22 =	vld [tilespmem:s6+$0x10550]  }
0x15b: {  	v23 =	vld [tilespmem:s6+$0x10560]  }
0x15c: {  	v24 =	vld [tilespmem:s6+$0x10570]  }
0x15d: {  	v25 =	vld [tilespmem:s6+$0x10580]  }
0x15e: {  	v26 =	vld [tilespmem:s6+$0x10590]  }
0x15f: {  	v27 =	vld [tilespmem:s6+$0x105A0]  }
0x160: {  	v28 =	vld [tilespmem:s6+$0x105B0]  }
0x161: {  	v29 =	vld [tilespmem:s6+$0x105C0]  }
0x162: {  	v30 =	vld [tilespmem:s6+$0x105D0]  }
0x163: {  	[tilespmem:s6+$0x85F0] =	vst.add.f32.msk $0xffff, v0  }
0x164: {  	v0 =	vld [tilespmem:s6+$0x105E0]  }
0x165: {  	[tilespmem:s6+$0x8400] =	vst.add.f32.msk $0xffff, v1  }
0x166: {  	[tilespmem:s6+$0x8410] =	vst.add.f32.msk $0xffff, v2  }
0x167: {  	[tilespmem:s6+$0x8420] =	vst.add.f32.msk $0xffff, v3  }
0x168: {  	[tilespmem:s6+$0x8430] =	vst.add.f32.msk $0xffff, v4  }
0x169: {  	[tilespmem:s6+$0x8440] =	vst.add.f32.msk $0xffff, v5  }
0x16a: {  	[tilespmem:s6+$0x8450] =	vst.add.f32.msk $0xffff, v6  }
0x16b: {  	[tilespmem:s6+$0x8460] =	vst.add.f32.msk $0xffff, v7  }
0x16c: {  	[tilespmem:s6+$0x8470] =	vst.add.f32.msk $0xffff, v8  }
0x16d: {  	[tilespmem:s6+$0x8480] =	vst.add.f32.msk $0xffff, v9  }
0x16e: {  	[tilespmem:s6+$0x8490] =	vst.add.f32.msk $0xffff, v10  }
0x16f: {  	[tilespmem:s6+$0x84A0] =	vst.add.f32.msk $0xffff, v11  }
0x170: {  	[tilespmem:s6+$0x84B0] =	vst.add.f32.msk $0xffff, v12  }
0x171: {  	[tilespmem:s6+$0x84C0] =	vst.add.f32.msk $0xffff, v13  }
0x172: {  	[tilespmem:s6+$0x84D0] =	vst.add.f32.msk $0xffff, v14  }
0x173: {  	[tilespmem:s6+$0x84E0] =	vst.add.f32.msk $0xffff, v15  }
0x174: {  	[tilespmem:s6+$0x84F0] =	vst.add.f32.msk $0xffff, v16  }
0x175: {  	[tilespmem:s6+$0x8500] =	vst.add.f32.msk $0xffff, v17  }
0x176: {  	[tilespmem:s6+$0x8510] =	vst.add.f32.msk $0xffff, v18  }
0x177: {  	[tilespmem:s6+$0x8520] =	vst.add.f32.msk $0xffff, v19  }
0x178: {  	[tilespmem:s6+$0x8530] =	vst.add.f32.msk $0xffff, v20  }
0x179: {  	[tilespmem:s6+$0x8540] =	vst.add.f32.msk $0xffff, v21  }
0x17a: {  	[tilespmem:s6+$0x8550] =	vst.add.f32.msk $0xffff, v22  }
0x17b: {  	[tilespmem:s6+$0x8560] =	vst.add.f32.msk $0xffff, v23  }
0x17c: {  	[tilespmem:s6+$0x8570] =	vst.add.f32.msk $0xffff, v24  }
0x17d: {  	[tilespmem:s6+$0x8580] =	vst.add.f32.msk $0xffff, v25  }
0x17e: {  	[tilespmem:s6+$0x8590] =	vst.add.f32.msk $0xffff, v26  }
0x17f: {  	[tilespmem:s6+$0x85A0] =	vst.add.f32.msk $0xffff, v27  }
0x180: {  	[tilespmem:s6+$0x85B0] =	vst.add.f32.msk $0xffff, v28  }
0x181: {  	[tilespmem:s6+$0x85C0] =	vst.add.f32.msk $0xffff, v29  }
0x182: {  	s7 =	simm.s32 $0x0;
	s8 =	simm.s32 $0x800;
	[tilespmem:s6+$0x85D0] =	vst.add.f32.msk $0xffff, v30  }
.LBB2_6:
0x183: {  	s7 =	sadd.s32 $0x4, s7;
	[tilespmem:s6+$0x85E0] =	vst.add.f32.msk $0xffff, v0;
	s6 =	sshra.s32 s8, $0x2  }
0x184: {  	v0 =	vld [tilespmem:s6+$0x105F0];
	p0 =	slt.u32 s7, $0x7C  }
0x185: {  	v1 =	vld [tilespmem:s6+$0x10400]  }
0x186: {  	v2 =	vld [tilespmem:s6+$0x10410]  }
0x187: {  	v3 =	vld [tilespmem:s6+$0x10420]  }
0x188: {  	v4 =	vld [tilespmem:s6+$0x10430]  }
0x189: {  	[tilespmem:s6+$0x85F0] =	vst.add.f32.msk $0xffff, v0  }
0x18a: {  	v5 =	vld [tilespmem:s6+$0x10440]  }
0x18b: {  	v6 =	vld [tilespmem:s6+$0x10450]  }
0x18c: {  	v7 =	vld [tilespmem:s6+$0x10460]  }
0x18d: {  	v8 =	vld [tilespmem:s6+$0x10470]  }
0x18e: {  	v9 =	vld [tilespmem:s6+$0x10480]  }
0x18f: {  	v10 =	vld [tilespmem:s6+$0x10490]  }
0x190: {  	v11 =	vld [tilespmem:s6+$0x104A0]  }
0x191: {  	v12 =	vld [tilespmem:s6+$0x104B0]  }
0x192: {  	v13 =	vld [tilespmem:s6+$0x104C0]  }
0x193: {  	v14 =	vld [tilespmem:s6+$0x104D0]  }
0x194: {  	v15 =	vld [tilespmem:s6+$0x104E0]  }
0x195: {  	v16 =	vld [tilespmem:s6+$0x104F0]  }
0x196: {  	v17 =	vld [tilespmem:s6+$0x10500]  }
0x197: {  	v18 =	vld [tilespmem:s6+$0x10510]  }
0x198: {  	v19 =	vld [tilespmem:s6+$0x10520]  }
0x199: {  	v20 =	vld [tilespmem:s6+$0x10530]  }
0x19a: {  	v21 =	vld [tilespmem:s6+$0x10540]  }
0x19b: {  	v22 =	vld [tilespmem:s6+$0x10550]  }
0x19c: {  	v23 =	vld [tilespmem:s6+$0x10560]  }
0x19d: {  	v24 =	vld [tilespmem:s6+$0x10570]  }
0x19e: {  	v25 =	vld [tilespmem:s6+$0x10580]  }
0x19f: {  	v26 =	vld [tilespmem:s6+$0x10590]  }
0x1a0: {  	v27 =	vld [tilespmem:s6+$0x105A0]  }
0x1a1: {  	v28 =	vld [tilespmem:s6+$0x105B0]  }
0x1a2: {  	v29 =	vld [tilespmem:s6+$0x105C0]  }
0x1a3: {  	v30 =	vld [tilespmem:s6+$0x105D0]  }
0x1a4: {  	v0 =	vld [tilespmem:s6+$0x105E0]  }
0x1a5: {  	[tilespmem:s6+$0x8400] =	vst.add.f32.msk $0xffff, v1  }
0x1a6: {  	[tilespmem:s6+$0x8410] =	vst.add.f32.msk $0xffff, v2  }
0x1a7: {  	[tilespmem:s6+$0x8420] =	vst.add.f32.msk $0xffff, v3  }
0x1a8: {  	[tilespmem:s6+$0x8430] =	vst.add.f32.msk $0xffff, v4  }
0x1a9: {  	[tilespmem:s6+$0x8440] =	vst.add.f32.msk $0xffff, v5  }
0x1aa: {  	[tilespmem:s6+$0x8450] =	vst.add.f32.msk $0xffff, v6  }
0x1ab: {  	[tilespmem:s6+$0x8460] =	vst.add.f32.msk $0xffff, v7  }
0x1ac: {  	[tilespmem:s6+$0x8470] =	vst.add.f32.msk $0xffff, v8  }
0x1ad: {  	[tilespmem:s6+$0x8480] =	vst.add.f32.msk $0xffff, v9  }
0x1ae: {  	[tilespmem:s6+$0x8490] =	vst.add.f32.msk $0xffff, v10  }
0x1af: {  	[tilespmem:s6+$0x84A0] =	vst.add.f32.msk $0xffff, v11  }
0x1b0: {  	[tilespmem:s6+$0x84B0] =	vst.add.f32.msk $0xffff, v12  }
0x1b1: {  	[tilespmem:s6+$0x84C0] =	vst.add.f32.msk $0xffff, v13  }
0x1b2: {  	[tilespmem:s6+$0x84D0] =	vst.add.f32.msk $0xffff, v14  }
0x1b3: {  	[tilespmem:s6+$0x84E0] =	vst.add.f32.msk $0xffff, v15  }
0x1b4: {  	[tilespmem:s6+$0x84F0] =	vst.add.f32.msk $0xffff, v16  }
0x1b5: {  	[tilespmem:s6+$0x8500] =	vst.add.f32.msk $0xffff, v17  }
0x1b6: {  	[tilespmem:s6+$0x8510] =	vst.add.f32.msk $0xffff, v18  }
0x1b7: {  	[tilespmem:s6+$0x8520] =	vst.add.f32.msk $0xffff, v19  }
0x1b8: {  	[tilespmem:s6+$0x8530] =	vst.add.f32.msk $0xffff, v20  }
0x1b9: {  	[tilespmem:s6+$0x8540] =	vst.add.f32.msk $0xffff, v21  }
0x1ba: {  	[tilespmem:s6+$0x8550] =	vst.add.f32.msk $0xffff, v22  }
0x1bb: {  	[tilespmem:s6+$0x8560] =	vst.add.f32.msk $0xffff, v23  }
0x1bc: {  	[tilespmem:s6+$0x8570] =	vst.add.f32.msk $0xffff, v24  }
0x1bd: {  	[tilespmem:s6+$0x8580] =	vst.add.f32.msk $0xffff, v25  }
.Ltmp2:
0x1be: {  	[tilespmem:s6+$0x8590] =	vst.add.f32.msk $0xffff, v26;
	(pc) =	sbr.rel @p0 .LBB2_6-.Ltmp2, $4  }
0x1bf: {  	[tilespmem:s6+$0x85A0] =	vst.add.f32.msk $0xffff, v27  }
0x1c0: {  	[tilespmem:s6+$0x85B0] =	vst.add.f32.msk $0xffff, v28  }
0x1c1: {  	[tilespmem:s6+$0x85C0] =	vst.add.f32.msk $0xffff, v29  }
0x1c2: {  	s8 =	sadd.s32 $0x800, s8;
	[tilespmem:s6+$0x85D0] =	vst.add.f32.msk $0xffff, v30  }
0x1c3: {  	[tilespmem:s6+$0x85E0] =	vst.add.f32.msk $0xffff, v0;
	s8 =	simm.s32 $0x0  }
0x1c4: {  	[hbm4b:s11+s8] =	stream.linear.scatter [tilespmem:s28], [sflag:$0x8], $0x4000, $0x38;
	[tilespmem:$0x18400] =	vst v63  }
0x1c5: {  	_ =	swait.ge [sflag:s29], $0x4000  }
0x1c6: {  	[sflag:s29] =	ssyncset.done $0x0  }
0x1c7: {  	s6 =	simm.s32 $0x0;
	[sflag:s29] =	ssyncadd.s32 $0xFFFFC000  }
0x1c8: {  	v0 =	vld [tilespmem:s6+$0x145F0]  }
0x1c9: {  	v1 =	vld [tilespmem:s6+$0x14400]  }
0x1ca: {  	v2 =	vld [tilespmem:s6+$0x14410]  }
0x1cb: {  	v3 =	vld [tilespmem:s6+$0x14420]  }
0x1cc: {  	v4 =	vld [tilespmem:s6+$0x14430]  }
0x1cd: {  	v5 =	vld [tilespmem:s6+$0x14440]  }
0x1ce: {  	v6 =	vld [tilespmem:s6+$0x14450]  }
0x1cf: {  	v7 =	vld [tilespmem:s6+$0x14460]  }
0x1d0: {  	v8 =	vld [tilespmem:s6+$0x14470]  }
0x1d1: {  	v9 =	vld [tilespmem:s6+$0x14480]  }
0x1d2: {  	v10 =	vld [tilespmem:s6+$0x14490]  }
0x1d3: {  	v11 =	vld [tilespmem:s6+$0x144A0]  }
0x1d4: {  	v12 =	vld [tilespmem:s6+$0x144B0]  }
0x1d5: {  	v13 =	vld [tilespmem:s6+$0x144C0]  }
0x1d6: {  	v14 =	vld [tilespmem:s6+$0x144D0]  }
0x1d7: {  	v15 =	vld [tilespmem:s6+$0x144E0]  }
0x1d8: {  	v16 =	vld [tilespmem:s6+$0x144F0]  }
0x1d9: {  	v17 =	vld [tilespmem:s6+$0x14500]  }
0x1da: {  	v18 =	vld [tilespmem:s6+$0x14510]  }
0x1db: {  	v19 =	vld [tilespmem:s6+$0x14520]  }
0x1dc: {  	v20 =	vld [tilespmem:s6+$0x14530]  }
0x1dd: {  	v21 =	vld [tilespmem:s6+$0x14540]  }
0x1de: {  	v22 =	vld [tilespmem:s6+$0x14550]  }
0x1df: {  	v23 =	vld [tilespmem:s6+$0x14560]  }
0x1e0: {  	v24 =	vld [tilespmem:s6+$0x14570]  }
0x1e1: {  	v25 =	vld [tilespmem:s6+$0x14580]  }
0x1e2: {  	v26 =	vld [tilespmem:s6+$0x14590]  }
0x1e3: {  	v27 =	vld [tilespmem:s6+$0x145A0]  }
0x1e4: {  	v28 =	vld [tilespmem:s6+$0x145B0]  }
0x1e5: {  	v29 =	vld [tilespmem:s6+$0x145C0]  }
0x1e6: {  	v30 =	vld [tilespmem:s6+$0x145D0]  }
0x1e7: {  	[tilespmem:s6+$0xC5F0] =	vst.add.f32.msk $0xffff, v0  }
0x1e8: {  	v0 =	vld [tilespmem:s6+$0x145E0]  }
0x1e9: {  	[tilespmem:s6+$0xC400] =	vst.add.f32.msk $0xffff, v1  }
0x1ea: {  	[tilespmem:s6+$0xC410] =	vst.add.f32.msk $0xffff, v2  }
0x1eb: {  	[tilespmem:s6+$0xC420] =	vst.add.f32.msk $0xffff, v3  }
0x1ec: {  	[tilespmem:s6+$0xC430] =	vst.add.f32.msk $0xffff, v4  }
0x1ed: {  	[tilespmem:s6+$0xC440] =	vst.add.f32.msk $0xffff, v5  }
0x1ee: {  	[tilespmem:s6+$0xC450] =	vst.add.f32.msk $0xffff, v6  }
0x1ef: {  	[tilespmem:s6+$0xC460] =	vst.add.f32.msk $0xffff, v7  }
0x1f0: {  	[tilespmem:s6+$0xC470] =	vst.add.f32.msk $0xffff, v8  }
0x1f1: {  	[tilespmem:s6+$0xC480] =	vst.add.f32.msk $0xffff, v9  }
0x1f2: {  	[tilespmem:s6+$0xC490] =	vst.add.f32.msk $0xffff, v10  }
0x1f3: {  	[tilespmem:s6+$0xC4A0] =	vst.add.f32.msk $0xffff, v11  }
0x1f4: {  	[tilespmem:s6+$0xC4B0] =	vst.add.f32.msk $0xffff, v12  }
0x1f5: {  	[tilespmem:s6+$0xC4C0] =	vst.add.f32.msk $0xffff, v13  }
0x1f6: {  	[tilespmem:s6+$0xC4D0] =	vst.add.f32.msk $0xffff, v14  }
0x1f7: {  	[tilespmem:s6+$0xC4E0] =	vst.add.f32.msk $0xffff, v15  }
0x1f8: {  	[tilespmem:s6+$0xC4F0] =	vst.add.f32.msk $0xffff, v16  }
0x1f9: {  	[tilespmem:s6+$0xC500] =	vst.add.f32.msk $0xffff, v17  }
0x1fa: {  	[tilespmem:s6+$0xC510] =	vst.add.f32.msk $0xffff, v18  }
0x1fb: {  	[tilespmem:s6+$0xC520] =	vst.add.f32.msk $0xffff, v19  }
0x1fc: {  	[tilespmem:s6+$0xC530] =	vst.add.f32.msk $0xffff, v20  }
0x1fd: {  	[tilespmem:s6+$0xC540] =	vst.add.f32.msk $0xffff, v21  }
0x1fe: {  	[tilespmem:s6+$0xC550] =	vst.add.f32.msk $0xffff, v22  }
0x1ff: {  	[tilespmem:s6+$0xC560] =	vst.add.f32.msk $0xffff, v23  }
0x200: {  	[tilespmem:s6+$0xC570] =	vst.add.f32.msk $0xffff, v24  }
0x201: {  	[tilespmem:s6+$0xC580] =	vst.add.f32.msk $0xffff, v25  }
0x202: {  	[tilespmem:s6+$0xC590] =	vst.add.f32.msk $0xffff, v26  }
0x203: {  	[tilespmem:s6+$0xC5A0] =	vst.add.f32.msk $0xffff, v27  }
0x204: {  	[tilespmem:s6+$0xC5B0] =	vst.add.f32.msk $0xffff, v28  }
0x205: {  	[tilespmem:s6+$0xC5C0] =	vst.add.f32.msk $0xffff, v29  }
0x206: {  	s7 =	simm.s32 $0x0;
	s8 =	simm.s32 $0x800;
	[tilespmem:s6+$0xC5D0] =	vst.add.f32.msk $0xffff, v30  }
.LBB2_8:
0x207: {  	s7 =	sadd.s32 $0x4, s7;
	[tilespmem:s6+$0xC5E0] =	vst.add.f32.msk $0xffff, v0;
	s6 =	sshra.s32 s8, $0x2  }
0x208: {  	v0 =	vld [tilespmem:s6+$0x145F0];
	p0 =	slt.u32 s7, $0x7C  }
0x209: {  	v1 =	vld [tilespmem:s6+$0x14400]  }
0x20a: {  	v2 =	vld [tilespmem:s6+$0x14410]  }
0x20b: {  	v3 =	vld [tilespmem:s6+$0x14420]  }
0x20c: {  	v4 =	vld [tilespmem:s6+$0x14430]  }
0x20d: {  	[tilespmem:s6+$0xC5F0] =	vst.add.f32.msk $0xffff, v0  }
0x20e: {  	v5 =	vld [tilespmem:s6+$0x14440]  }
0x20f: {  	v6 =	vld [tilespmem:s6+$0x14450]  }
0x210: {  	v7 =	vld [tilespmem:s6+$0x14460]  }
0x211: {  	v8 =	vld [tilespmem:s6+$0x14470]  }
0x212: {  	v9 =	vld [tilespmem:s6+$0x14480]  }
0x213: {  	v10 =	vld [tilespmem:s6+$0x14490]  }
0x214: {  	v11 =	vld [tilespmem:s6+$0x144A0]  }
0x215: {  	v12 =	vld [tilespmem:s6+$0x144B0]  }
0x216: {  	v13 =	vld [tilespmem:s6+$0x144C0]  }
0x217: {  	v14 =	vld [tilespmem:s6+$0x144D0]  }
0x218: {  	v15 =	vld [tilespmem:s6+$0x144E0]  }
0x219: {  	v16 =	vld [tilespmem:s6+$0x144F0]  }
0x21a: {  	v17 =	vld [tilespmem:s6+$0x14500]  }
0x21b: {  	v18 =	vld [tilespmem:s6+$0x14510]  }
0x21c: {  	v19 =	vld [tilespmem:s6+$0x14520]  }
0x21d: {  	v20 =	vld [tilespmem:s6+$0x14530]  }
0x21e: {  	v21 =	vld [tilespmem:s6+$0x14540]  }
0x21f: {  	v22 =	vld [tilespmem:s6+$0x14550]  }
0x220: {  	v23 =	vld [tilespmem:s6+$0x14560]  }
0x221: {  	v24 =	vld [tilespmem:s6+$0x14570]  }
0x222: {  	v25 =	vld [tilespmem:s6+$0x14580]  }
0x223: {  	v26 =	vld [tilespmem:s6+$0x14590]  }
0x224: {  	v27 =	vld [tilespmem:s6+$0x145A0]  }
0x225: {  	v28 =	vld [tilespmem:s6+$0x145B0]  }
0x226: {  	v29 =	vld [tilespmem:s6+$0x145C0]  }
0x227: {  	v30 =	vld [tilespmem:s6+$0x145D0]  }
0x228: {  	v0 =	vld [tilespmem:s6+$0x145E0]  }
0x229: {  	[tilespmem:s6+$0xC400] =	vst.add.f32.msk $0xffff, v1  }
0x22a: {  	[tilespmem:s6+$0xC410] =	vst.add.f32.msk $0xffff, v2  }
0x22b: {  	[tilespmem:s6+$0xC420] =	vst.add.f32.msk $0xffff, v3  }
0x22c: {  	[tilespmem:s6+$0xC430] =	vst.add.f32.msk $0xffff, v4  }
0x22d: {  	[tilespmem:s6+$0xC440] =	vst.add.f32.msk $0xffff, v5  }
0x22e: {  	[tilespmem:s6+$0xC450] =	vst.add.f32.msk $0xffff, v6  }
0x22f: {  	[tilespmem:s6+$0xC460] =	vst.add.f32.msk $0xffff, v7  }
0x230: {  	[tilespmem:s6+$0xC470] =	vst.add.f32.msk $0xffff, v8  }
0x231: {  	[tilespmem:s6+$0xC480] =	vst.add.f32.msk $0xffff, v9  }
0x232: {  	[tilespmem:s6+$0xC490] =	vst.add.f32.msk $0xffff, v10  }
0x233: {  	[tilespmem:s6+$0xC4A0] =	vst.add.f32.msk $0xffff, v11  }
0x234: {  	[tilespmem:s6+$0xC4B0] =	vst.add.f32.msk $0xffff, v12  }
0x235: {  	[tilespmem:s6+$0xC4C0] =	vst.add.f32.msk $0xffff, v13  }
0x236: {  	[tilespmem:s6+$0xC4D0] =	vst.add.f32.msk $0xffff, v14  }
0x237: {  	[tilespmem:s6+$0xC4E0] =	vst.add.f32.msk $0xffff, v15  }
0x238: {  	[tilespmem:s6+$0xC4F0] =	vst.add.f32.msk $0xffff, v16  }
0x239: {  	[tilespmem:s6+$0xC500] =	vst.add.f32.msk $0xffff, v17  }
0x23a: {  	[tilespmem:s6+$0xC510] =	vst.add.f32.msk $0xffff, v18  }
0x23b: {  	[tilespmem:s6+$0xC520] =	vst.add.f32.msk $0xffff, v19  }
0x23c: {  	[tilespmem:s6+$0xC530] =	vst.add.f32.msk $0xffff, v20  }
0x23d: {  	[tilespmem:s6+$0xC540] =	vst.add.f32.msk $0xffff, v21  }
0x23e: {  	[tilespmem:s6+$0xC550] =	vst.add.f32.msk $0xffff, v22  }
0x23f: {  	[tilespmem:s6+$0xC560] =	vst.add.f32.msk $0xffff, v23  }
0x240: {  	[tilespmem:s6+$0xC570] =	vst.add.f32.msk $0xffff, v24  }
0x241: {  	[tilespmem:s6+$0xC580] =	vst.add.f32.msk $0xffff, v25  }
.Ltmp3:
0x242: {  	[tilespmem:s6+$0xC590] =	vst.add.f32.msk $0xffff, v26;
	(pc) =	sbr.rel @p0 .LBB2_8-.Ltmp3, $4  }
0x243: {  	[tilespmem:s6+$0xC5A0] =	vst.add.f32.msk $0xffff, v27  }
0x244: {  	[tilespmem:s6+$0xC5B0] =	vst.add.f32.msk $0xffff, v28  }
0x245: {  	[tilespmem:s6+$0xC5C0] =	vst.add.f32.msk $0xffff, v29  }
0x246: {  	s8 =	sadd.s32 $0x800, s8;
	[tilespmem:s6+$0xC5D0] =	vst.add.f32.msk $0xffff, v30  }
0x247: {  	[tilespmem:s6+$0xC5E0] =	vst.add.f32.msk $0xffff, v0;
	s8 =	simm.s32 $0x0  }
0x248: {  	[hbm4b:s12+s8] =	stream.linear.scatter [tilespmem:s30], [sflag:$0x8], $0x4000, $0x38;
	[tilespmem:$0x18400] =	vst v63  }
0x249: {  	_ =	swait.ge [sflag:s20], $0x100  }
0x24a: {  	[sflag:s20] =	ssyncset.done $0x0  }
0x24b: {  	[sflag:s20] =	ssyncadd.s32 $0xFFFFFF00  }
0x24c: {  	_ =	swait.ge [sflag:s21], $0x4000  }
0x24d: {  	[sflag:s21] =	ssyncset.done $0x0  }
0x24e: {  	[sflag:s21] =	ssyncadd.s32 $0xFFFFC000  }
0x24f: {  	_ =	swait.ge [sflag:s21], $0x4000  }
0x250: {  	[sflag:s21] =	ssyncset.done $0x0  }
0x251: {  	s7 =	simm.s32 $0x300;
	[sflag:s21] =	ssyncadd.s32 $0xFFFFC000  }
0x252: {  	[tilespmem:s28], [sflag:$0x6] =	stream.indirect.gather [hbm4b:s2+s18], $0x80, s7, s18, $0xb8;
	[tilespmem:$0x18400] =	vst v63  }
0x253: {  	s8 =	simm.s32 $0x380  }
0x254: {  	[tilespmem:s30], [sflag:$0x6] =	stream.indirect.gather [hbm4b:s2+s18], $0x80, s8, s18, $0xb8;
	[tilespmem:$0x18400] =	vst v63  }
0x255: {  	_ =	swait.ge [sflag:s0], $0x4000  }
0x256: {  	[sflag:s0] =	ssyncset.done $0x0  }
0x257: {  	s6 =	simm.s32 $0x0;
	[sflag:s0] =	ssyncadd.s32 $0xFFFFC000  }
0x258: {  	v0 =	vld [tilespmem:s6+$0x105F0]  }
0x259: {  	v1 =	vld [tilespmem:s6+$0x10400]  }
0x25a: {  	v2 =	vld [tilespmem:s6+$0x10410]  }
0x25b: {  	v3 =	vld [tilespmem:s6+$0x10420]  }
0x25c: {  	v4 =	vld [tilespmem:s6+$0x10430]  }
0x25d: {  	v5 =	vld [tilespmem:s6+$0x10440]  }
0x25e: {  	v6 =	vld [tilespmem:s6+$0x10450]  }
0x25f: {  	v7 =	vld [tilespmem:s6+$0x10460]  }
0x260: {  	v8 =	vld [tilespmem:s6+$0x10470]  }
0x261: {  	v9 =	vld [tilespmem:s6+$0x10480]  }
0x262: {  	v10 =	vld [tilespmem:s6+$0x10490]  }
0x263: {  	v11 =	vld [tilespmem:s6+$0x104A0]  }
0x264: {  	v12 =	vld [tilespmem:s6+$0x104B0]  }
0x265: {  	v13 =	vld [tilespmem:s6+$0x104C0]  }
0x266: {  	v14 =	vld [tilespmem:s6+$0x104D0]  }
0x267: {  	v15 =	vld [tilespmem:s6+$0x104E0]  }
0x268: {  	v16 =	vld [tilespmem:s6+$0x104F0]  }
0x269: {  	v17 =	vld [tilespmem:s6+$0x10500]  }
0x26a: {  	v18 =	vld [tilespmem:s6+$0x10510]  }
0x26b: {  	v19 =	vld [tilespmem:s6+$0x10520]  }
0x26c: {  	v20 =	vld [tilespmem:s6+$0x10530]  }
0x26d: {  	v21 =	vld [tilespmem:s6+$0x10540]  }
0x26e: {  	v22 =	vld [tilespmem:s6+$0x10550]  }
0x26f: {  	v23 =	vld [tilespmem:s6+$0x10560]  }
0x270: {  	v24 =	vld [tilespmem:s6+$0x10570]  }
0x271: {  	v25 =	vld [tilespmem:s6+$0x10580]  }
0x272: {  	v26 =	vld [tilespmem:s6+$0x10590]  }
0x273: {  	v27 =	vld [tilespmem:s6+$0x105A0]  }
0x274: {  	v28 =	vld [tilespmem:s6+$0x105B0]  }
0x275: {  	v29 =	vld [tilespmem:s6+$0x105C0]  }
0x276: {  	v30 =	vld [tilespmem:s6+$0x105D0]  }
0x277: {  	[tilespmem:s6+$0x5F0] =	vst.add.f32.msk $0xffff, v0  }
0x278: {  	v0 =	vld [tilespmem:s6+$0x105E0]  }
0x279: {  	[tilespmem:s6+$0x400] =	vst.add.f32.msk $0xffff, v1  }
0x27a: {  	[tilespmem:s6+$0x410] =	vst.add.f32.msk $0xffff, v2  }
0x27b: {  	[tilespmem:s6+$0x420] =	vst.add.f32.msk $0xffff, v3  }
0x27c: {  	[tilespmem:s6+$0x430] =	vst.add.f32.msk $0xffff, v4  }
0x27d: {  	[tilespmem:s6+$0x440] =	vst.add.f32.msk $0xffff, v5  }
0x27e: {  	[tilespmem:s6+$0x450] =	vst.add.f32.msk $0xffff, v6  }
0x27f: {  	[tilespmem:s6+$0x460] =	vst.add.f32.msk $0xffff, v7  }
0x280: {  	[tilespmem:s6+$0x470] =	vst.add.f32.msk $0xffff, v8  }
0x281: {  	[tilespmem:s6+$0x480] =	vst.add.f32.msk $0xffff, v9  }
0x282: {  	[tilespmem:s6+$0x490] =	vst.add.f32.msk $0xffff, v10  }
0x283: {  	[tilespmem:s6+$0x4A0] =	vst.add.f32.msk $0xffff, v11  }
0x284: {  	[tilespmem:s6+$0x4B0] =	vst.add.f32.msk $0xffff, v12  }
0x285: {  	[tilespmem:s6+$0x4C0] =	vst.add.f32.msk $0xffff, v13  }
0x286: {  	[tilespmem:s6+$0x4D0] =	vst.add.f32.msk $0xffff, v14  }
0x287: {  	[tilespmem:s6+$0x4E0] =	vst.add.f32.msk $0xffff, v15  }
0x288: {  	[tilespmem:s6+$0x4F0] =	vst.add.f32.msk $0xffff, v16  }
0x289: {  	[tilespmem:s6+$0x500] =	vst.add.f32.msk $0xffff, v17  }
0x28a: {  	[tilespmem:s6+$0x510] =	vst.add.f32.msk $0xffff, v18  }
0x28b: {  	[tilespmem:s6+$0x520] =	vst.add.f32.msk $0xffff, v19  }
0x28c: {  	[tilespmem:s6+$0x530] =	vst.add.f32.msk $0xffff, v20  }
0x28d: {  	[tilespmem:s6+$0x540] =	vst.add.f32.msk $0xffff, v21  }
0x28e: {  	[tilespmem:s6+$0x550] =	vst.add.f32.msk $0xffff, v22  }
0x28f: {  	[tilespmem:s6+$0x560] =	vst.add.f32.msk $0xffff, v23  }
0x290: {  	[tilespmem:s6+$0x570] =	vst.add.f32.msk $0xffff, v24  }
0x291: {  	[tilespmem:s6+$0x580] =	vst.add.f32.msk $0xffff, v25  }
0x292: {  	[tilespmem:s6+$0x590] =	vst.add.f32.msk $0xffff, v26  }
0x293: {  	[tilespmem:s6+$0x5A0] =	vst.add.f32.msk $0xffff, v27  }
0x294: {  	[tilespmem:s6+$0x5B0] =	vst.add.f32.msk $0xffff, v28  }
0x295: {  	[tilespmem:s6+$0x5C0] =	vst.add.f32.msk $0xffff, v29  }
0x296: {  	s7 =	simm.s32 $0x0;
	s8 =	simm.s32 $0x800;
	[tilespmem:s6+$0x5D0] =	vst.add.f32.msk $0xffff, v30  }
.LBB2_10:
0x297: {  	s7 =	sadd.s32 $0x4, s7;
	[tilespmem:s6+$0x5E0] =	vst.add.f32.msk $0xffff, v0;
	s6 =	sshra.s32 s8, $0x2  }
0x298: {  	v0 =	vld [tilespmem:s6+$0x105F0];
	p0 =	slt.u32 s7, $0x7C  }
0x299: {  	v1 =	vld [tilespmem:s6+$0x10400]  }
0x29a: {  	v2 =	vld [tilespmem:s6+$0x10410]  }
0x29b: {  	v3 =	vld [tilespmem:s6+$0x10420]  }
0x29c: {  	v4 =	vld [tilespmem:s6+$0x10430]  }
0x29d: {  	[tilespmem:s6+$0x5F0] =	vst.add.f32.msk $0xffff, v0  }
0x29e: {  	v5 =	vld [tilespmem:s6+$0x10440]  }
0x29f: {  	v6 =	vld [tilespmem:s6+$0x10450]  }
0x2a0: {  	v7 =	vld [tilespmem:s6+$0x10460]  }
0x2a1: {  	v8 =	vld [tilespmem:s6+$0x10470]  }
0x2a2: {  	v9 =	vld [tilespmem:s6+$0x10480]  }
0x2a3: {  	v10 =	vld [tilespmem:s6+$0x10490]  }
0x2a4: {  	v11 =	vld [tilespmem:s6+$0x104A0]  }
0x2a5: {  	v12 =	vld [tilespmem:s6+$0x104B0]  }
0x2a6: {  	v13 =	vld [tilespmem:s6+$0x104C0]  }
0x2a7: {  	v14 =	vld [tilespmem:s6+$0x104D0]  }
0x2a8: {  	v15 =	vld [tilespmem:s6+$0x104E0]  }
0x2a9: {  	v16 =	vld [tilespmem:s6+$0x104F0]  }
0x2aa: {  	v17 =	vld [tilespmem:s6+$0x10500]  }
0x2ab: {  	v18 =	vld [tilespmem:s6+$0x10510]  }
0x2ac: {  	v19 =	vld [tilespmem:s6+$0x10520]  }
0x2ad: {  	v20 =	vld [tilespmem:s6+$0x10530]  }
0x2ae: {  	v21 =	vld [tilespmem:s6+$0x10540]  }
0x2af: {  	v22 =	vld [tilespmem:s6+$0x10550]  }
0x2b0: {  	v23 =	vld [tilespmem:s6+$0x10560]  }
0x2b1: {  	v24 =	vld [tilespmem:s6+$0x10570]  }
0x2b2: {  	v25 =	vld [tilespmem:s6+$0x10580]  }
0x2b3: {  	v26 =	vld [tilespmem:s6+$0x10590]  }
0x2b4: {  	v27 =	vld [tilespmem:s6+$0x105A0]  }
0x2b5: {  	v28 =	vld [tilespmem:s6+$0x105B0]  }
0x2b6: {  	v29 =	vld [tilespmem:s6+$0x105C0]  }
0x2b7: {  	v30 =	vld [tilespmem:s6+$0x105D0]  }
0x2b8: {  	v0 =	vld [tilespmem:s6+$0x105E0]  }
0x2b9: {  	[tilespmem:s6+$0x400] =	vst.add.f32.msk $0xffff, v1  }
0x2ba: {  	[tilespmem:s6+$0x410] =	vst.add.f32.msk $0xffff, v2  }
0x2bb: {  	[tilespmem:s6+$0x420] =	vst.add.f32.msk $0xffff, v3  }
0x2bc: {  	[tilespmem:s6+$0x430] =	vst.add.f32.msk $0xffff, v4  }
0x2bd: {  	[tilespmem:s6+$0x440] =	vst.add.f32.msk $0xffff, v5  }
0x2be: {  	[tilespmem:s6+$0x450] =	vst.add.f32.msk $0xffff, v6  }
0x2bf: {  	[tilespmem:s6+$0x460] =	vst.add.f32.msk $0xffff, v7  }
0x2c0: {  	[tilespmem:s6+$0x470] =	vst.add.f32.msk $0xffff, v8  }
0x2c1: {  	[tilespmem:s6+$0x480] =	vst.add.f32.msk $0xffff, v9  }
0x2c2: {  	[tilespmem:s6+$0x490] =	vst.add.f32.msk $0xffff, v10  }
0x2c3: {  	[tilespmem:s6+$0x4A0] =	vst.add.f32.msk $0xffff, v11  }
0x2c4: {  	[tilespmem:s6+$0x4B0] =	vst.add.f32.msk $0xffff, v12  }
0x2c5: {  	[tilespmem:s6+$0x4C0] =	vst.add.f32.msk $0xffff, v13  }
0x2c6: {  	[tilespmem:s6+$0x4D0] =	vst.add.f32.msk $0xffff, v14  }
0x2c7: {  	[tilespmem:s6+$0x4E0] =	vst.add.f32.msk $0xffff, v15  }
0x2c8: {  	[tilespmem:s6+$0x4F0] =	vst.add.f32.msk $0xffff, v16  }
0x2c9: {  	[tilespmem:s6+$0x500] =	vst.add.f32.msk $0xffff, v17  }
0x2ca: {  	[tilespmem:s6+$0x510] =	vst.add.f32.msk $0xffff, v18  }
0x2cb: {  	[tilespmem:s6+$0x520] =	vst.add.f32.msk $0xffff, v19  }
0x2cc: {  	[tilespmem:s6+$0x530] =	vst.add.f32.msk $0xffff, v20  }
0x2cd: {  	[tilespmem:s6+$0x540] =	vst.add.f32.msk $0xffff, v21  }
0x2ce: {  	[tilespmem:s6+$0x550] =	vst.add.f32.msk $0xffff, v22  }
0x2cf: {  	[tilespmem:s6+$0x560] =	vst.add.f32.msk $0xffff, v23  }
0x2d0: {  	[tilespmem:s6+$0x570] =	vst.add.f32.msk $0xffff, v24  }
0x2d1: {  	[tilespmem:s6+$0x580] =	vst.add.f32.msk $0xffff, v25  }
.Ltmp4:
0x2d2: {  	[tilespmem:s6+$0x590] =	vst.add.f32.msk $0xffff, v26;
	(pc) =	sbr.rel @p0 .LBB2_10-.Ltmp4, $4  }
0x2d3: {  	[tilespmem:s6+$0x5A0] =	vst.add.f32.msk $0xffff, v27  }
0x2d4: {  	[tilespmem:s6+$0x5B0] =	vst.add.f32.msk $0xffff, v28  }
0x2d5: {  	[tilespmem:s6+$0x5C0] =	vst.add.f32.msk $0xffff, v29  }
0x2d6: {  	s8 =	sadd.s32 $0x800, s8;
	[tilespmem:s6+$0x5D0] =	vst.add.f32.msk $0xffff, v30  }
0x2d7: {  	[tilespmem:s6+$0x5E0] =	vst.add.f32.msk $0xffff, v0;
	s8 =	simm.s32 $0x0  }
0x2d8: {  	[hbm4b:s13+s8] =	stream.linear.scatter [tilespmem:s24], [sflag:$0x7], $0x4000, $0x38;
	[tilespmem:$0x18400] =	vst v63  }
0x2d9: {  	_ =	swait.ge [sflag:s0], $0x4000  }
0x2da: {  	[sflag:s0] =	ssyncset.done $0x0  }
0x2db: {  	s6 =	simm.s32 $0x0;
	[sflag:s0] =	ssyncadd.s32 $0xFFFFC000  }
0x2dc: {  	v0 =	vld [tilespmem:s6+$0x145F0]  }
0x2dd: {  	v1 =	vld [tilespmem:s6+$0x14400]  }
0x2de: {  	v2 =	vld [tilespmem:s6+$0x14410]  }
0x2df: {  	v3 =	vld [tilespmem:s6+$0x14420]  }
0x2e0: {  	v4 =	vld [tilespmem:s6+$0x14430]  }
0x2e1: {  	v5 =	vld [tilespmem:s6+$0x14440]  }
0x2e2: {  	v6 =	vld [tilespmem:s6+$0x14450]  }
0x2e3: {  	v7 =	vld [tilespmem:s6+$0x14460]  }
0x2e4: {  	v8 =	vld [tilespmem:s6+$0x14470]  }
0x2e5: {  	v9 =	vld [tilespmem:s6+$0x14480]  }
0x2e6: {  	v10 =	vld [tilespmem:s6+$0x14490]  }
0x2e7: {  	v11 =	vld [tilespmem:s6+$0x144A0]  }
0x2e8: {  	v12 =	vld [tilespmem:s6+$0x144B0]  }
0x2e9: {  	v13 =	vld [tilespmem:s6+$0x144C0]  }
0x2ea: {  	v14 =	vld [tilespmem:s6+$0x144D0]  }
0x2eb: {  	v15 =	vld [tilespmem:s6+$0x144E0]  }
0x2ec: {  	v16 =	vld [tilespmem:s6+$0x144F0]  }
0x2ed: {  	v17 =	vld [tilespmem:s6+$0x14500]  }
0x2ee: {  	v18 =	vld [tilespmem:s6+$0x14510]  }
0x2ef: {  	v19 =	vld [tilespmem:s6+$0x14520]  }
0x2f0: {  	v20 =	vld [tilespmem:s6+$0x14530]  }
0x2f1: {  	v21 =	vld [tilespmem:s6+$0x14540]  }
0x2f2: {  	v22 =	vld [tilespmem:s6+$0x14550]  }
0x2f3: {  	v23 =	vld [tilespmem:s6+$0x14560]  }
0x2f4: {  	v24 =	vld [tilespmem:s6+$0x14570]  }
0x2f5: {  	v25 =	vld [tilespmem:s6+$0x14580]  }
0x2f6: {  	v26 =	vld [tilespmem:s6+$0x14590]  }
0x2f7: {  	v27 =	vld [tilespmem:s6+$0x145A0]  }
0x2f8: {  	v28 =	vld [tilespmem:s6+$0x145B0]  }
0x2f9: {  	v29 =	vld [tilespmem:s6+$0x145C0]  }
0x2fa: {  	v30 =	vld [tilespmem:s6+$0x145D0]  }
0x2fb: {  	[tilespmem:s6+$0x45F0] =	vst.add.f32.msk $0xffff, v0  }
0x2fc: {  	v0 =	vld [tilespmem:s6+$0x145E0]  }
0x2fd: {  	[tilespmem:s6+$0x4400] =	vst.add.f32.msk $0xffff, v1  }
0x2fe: {  	[tilespmem:s6+$0x4410] =	vst.add.f32.msk $0xffff, v2  }
0x2ff: {  	[tilespmem:s6+$0x4420] =	vst.add.f32.msk $0xffff, v3  }
0x300: {  	[tilespmem:s6+$0x4430] =	vst.add.f32.msk $0xffff, v4  }
0x301: {  	[tilespmem:s6+$0x4440] =	vst.add.f32.msk $0xffff, v5  }
0x302: {  	[tilespmem:s6+$0x4450] =	vst.add.f32.msk $0xffff, v6  }
0x303: {  	[tilespmem:s6+$0x4460] =	vst.add.f32.msk $0xffff, v7  }
0x304: {  	[tilespmem:s6+$0x4470] =	vst.add.f32.msk $0xffff, v8  }
0x305: {  	[tilespmem:s6+$0x4480] =	vst.add.f32.msk $0xffff, v9  }
0x306: {  	[tilespmem:s6+$0x4490] =	vst.add.f32.msk $0xffff, v10  }
0x307: {  	[tilespmem:s6+$0x44A0] =	vst.add.f32.msk $0xffff, v11  }
0x308: {  	[tilespmem:s6+$0x44B0] =	vst.add.f32.msk $0xffff, v12  }
0x309: {  	[tilespmem:s6+$0x44C0] =	vst.add.f32.msk $0xffff, v13  }
0x30a: {  	[tilespmem:s6+$0x44D0] =	vst.add.f32.msk $0xffff, v14  }
0x30b: {  	[tilespmem:s6+$0x44E0] =	vst.add.f32.msk $0xffff, v15  }
0x30c: {  	[tilespmem:s6+$0x44F0] =	vst.add.f32.msk $0xffff, v16  }
0x30d: {  	[tilespmem:s6+$0x4500] =	vst.add.f32.msk $0xffff, v17  }
0x30e: {  	[tilespmem:s6+$0x4510] =	vst.add.f32.msk $0xffff, v18  }
0x30f: {  	[tilespmem:s6+$0x4520] =	vst.add.f32.msk $0xffff, v19  }
0x310: {  	[tilespmem:s6+$0x4530] =	vst.add.f32.msk $0xffff, v20  }
0x311: {  	[tilespmem:s6+$0x4540] =	vst.add.f32.msk $0xffff, v21  }
0x312: {  	[tilespmem:s6+$0x4550] =	vst.add.f32.msk $0xffff, v22  }
0x313: {  	[tilespmem:s6+$0x4560] =	vst.add.f32.msk $0xffff, v23  }
0x314: {  	[tilespmem:s6+$0x4570] =	vst.add.f32.msk $0xffff, v24  }
0x315: {  	[tilespmem:s6+$0x4580] =	vst.add.f32.msk $0xffff, v25  }
0x316: {  	[tilespmem:s6+$0x4590] =	vst.add.f32.msk $0xffff, v26  }
0x317: {  	[tilespmem:s6+$0x45A0] =	vst.add.f32.msk $0xffff, v27  }
0x318: {  	[tilespmem:s6+$0x45B0] =	vst.add.f32.msk $0xffff, v28  }
0x319: {  	[tilespmem:s6+$0x45C0] =	vst.add.f32.msk $0xffff, v29  }
0x31a: {  	s7 =	simm.s32 $0x0;
	s8 =	simm.s32 $0x800;
	[tilespmem:s6+$0x45D0] =	vst.add.f32.msk $0xffff, v30  }
.LBB2_12:
0x31b: {  	s7 =	sadd.s32 $0x4, s7;
	[tilespmem:s6+$0x45E0] =	vst.add.f32.msk $0xffff, v0;
	s6 =	sshra.s32 s8, $0x2  }
0x31c: {  	v0 =	vld [tilespmem:s6+$0x145F0];
	p0 =	slt.u32 s7, $0x7C  }
0x31d: {  	v1 =	vld [tilespmem:s6+$0x14400]  }
0x31e: {  	v2 =	vld [tilespmem:s6+$0x14410]  }
0x31f: {  	v3 =	vld [tilespmem:s6+$0x14420]  }
0x320: {  	v4 =	vld [tilespmem:s6+$0x14430]  }
0x321: {  	[tilespmem:s6+$0x45F0] =	vst.add.f32.msk $0xffff, v0  }
0x322: {  	v5 =	vld [tilespmem:s6+$0x14440]  }
0x323: {  	v6 =	vld [tilespmem:s6+$0x14450]  }
0x324: {  	v7 =	vld [tilespmem:s6+$0x14460]  }
0x325: {  	v8 =	vld [tilespmem:s6+$0x14470]  }
0x326: {  	v9 =	vld [tilespmem:s6+$0x14480]  }
0x327: {  	v10 =	vld [tilespmem:s6+$0x14490]  }
0x328: {  	v11 =	vld [tilespmem:s6+$0x144A0]  }
0x329: {  	v12 =	vld [tilespmem:s6+$0x144B0]  }
0x32a: {  	v13 =	vld [tilespmem:s6+$0x144C0]  }
0x32b: {  	v14 =	vld [tilespmem:s6+$0x144D0]  }
0x32c: {  	v15 =	vld [tilespmem:s6+$0x144E0]  }
0x32d: {  	v16 =	vld [tilespmem:s6+$0x144F0]  }
0x32e: {  	v17 =	vld [tilespmem:s6+$0x14500]  }
0x32f: {  	v18 =	vld [tilespmem:s6+$0x14510]  }
0x330: {  	v19 =	vld [tilespmem:s6+$0x14520]  }
0x331: {  	v20 =	vld [tilespmem:s6+$0x14530]  }
0x332: {  	v21 =	vld [tilespmem:s6+$0x14540]  }
0x333: {  	v22 =	vld [tilespmem:s6+$0x14550]  }
0x334: {  	v23 =	vld [tilespmem:s6+$0x14560]  }
0x335: {  	v24 =	vld [tilespmem:s6+$0x14570]  }
0x336: {  	v25 =	vld [tilespmem:s6+$0x14580]  }
0x337: {  	v26 =	vld [tilespmem:s6+$0x14590]  }
0x338: {  	v27 =	vld [tilespmem:s6+$0x145A0]  }
0x339: {  	v28 =	vld [tilespmem:s6+$0x145B0]  }
0x33a: {  	v29 =	vld [tilespmem:s6+$0x145C0]  }
0x33b: {  	v30 =	vld [tilespmem:s6+$0x145D0]  }
0x33c: {  	v0 =	vld [tilespmem:s6+$0x145E0]  }
0x33d: {  	[tilespmem:s6+$0x4400] =	vst.add.f32.msk $0xffff, v1  }
0x33e: {  	[tilespmem:s6+$0x4410] =	vst.add.f32.msk $0xffff, v2  }
0x33f: {  	[tilespmem:s6+$0x4420] =	vst.add.f32.msk $0xffff, v3  }
0x340: {  	[tilespmem:s6+$0x4430] =	vst.add.f32.msk $0xffff, v4  }
0x341: {  	[tilespmem:s6+$0x4440] =	vst.add.f32.msk $0xffff, v5  }
0x342: {  	[tilespmem:s6+$0x4450] =	vst.add.f32.msk $0xffff, v6  }
0x343: {  	[tilespmem:s6+$0x4460] =	vst.add.f32.msk $0xffff, v7  }
0x344: {  	[tilespmem:s6+$0x4470] =	vst.add.f32.msk $0xffff, v8  }
0x345: {  	[tilespmem:s6+$0x4480] =	vst.add.f32.msk $0xffff, v9  }
0x346: {  	[tilespmem:s6+$0x4490] =	vst.add.f32.msk $0xffff, v10  }
0x347: {  	[tilespmem:s6+$0x44A0] =	vst.add.f32.msk $0xffff, v11  }
0x348: {  	[tilespmem:s6+$0x44B0] =	vst.add.f32.msk $0xffff, v12  }
0x349: {  	[tilespmem:s6+$0x44C0] =	vst.add.f32.msk $0xffff, v13  }
0x34a: {  	[tilespmem:s6+$0x44D0] =	vst.add.f32.msk $0xffff, v14  }
0x34b: {  	[tilespmem:s6+$0x44E0] =	vst.add.f32.msk $0xffff, v15  }
0x34c: {  	[tilespmem:s6+$0x44F0] =	vst.add.f32.msk $0xffff, v16  }
0x34d: {  	[tilespmem:s6+$0x4500] =	vst.add.f32.msk $0xffff, v17  }
0x34e: {  	[tilespmem:s6+$0x4510] =	vst.add.f32.msk $0xffff, v18  }
0x34f: {  	[tilespmem:s6+$0x4520] =	vst.add.f32.msk $0xffff, v19  }
0x350: {  	[tilespmem:s6+$0x4530] =	vst.add.f32.msk $0xffff, v20  }
0x351: {  	[tilespmem:s6+$0x4540] =	vst.add.f32.msk $0xffff, v21  }
0x352: {  	[tilespmem:s6+$0x4550] =	vst.add.f32.msk $0xffff, v22  }
0x353: {  	[tilespmem:s6+$0x4560] =	vst.add.f32.msk $0xffff, v23  }
0x354: {  	[tilespmem:s6+$0x4570] =	vst.add.f32.msk $0xffff, v24  }
0x355: {  	[tilespmem:s6+$0x4580] =	vst.add.f32.msk $0xffff, v25  }
.Ltmp5:
0x356: {  	[tilespmem:s6+$0x4590] =	vst.add.f32.msk $0xffff, v26;
	(pc) =	sbr.rel @p0 .LBB2_12-.Ltmp5, $4  }
0x357: {  	[tilespmem:s6+$0x45A0] =	vst.add.f32.msk $0xffff, v27  }
0x358: {  	[tilespmem:s6+$0x45B0] =	vst.add.f32.msk $0xffff, v28  }
0x359: {  	[tilespmem:s6+$0x45C0] =	vst.add.f32.msk $0xffff, v29  }
0x35a: {  	s8 =	sadd.s32 $0x800, s8;
	[tilespmem:s6+$0x45D0] =	vst.add.f32.msk $0xffff, v30  }
0x35b: {  	[tilespmem:s6+$0x45E0] =	vst.add.f32.msk $0xffff, v0;
	s8 =	simm.s32 $0x0  }
0x35c: {  	[hbm4b:s14+s8] =	stream.linear.scatter [tilespmem:s25], [sflag:$0x7], $0x4000, $0x38;
	[tilespmem:$0x18400] =	vst v63  }
0x35d: {  	_ =	swait.ge [sflag:s29], $0x4000  }
0x35e: {  	[sflag:s29] =	ssyncset.done $0x0  }
0x35f: {  	s6 =	simm.s32 $0x0;
	[sflag:s29] =	ssyncadd.s32 $0xFFFFC000  }
0x360: {  	v0 =	vld [tilespmem:s6+$0x105F0]  }
0x361: {  	v1 =	vld [tilespmem:s6+$0x10400]  }
0x362: {  	v2 =	vld [tilespmem:s6+$0x10410]  }
0x363: {  	v3 =	vld [tilespmem:s6+$0x10420]  }
0x364: {  	v4 =	vld [tilespmem:s6+$0x10430]  }
0x365: {  	v5 =	vld [tilespmem:s6+$0x10440]  }
0x366: {  	v6 =	vld [tilespmem:s6+$0x10450]  }
0x367: {  	v7 =	vld [tilespmem:s6+$0x10460]  }
0x368: {  	v8 =	vld [tilespmem:s6+$0x10470]  }
0x369: {  	v9 =	vld [tilespmem:s6+$0x10480]  }
0x36a: {  	v10 =	vld [tilespmem:s6+$0x10490]  }
0x36b: {  	v11 =	vld [tilespmem:s6+$0x104A0]  }
0x36c: {  	v12 =	vld [tilespmem:s6+$0x104B0]  }
0x36d: {  	v13 =	vld [tilespmem:s6+$0x104C0]  }
0x36e: {  	v14 =	vld [tilespmem:s6+$0x104D0]  }
0x36f: {  	v15 =	vld [tilespmem:s6+$0x104E0]  }
0x370: {  	v16 =	vld [tilespmem:s6+$0x104F0]  }
0x371: {  	v17 =	vld [tilespmem:s6+$0x10500]  }
0x372: {  	v18 =	vld [tilespmem:s6+$0x10510]  }
0x373: {  	v19 =	vld [tilespmem:s6+$0x10520]  }
0x374: {  	v20 =	vld [tilespmem:s6+$0x10530]  }
0x375: {  	v21 =	vld [tilespmem:s6+$0x10540]  }
0x376: {  	v22 =	vld [tilespmem:s6+$0x10550]  }
0x377: {  	v23 =	vld [tilespmem:s6+$0x10560]  }
0x378: {  	v24 =	vld [tilespmem:s6+$0x10570]  }
0x379: {  	v25 =	vld [tilespmem:s6+$0x10580]  }
0x37a: {  	v26 =	vld [tilespmem:s6+$0x10590]  }
0x37b: {  	v27 =	vld [tilespmem:s6+$0x105A0]  }
0x37c: {  	v28 =	vld [tilespmem:s6+$0x105B0]  }
0x37d: {  	v29 =	vld [tilespmem:s6+$0x105C0]  }
0x37e: {  	v30 =	vld [tilespmem:s6+$0x105D0]  }
0x37f: {  	[tilespmem:s6+$0x85F0] =	vst.add.f32.msk $0xffff, v0  }
0x380: {  	v0 =	vld [tilespmem:s6+$0x105E0]  }
0x381: {  	[tilespmem:s6+$0x8400] =	vst.add.f32.msk $0xffff, v1  }
0x382: {  	[tilespmem:s6+$0x8410] =	vst.add.f32.msk $0xffff, v2  }
0x383: {  	[tilespmem:s6+$0x8420] =	vst.add.f32.msk $0xffff, v3  }
0x384: {  	[tilespmem:s6+$0x8430] =	vst.add.f32.msk $0xffff, v4  }
0x385: {  	[tilespmem:s6+$0x8440] =	vst.add.f32.msk $0xffff, v5  }
0x386: {  	[tilespmem:s6+$0x8450] =	vst.add.f32.msk $0xffff, v6  }
0x387: {  	[tilespmem:s6+$0x8460] =	vst.add.f32.msk $0xffff, v7  }
0x388: {  	[tilespmem:s6+$0x8470] =	vst.add.f32.msk $0xffff, v8  }
0x389: {  	[tilespmem:s6+$0x8480] =	vst.add.f32.msk $0xffff, v9  }
0x38a: {  	[tilespmem:s6+$0x8490] =	vst.add.f32.msk $0xffff, v10  }
0x38b: {  	[tilespmem:s6+$0x84A0] =	vst.add.f32.msk $0xffff, v11  }
0x38c: {  	[tilespmem:s6+$0x84B0] =	vst.add.f32.msk $0xffff, v12  }
0x38d: {  	[tilespmem:s6+$0x84C0] =	vst.add.f32.msk $0xffff, v13  }
0x38e: {  	[tilespmem:s6+$0x84D0] =	vst.add.f32.msk $0xffff, v14  }
0x38f: {  	[tilespmem:s6+$0x84E0] =	vst.add.f32.msk $0xffff, v15  }
0x390: {  	[tilespmem:s6+$0x84F0] =	vst.add.f32.msk $0xffff, v16  }
0x391: {  	[tilespmem:s6+$0x8500] =	vst.add.f32.msk $0xffff, v17  }
0x392: {  	[tilespmem:s6+$0x8510] =	vst.add.f32.msk $0xffff, v18  }
0x393: {  	[tilespmem:s6+$0x8520] =	vst.add.f32.msk $0xffff, v19  }
0x394: {  	[tilespmem:s6+$0x8530] =	vst.add.f32.msk $0xffff, v20  }
0x395: {  	[tilespmem:s6+$0x8540] =	vst.add.f32.msk $0xffff, v21  }
0x396: {  	[tilespmem:s6+$0x8550] =	vst.add.f32.msk $0xffff, v22  }
0x397: {  	[tilespmem:s6+$0x8560] =	vst.add.f32.msk $0xffff, v23  }
0x398: {  	[tilespmem:s6+$0x8570] =	vst.add.f32.msk $0xffff, v24  }
0x399: {  	[tilespmem:s6+$0x8580] =	vst.add.f32.msk $0xffff, v25  }
0x39a: {  	[tilespmem:s6+$0x8590] =	vst.add.f32.msk $0xffff, v26  }
0x39b: {  	[tilespmem:s6+$0x85A0] =	vst.add.f32.msk $0xffff, v27  }
0x39c: {  	[tilespmem:s6+$0x85B0] =	vst.add.f32.msk $0xffff, v28  }
0x39d: {  	[tilespmem:s6+$0x85C0] =	vst.add.f32.msk $0xffff, v29  }
0x39e: {  	s7 =	simm.s32 $0x0;
	s8 =	simm.s32 $0x800;
	[tilespmem:s6+$0x85D0] =	vst.add.f32.msk $0xffff, v30  }
.LBB2_14:
0x39f: {  	s7 =	sadd.s32 $0x4, s7;
	[tilespmem:s6+$0x85E0] =	vst.add.f32.msk $0xffff, v0;
	s6 =	sshra.s32 s8, $0x2  }
0x3a0: {  	v0 =	vld [tilespmem:s6+$0x105F0];
	p0 =	slt.u32 s7, $0x7C  }
0x3a1: {  	v1 =	vld [tilespmem:s6+$0x10400]  }
0x3a2: {  	v2 =	vld [tilespmem:s6+$0x10410]  }
0x3a3: {  	v3 =	vld [tilespmem:s6+$0x10420]  }
0x3a4: {  	v4 =	vld [tilespmem:s6+$0x10430]  }
0x3a5: {  	[tilespmem:s6+$0x85F0] =	vst.add.f32.msk $0xffff, v0  }
0x3a6: {  	v5 =	vld [tilespmem:s6+$0x10440]  }
0x3a7: {  	v6 =	vld [tilespmem:s6+$0x10450]  }
0x3a8: {  	v7 =	vld [tilespmem:s6+$0x10460]  }
0x3a9: {  	v8 =	vld [tilespmem:s6+$0x10470]  }
0x3aa: {  	v9 =	vld [tilespmem:s6+$0x10480]  }
0x3ab: {  	v10 =	vld [tilespmem:s6+$0x10490]  }
0x3ac: {  	v11 =	vld [tilespmem:s6+$0x104A0]  }
0x3ad: {  	v12 =	vld [tilespmem:s6+$0x104B0]  }
0x3ae: {  	v13 =	vld [tilespmem:s6+$0x104C0]  }
0x3af: {  	v14 =	vld [tilespmem:s6+$0x104D0]  }
0x3b0: {  	v15 =	vld [tilespmem:s6+$0x104E0]  }
0x3b1: {  	v16 =	vld [tilespmem:s6+$0x104F0]  }
0x3b2: {  	v17 =	vld [tilespmem:s6+$0x10500]  }
0x3b3: {  	v18 =	vld [tilespmem:s6+$0x10510]  }
0x3b4: {  	v19 =	vld [tilespmem:s6+$0x10520]  }
0x3b5: {  	v20 =	vld [tilespmem:s6+$0x10530]  }
0x3b6: {  	v21 =	vld [tilespmem:s6+$0x10540]  }
0x3b7: {  	v22 =	vld [tilespmem:s6+$0x10550]  }
0x3b8: {  	v23 =	vld [tilespmem:s6+$0x10560]  }
0x3b9: {  	v24 =	vld [tilespmem:s6+$0x10570]  }
0x3ba: {  	v25 =	vld [tilespmem:s6+$0x10580]  }
0x3bb: {  	v26 =	vld [tilespmem:s6+$0x10590]  }
0x3bc: {  	v27 =	vld [tilespmem:s6+$0x105A0]  }
0x3bd: {  	v28 =	vld [tilespmem:s6+$0x105B0]  }
0x3be: {  	v29 =	vld [tilespmem:s6+$0x105C0]  }
0x3bf: {  	v30 =	vld [tilespmem:s6+$0x105D0]  }
0x3c0: {  	v0 =	vld [tilespmem:s6+$0x105E0]  }
0x3c1: {  	[tilespmem:s6+$0x8400] =	vst.add.f32.msk $0xffff, v1  }
0x3c2: {  	[tilespmem:s6+$0x8410] =	vst.add.f32.msk $0xffff, v2  }
0x3c3: {  	[tilespmem:s6+$0x8420] =	vst.add.f32.msk $0xffff, v3  }
0x3c4: {  	[tilespmem:s6+$0x8430] =	vst.add.f32.msk $0xffff, v4  }
0x3c5: {  	[tilespmem:s6+$0x8440] =	vst.add.f32.msk $0xffff, v5  }
0x3c6: {  	[tilespmem:s6+$0x8450] =	vst.add.f32.msk $0xffff, v6  }
0x3c7: {  	[tilespmem:s6+$0x8460] =	vst.add.f32.msk $0xffff, v7  }
0x3c8: {  	[tilespmem:s6+$0x8470] =	vst.add.f32.msk $0xffff, v8  }
0x3c9: {  	[tilespmem:s6+$0x8480] =	vst.add.f32.msk $0xffff, v9  }
0x3ca: {  	[tilespmem:s6+$0x8490] =	vst.add.f32.msk $0xffff, v10  }
0x3cb: {  	[tilespmem:s6+$0x84A0] =	vst.add.f32.msk $0xffff, v11  }
0x3cc: {  	[tilespmem:s6+$0x84B0] =	vst.add.f32.msk $0xffff, v12  }
0x3cd: {  	[tilespmem:s6+$0x84C0] =	vst.add.f32.msk $0xffff, v13  }
0x3ce: {  	[tilespmem:s6+$0x84D0] =	vst.add.f32.msk $0xffff, v14  }
0x3cf: {  	[tilespmem:s6+$0x84E0] =	vst.add.f32.msk $0xffff, v15  }
0x3d0: {  	[tilespmem:s6+$0x84F0] =	vst.add.f32.msk $0xffff, v16  }
0x3d1: {  	[tilespmem:s6+$0x8500] =	vst.add.f32.msk $0xffff, v17  }
0x3d2: {  	[tilespmem:s6+$0x8510] =	vst.add.f32.msk $0xffff, v18  }
0x3d3: {  	[tilespmem:s6+$0x8520] =	vst.add.f32.msk $0xffff, v19  }
0x3d4: {  	[tilespmem:s6+$0x8530] =	vst.add.f32.msk $0xffff, v20  }
0x3d5: {  	[tilespmem:s6+$0x8540] =	vst.add.f32.msk $0xffff, v21  }
0x3d6: {  	[tilespmem:s6+$0x8550] =	vst.add.f32.msk $0xffff, v22  }
0x3d7: {  	[tilespmem:s6+$0x8560] =	vst.add.f32.msk $0xffff, v23  }
0x3d8: {  	[tilespmem:s6+$0x8570] =	vst.add.f32.msk $0xffff, v24  }
0x3d9: {  	[tilespmem:s6+$0x8580] =	vst.add.f32.msk $0xffff, v25  }
.Ltmp6:
0x3da: {  	[tilespmem:s6+$0x8590] =	vst.add.f32.msk $0xffff, v26;
	(pc) =	sbr.rel @p0 .LBB2_14-.Ltmp6, $4  }
0x3db: {  	[tilespmem:s6+$0x85A0] =	vst.add.f32.msk $0xffff, v27  }
0x3dc: {  	[tilespmem:s6+$0x85B0] =	vst.add.f32.msk $0xffff, v28  }
0x3dd: {  	[tilespmem:s6+$0x85C0] =	vst.add.f32.msk $0xffff, v29  }
0x3de: {  	s8 =	sadd.s32 $0x800, s8;
	[tilespmem:s6+$0x85D0] =	vst.add.f32.msk $0xffff, v30  }
0x3df: {  	[tilespmem:s6+$0x85E0] =	vst.add.f32.msk $0xffff, v0;
	s8 =	simm.s32 $0x0  }
0x3e0: {  	[hbm4b:s15+s8] =	stream.linear.scatter [tilespmem:s28], [sflag:$0x8], $0x4000, $0x38;
	[tilespmem:$0x18400] =	vst v63  }
0x3e1: {  	_ =	swait.ge [sflag:s29], $0x4000  }
0x3e2: {  	[sflag:s29] =	ssyncset.done $0x0  }
0x3e3: {  	s6 =	simm.s32 $0x0;
	[sflag:s29] =	ssyncadd.s32 $0xFFFFC000  }
0x3e4: {  	v0 =	vld [tilespmem:s6+$0x145F0]  }
0x3e5: {  	v1 =	vld [tilespmem:s6+$0x14400]  }
0x3e6: {  	v2 =	vld [tilespmem:s6+$0x14410]  }
0x3e7: {  	v3 =	vld [tilespmem:s6+$0x14420]  }
0x3e8: {  	v4 =	vld [tilespmem:s6+$0x14430]  }
0x3e9: {  	v5 =	vld [tilespmem:s6+$0x14440]  }
0x3ea: {  	v6 =	vld [tilespmem:s6+$0x14450]  }
0x3eb: {  	v7 =	vld [tilespmem:s6+$0x14460]  }
0x3ec: {  	v8 =	vld [tilespmem:s6+$0x14470]  }
0x3ed: {  	v9 =	vld [tilespmem:s6+$0x14480]  }
0x3ee: {  	v10 =	vld [tilespmem:s6+$0x14490]  }
0x3ef: {  	v11 =	vld [tilespmem:s6+$0x144A0]  }
0x3f0: {  	v12 =	vld [tilespmem:s6+$0x144B0]  }
0x3f1: {  	v13 =	vld [tilespmem:s6+$0x144C0]  }
0x3f2: {  	v14 =	vld [tilespmem:s6+$0x144D0]  }
0x3f3: {  	v15 =	vld [tilespmem:s6+$0x144E0]  }
0x3f4: {  	v16 =	vld [tilespmem:s6+$0x144F0]  }
0x3f5: {  	v17 =	vld [tilespmem:s6+$0x14500]  }
0x3f6: {  	v18 =	vld [tilespmem:s6+$0x14510]  }
0x3f7: {  	v19 =	vld [tilespmem:s6+$0x14520]  }
0x3f8: {  	v20 =	vld [tilespmem:s6+$0x14530]  }
0x3f9: {  	v21 =	vld [tilespmem:s6+$0x14540]  }
0x3fa: {  	v22 =	vld [tilespmem:s6+$0x14550]  }
0x3fb: {  	v23 =	vld [tilespmem:s6+$0x14560]  }
0x3fc: {  	v24 =	vld [tilespmem:s6+$0x14570]  }
0x3fd: {  	v25 =	vld [tilespmem:s6+$0x14580]  }
0x3fe: {  	v26 =	vld [tilespmem:s6+$0x14590]  }
0x3ff: {  	v27 =	vld [tilespmem:s6+$0x145A0]  }
0x400: {  	v28 =	vld [tilespmem:s6+$0x145B0]  }
0x401: {  	v29 =	vld [tilespmem:s6+$0x145C0]  }
0x402: {  	v30 =	vld [tilespmem:s6+$0x145D0]  }
0x403: {  	[tilespmem:s6+$0xC5F0] =	vst.add.f32.msk $0xffff, v0  }
0x404: {  	v0 =	vld [tilespmem:s6+$0x145E0]  }
0x405: {  	[tilespmem:s6+$0xC400] =	vst.add.f32.msk $0xffff, v1  }
0x406: {  	[tilespmem:s6+$0xC410] =	vst.add.f32.msk $0xffff, v2  }
0x407: {  	[tilespmem:s6+$0xC420] =	vst.add.f32.msk $0xffff, v3  }
0x408: {  	[tilespmem:s6+$0xC430] =	vst.add.f32.msk $0xffff, v4  }
0x409: {  	[tilespmem:s6+$0xC440] =	vst.add.f32.msk $0xffff, v5  }
0x40a: {  	[tilespmem:s6+$0xC450] =	vst.add.f32.msk $0xffff, v6  }
0x40b: {  	[tilespmem:s6+$0xC460] =	vst.add.f32.msk $0xffff, v7  }
0x40c: {  	[tilespmem:s6+$0xC470] =	vst.add.f32.msk $0xffff, v8  }
0x40d: {  	[tilespmem:s6+$0xC480] =	vst.add.f32.msk $0xffff, v9  }
0x40e: {  	[tilespmem:s6+$0xC490] =	vst.add.f32.msk $0xffff, v10  }
0x40f: {  	[tilespmem:s6+$0xC4A0] =	vst.add.f32.msk $0xffff, v11  }
0x410: {  	[tilespmem:s6+$0xC4B0] =	vst.add.f32.msk $0xffff, v12  }
0x411: {  	[tilespmem:s6+$0xC4C0] =	vst.add.f32.msk $0xffff, v13  }
0x412: {  	[tilespmem:s6+$0xC4D0] =	vst.add.f32.msk $0xffff, v14  }
0x413: {  	[tilespmem:s6+$0xC4E0] =	vst.add.f32.msk $0xffff, v15  }
0x414: {  	[tilespmem:s6+$0xC4F0] =	vst.add.f32.msk $0xffff, v16  }
0x415: {  	[tilespmem:s6+$0xC500] =	vst.add.f32.msk $0xffff, v17  }
0x416: {  	[tilespmem:s6+$0xC510] =	vst.add.f32.msk $0xffff, v18  }
0x417: {  	[tilespmem:s6+$0xC520] =	vst.add.f32.msk $0xffff, v19  }
0x418: {  	[tilespmem:s6+$0xC530] =	vst.add.f32.msk $0xffff, v20  }
0x419: {  	[tilespmem:s6+$0xC540] =	vst.add.f32.msk $0xffff, v21  }
0x41a: {  	[tilespmem:s6+$0xC550] =	vst.add.f32.msk $0xffff, v22  }
0x41b: {  	[tilespmem:s6+$0xC560] =	vst.add.f32.msk $0xffff, v23  }
0x41c: {  	[tilespmem:s6+$0xC570] =	vst.add.f32.msk $0xffff, v24  }
0x41d: {  	[tilespmem:s6+$0xC580] =	vst.add.f32.msk $0xffff, v25  }
0x41e: {  	[tilespmem:s6+$0xC590] =	vst.add.f32.msk $0xffff, v26  }
0x41f: {  	[tilespmem:s6+$0xC5A0] =	vst.add.f32.msk $0xffff, v27  }
0x420: {  	[tilespmem:s6+$0xC5B0] =	vst.add.f32.msk $0xffff, v28  }
0x421: {  	[tilespmem:s6+$0xC5C0] =	vst.add.f32.msk $0xffff, v29  }
0x422: {  	s7 =	simm.s32 $0x0;
	s8 =	simm.s32 $0x800;
	[tilespmem:s6+$0xC5D0] =	vst.add.f32.msk $0xffff, v30  }
.LBB2_16:
0x423: {  	s7 =	sadd.s32 $0x4, s7;
	[tilespmem:s6+$0xC5E0] =	vst.add.f32.msk $0xffff, v0;
	s6 =	sshra.s32 s8, $0x2  }
0x424: {  	v0 =	vld [tilespmem:s6+$0x145F0];
	p0 =	slt.u32 s7, $0x7C  }
0x425: {  	v1 =	vld [tilespmem:s6+$0x14400]  }
0x426: {  	v2 =	vld [tilespmem:s6+$0x14410]  }
0x427: {  	v3 =	vld [tilespmem:s6+$0x14420]  }
0x428: {  	v4 =	vld [tilespmem:s6+$0x14430]  }
0x429: {  	[tilespmem:s6+$0xC5F0] =	vst.add.f32.msk $0xffff, v0  }
0x42a: {  	v5 =	vld [tilespmem:s6+$0x14440]  }
0x42b: {  	v6 =	vld [tilespmem:s6+$0x14450]  }
0x42c: {  	v7 =	vld [tilespmem:s6+$0x14460]  }
0x42d: {  	v8 =	vld [tilespmem:s6+$0x14470]  }
0x42e: {  	v9 =	vld [tilespmem:s6+$0x14480]  }
0x42f: {  	v10 =	vld [tilespmem:s6+$0x14490]  }
0x430: {  	v11 =	vld [tilespmem:s6+$0x144A0]  }
0x431: {  	v12 =	vld [tilespmem:s6+$0x144B0]  }
0x432: {  	v13 =	vld [tilespmem:s6+$0x144C0]  }
0x433: {  	v14 =	vld [tilespmem:s6+$0x144D0]  }
0x434: {  	v15 =	vld [tilespmem:s6+$0x144E0]  }
0x435: {  	v16 =	vld [tilespmem:s6+$0x144F0]  }
0x436: {  	v17 =	vld [tilespmem:s6+$0x14500]  }
0x437: {  	v18 =	vld [tilespmem:s6+$0x14510]  }
0x438: {  	v19 =	vld [tilespmem:s6+$0x14520]  }
0x439: {  	v20 =	vld [tilespmem:s6+$0x14530]  }
0x43a: {  	v21 =	vld [tilespmem:s6+$0x14540]  }
0x43b: {  	v22 =	vld [tilespmem:s6+$0x14550]  }
0x43c: {  	v23 =	vld [tilespmem:s6+$0x14560]  }
0x43d: {  	v24 =	vld [tilespmem:s6+$0x14570]  }
0x43e: {  	v25 =	vld [tilespmem:s6+$0x14580]  }
0x43f: {  	v26 =	vld [tilespmem:s6+$0x14590]  }
0x440: {  	v27 =	vld [tilespmem:s6+$0x145A0]  }
0x441: {  	v28 =	vld [tilespmem:s6+$0x145B0]  }
0x442: {  	v29 =	vld [tilespmem:s6+$0x145C0]  }
0x443: {  	v30 =	vld [tilespmem:s6+$0x145D0]  }
0x444: {  	v0 =	vld [tilespmem:s6+$0x145E0]  }
0x445: {  	[tilespmem:s6+$0xC400] =	vst.add.f32.msk $0xffff, v1  }
0x446: {  	[tilespmem:s6+$0xC410] =	vst.add.f32.msk $0xffff, v2  }
0x447: {  	[tilespmem:s6+$0xC420] =	vst.add.f32.msk $0xffff, v3  }
0x448: {  	[tilespmem:s6+$0xC430] =	vst.add.f32.msk $0xffff, v4  }
0x449: {  	[tilespmem:s6+$0xC440] =	vst.add.f32.msk $0xffff, v5  }
0x44a: {  	[tilespmem:s6+$0xC450] =	vst.add.f32.msk $0xffff, v6  }
0x44b: {  	[tilespmem:s6+$0xC460] =	vst.add.f32.msk $0xffff, v7  }
0x44c: {  	[tilespmem:s6+$0xC470] =	vst.add.f32.msk $0xffff, v8  }
0x44d: {  	[tilespmem:s6+$0xC480] =	vst.add.f32.msk $0xffff, v9  }
0x44e: {  	[tilespmem:s6+$0xC490] =	vst.add.f32.msk $0xffff, v10  }
0x44f: {  	[tilespmem:s6+$0xC4A0] =	vst.add.f32.msk $0xffff, v11  }
0x450: {  	[tilespmem:s6+$0xC4B0] =	vst.add.f32.msk $0xffff, v12  }
0x451: {  	[tilespmem:s6+$0xC4C0] =	vst.add.f32.msk $0xffff, v13  }
0x452: {  	[tilespmem:s6+$0xC4D0] =	vst.add.f32.msk $0xffff, v14  }
0x453: {  	[tilespmem:s6+$0xC4E0] =	vst.add.f32.msk $0xffff, v15  }
0x454: {  	[tilespmem:s6+$0xC4F0] =	vst.add.f32.msk $0xffff, v16  }
0x455: {  	[tilespmem:s6+$0xC500] =	vst.add.f32.msk $0xffff, v17  }
0x456: {  	[tilespmem:s6+$0xC510] =	vst.add.f32.msk $0xffff, v18  }
0x457: {  	[tilespmem:s6+$0xC520] =	vst.add.f32.msk $0xffff, v19  }
0x458: {  	[tilespmem:s6+$0xC530] =	vst.add.f32.msk $0xffff, v20  }
0x459: {  	[tilespmem:s6+$0xC540] =	vst.add.f32.msk $0xffff, v21  }
0x45a: {  	[tilespmem:s6+$0xC550] =	vst.add.f32.msk $0xffff, v22  }
0x45b: {  	[tilespmem:s6+$0xC560] =	vst.add.f32.msk $0xffff, v23  }
0x45c: {  	[tilespmem:s6+$0xC570] =	vst.add.f32.msk $0xffff, v24  }
0x45d: {  	[tilespmem:s6+$0xC580] =	vst.add.f32.msk $0xffff, v25  }
.Ltmp7:
0x45e: {  	[tilespmem:s6+$0xC590] =	vst.add.f32.msk $0xffff, v26;
	(pc) =	sbr.rel @p0 .LBB2_16-.Ltmp7, $4  }
0x45f: {  	[tilespmem:s6+$0xC5A0] =	vst.add.f32.msk $0xffff, v27  }
0x460: {  	[tilespmem:s6+$0xC5B0] =	vst.add.f32.msk $0xffff, v28  }
0x461: {  	[tilespmem:s6+$0xC5C0] =	vst.add.f32.msk $0xffff, v29  }
0x462: {  	s8 =	sadd.s32 $0x800, s8;
	[tilespmem:s6+$0xC5D0] =	vst.add.f32.msk $0xffff, v30  }
0x463: {  	[tilespmem:s6+$0xC5E0] =	vst.add.f32.msk $0xffff, v0  }
0x464: {  	[hbm4b:s16+s3] =	stream.linear.scatter [tilespmem:s30], [sflag:$0x8], $0x4000, $0x38;
	[tilespmem:$0x18400] =	vst v63  }
0x465: {  	_ =	swait.ge [sflag:s22], $0x4000  }
0x466: {  	[sflag:s22] =	ssyncset.done $0x0  }
0x467: {  	[sflag:s22] =	ssyncadd.s32 $0xFFFFC000  }
0x468: {  	_ =	swait.ge [sflag:s22], $0x4000  }
0x469: {  	[sflag:s22] =	ssyncset.done $0x0  }
0x46a: {  	s5 =	sadd.s32 $0x1, s5;
	[sflag:s22] =	ssyncadd.s32 $0xFFFFC000  }
0x46b: {  	p0 =	sne.s32 s5, s17;
	_ =	swait.ge [sflag:s21], $0x4000  }
.Ltmp8:
0x46c: {  	[sflag:s21] =	ssyncset.done $0x0;
	(pc) =	sbr.rel @p0 .LBB2_1-.Ltmp8, $4  }
0x46d: {  	[sflag:s21] =	ssyncadd.s32 $0xFFFFC000  }
0x46e: {  	_ =	swait.ge [sflag:s21], $0x4000  }
0x46f: {  	[sflag:s21] =	ssyncset.done $0x0  }
0x470: {  	[sflag:s21] =	ssyncadd.s32 $0xFFFFC000  }
0x471: {  	_ =	sfence.sel $0x180000  }
0x472: {  	[bflag:$0x0] =	sbarrier.arrive $0xFFFF  }
0x473: {  	_ =	strace $0x90000047  }
0x474: {  	s0 =	stileid.u32;
	[bflag:$0x2] =	sbarrier.arrive $0xFFFF  }
0x475: {  	p0 =	sne.s32 s0, $0x0;
	s0 =	rddreg [dreg:$0x4]  }
0x476: {  	s0 =	sadd.s32 @!p0 $0x100000, s0  }
0x477: {  	[sflag:s0] =	ssyncadd.tile.s32 @!p0 $0x1;
	_ =	shalt  }
.Lfunc_end2:
_tile_overlayer_lowered:
.L_overlay_start_2:
0x478: {  	(tag) =	ssettag $0x2  }
0x479: {  	s0 =	rddreg [dreg:$0x0];
	s2 =	stileid.u32  }
0x47a: {  	s1 =	rddreg [dreg:$0x1];
	p0 =	sne.s32 s2, $0x0  }
0x47b: {  	s3 =	rddreg [dreg:$0x2];
	[bflag:$0x3] =	sbarrier.arrive $0xFFFF;
	s2 =	simm.s32 @!p0 $0x1C0A  }
0x47c: {  	[timem:s3], [sflag:s2] =	dma.local @!p0 [hbm:s0], s1  }
0x47d: {  	s0 =	simm.s32 @!p0 $0xA  }
0x47e: {  	_ =	swait.ge @!p0 [sflag:s0], s1  }
0x47f: {  	s1 =	ssub.s32 @!p0 $0x0, s1;
	[sflag:s0] =	ssyncset.done @!p0 $0x0  }
0x480: {  	[sflag:s0] =	ssyncadd.s32 @!p0 s1  }
0x481: {  	[bflag:$0x3] =	sbarrier.arrive $0xFFFF  }
0x482: {  	_ =	shalt  }

</sc_bundles>
